<compile_context>
chip_gen: v7x
topology: tpu7x:2x2x1
jax: 0.10.2.dev20260603
libtpu: 0.0.44.dev20260713+nightly
codegen_flags: <defaults>
</compile_context>

<pallas_src>
import functools

import jax
import jax.numpy as jnp
from jax import lax
from jax.experimental import pallas as pl
from jax.experimental.pallas import tpu as pltpu
from jax.experimental.pallas import tpu_sc as plsc

_B, _D, _K, _V = 4096, 128, 200, 100000
_EPS = 1e-5
_NW = 32
_BPW = _B // _NW
_R = 208
_KB = 13


def _rsqrt_nr(y):
    i = lax.bitcast_convert_type(y, jnp.int32)
    i = jnp.int32(0x5F3759DF) - lax.shift_right_logical(i, 1)
    r = lax.bitcast_convert_type(i, jnp.float32)
    for _ in range(3):
        r = r * (1.5 - 0.5 * y * r * r)
    return r


def _term(t):
    y = t * (t + 2.0)
    return (1.0 + t) - y * _rsqrt_nr(y)


@functools.partial(
    pl.kernel,
    out_type=(
        jax.ShapeDtypeStruct((_B,), jnp.float32),
        jax.ShapeDtypeStruct((_NW, 16), jnp.float32),
    ),
    mesh=plsc.VectorSubcoreMesh(core_axis_name="c", subcore_axis_name="s"),
    scratch_types=[
        pltpu.VMEM((_BPW, 2, 104), jnp.int32),
        pltpu.VMEM((_R, _D), jnp.float32),
        pltpu.VMEM((_R, _D), jnp.float32),
        pltpu.VMEM((_BPW,), jnp.float32),
        pltpu.VMEM((16,), jnp.float32),
        pltpu.SemaphoreType.DMA,
        pltpu.SemaphoreType.DMA,
    ],
    compiler_params=pltpu.CompilerParams(needs_layout_passes=False),
)
def _sc_kernel(w_hbm, idx_hbm, numer_hbm, part_hbm, idx_v, rows_a, rows_b,
               numer_v, pacc_v, sem_a, sem_b):
    wid = lax.axis_index("s") * 2 + lax.axis_index("c")
    base = wid * _BPW
    pltpu.sync_copy(idx_hbm.at[pl.ds(base, _BPW)], idx_v)

    iota = lax.iota(jnp.int32, 16)
    lane0 = iota == 0
    mask_last = iota < 8
    kvecs = [iota + (kb * 16) for kb in range(_KB)]
    zero = jnp.zeros((16,), jnp.float32)

    def issue_b(b, rows_v, sem):
        for j in range(2):
            pltpu.make_async_copy(
                w_hbm.at[idx_v.at[b, j]],
                rows_v.at[pl.ds(j * 104, 104)],
                sem,
            ).start()

    def drain_b(rows_v, sem):
        for j in range(2):
            pltpu.make_async_copy(
                w_hbm.at[idx_v.at[0, j]],
                rows_v.at[pl.ds(j * 104, 104)],
                sem,
            ).wait()

    def compute_b(b, rows_v, denom_acc):
        row_u = jnp.full((16,), 201, jnp.int32)
        row_v = jnp.full((16,), 200, jnp.int32)

        sq_uv = zero
        un = zero
        vn = zero
        for c in range(8):
            dv = iota + (c * 16)
            uc = plsc.load_gather(rows_v, [row_u, dv])
            vc = plsc.load_gather(rows_v, [row_v, dv])
            duv = uc - vc
            sq_uv = sq_uv + duv * duv
            un = un + uc * uc
            vn = vn + vc * vc
        sq_uv_s = jnp.sum(sq_uv)
        un_s = jnp.sum(un)
        vn_s = jnp.sum(vn)

        un_vsp = jnp.full((16,), un_s)
        alpha_v = 1.0 - un_vsp

        den_uv = alpha_v * (1.0 - jnp.full((16,), vn_s)) + _EPS
        t_uv = jnp.maximum(2.0 * jnp.full((16,), sq_uv_s) / den_uv, _EPS)
        num_v = _term(t_uv)
        plsc.store_scatter(numer_v, [jnp.full((16,), b, jnp.int32)], num_v,
                           mask=lane0)

        def dbody(d, carry):
            dots, nrms = carry
            dsp = jnp.full((16,), d, jnp.int32)
            ub = plsc.load_gather(rows_v, [row_u, dsp])
            new_dots = []
            new_nrms = []
            for kb in range(_KB):
                nv = plsc.load_gather(rows_v, [kvecs[kb], dsp])
                new_dots.append(dots[kb] + ub * nv)
                new_nrms.append(nrms[kb] + nv * nv)
            return tuple(new_dots), tuple(new_nrms)

        dots, nrms = lax.fori_loop(
            0, _D, dbody, (tuple([zero] * _KB), tuple([zero] * _KB)))

        for kb in range(_KB):
            sqd = un_vsp + nrms[kb] - 2.0 * dots[kb]
            den = alpha_v * (1.0 - nrms[kb]) + _EPS
            t = jnp.maximum(2.0 * sqd / den, _EPS)
            term = _term(t)
            if kb == _KB - 1:
                term = jnp.where(mask_last, term, 0.0)
            denom_acc = denom_acc + term
        return denom_acc

    issue_b(0, rows_a, sem_a)
    issue_b(1, rows_b, sem_b)

    def bbody(i, denom_acc):
        b0 = 2 * i
        drain_b(rows_a, sem_a)
        denom_acc = compute_b(b0, rows_a, denom_acc)

        @pl.when(b0 + 2 < _BPW)
        def _():
            issue_b(b0 + 2, rows_a, sem_a)

        drain_b(rows_b, sem_b)
        denom_acc = compute_b(b0 + 1, rows_b, denom_acc)

        @pl.when(b0 + 3 < _BPW)
        def _():
            issue_b(b0 + 3, rows_b, sem_b)

        return denom_acc

    denom_acc = lax.fori_loop(0, _BPW // 2, bbody, zero)

    pacc_v[...] = denom_acc
    pltpu.sync_copy(numer_v, numer_hbm.at[pl.ds(base, _BPW)])
    pltpu.sync_copy(pacc_v, part_hbm.at[wid])


def kernel(weight, u, v, negatives):
    u32 = u.astype(jnp.int32)
    v32 = v.astype(jnp.int32)
    neg32 = negatives.astype(jnp.int32)
    idx = jnp.concatenate(
        [neg32, v32[:, None], u32[:, None],
         jnp.broadcast_to(u32[:, None], (_B, 6))], axis=1)
    idx = idx.reshape(_B, 2, 104)
    numer, parts = _sc_kernel(weight, idx)
    return numer / jnp.sum(parts)

# --- scband reference (transcript-rebuilt; emitter-appended) ---
"""Pipeline reference for scband-model-34187939676638 (READ-ONLY COPY).

The authoritative reference and input builder live on the scoring server;
editing this copy changes nothing except your own understanding.
"""

import jax, jax.numpy as jnp
import numpy as np

VOCAB = 100000
DIM = 128
BATCH = 4096
NEG = 200
EPS = 1e-5

def hyperbolic_distance(u, v):
    # Poincare ball distance: arcosh(1 + 2||u-v||^2 / ((1-||u||^2)(1-||v||^2)))
    sq_dist = jnp.sum((u - v) ** 2, axis=-1)
    u_norm = jnp.sum(u ** 2, axis=-1)
    v_norm = jnp.sum(v ** 2, axis=-1)
    x = 1.0 + 2.0 * sq_dist / ((1.0 - u_norm) * (1.0 - v_norm) + EPS)
    x = jnp.maximum(x, 1.0 + EPS)
    return jnp.arccosh(x)

def setup_inputs(seed: int = 0) -> dict:
    key = jax.random.key(seed)
    k1, k2, k3, k4 = jax.random.split(key, 4)
    u = jax.random.randint(k1, (BATCH,), 0, VOCAB, dtype=jnp.int64) if jax.config.jax_enable_x64 else jax.random.randint(k1, (BATCH,), 0, VOCAB, dtype=jnp.int32)
    v = jax.random.randint(k2, (BATCH,), 0, VOCAB, dtype=u.dtype)
    negatives = jax.random.randint(k3, (BATCH, NEG), 0, VOCAB, dtype=u.dtype)
    # nn.Embedding weight, initialized uniform_(-0.001, 0.001) per the module
    weight = jax.random.uniform(k4, (VOCAB, DIM), dtype=jnp.float32, minval=-0.001, maxval=0.001)
    return {"weight": weight, "u": u, "v": v, "negatives": negatives}

def reference(weight, u, v, negatives):
    u_emb = jnp.take(weight, u, axis=0)            # [B, D]
    v_emb = jnp.take(weight, v, axis=0)            # [B, D]
    neg_emb = jnp.take(weight, negatives, axis=0)  # [B, K, D]
    numer = jnp.exp(-1.0 * hyperbolic_distance(u_emb, v_emb))              # [B]
    denom = jnp.exp(-1.0 * hyperbolic_distance(u_emb[:, None, :], neg_emb))  # [B, K]
    denom = jnp.sum(denom)  # torch.sum over all elements -> scalar
    res = numer / denom
    return res

if __name__ == "__main__":
    import jax
    _d = setup_inputs()
    print(jax.jit(kernel)(*tuple(_d.values())))

</pallas_src>

<mosaic_0001>
#map = affine_map<(d0, d1) -> (0, 0)>
#map1 = affine_map<(d0, d1) -> (0, 0, 0)>
#map2 = affine_map<(d0, d1) -> (0)>
module attributes {stable_mosaic.version = 14 : i64} {
  func.func @_sc_kernel(%arg0: i32, %arg1: i32, %arg2: memref<100000x128xf32, #tpu.memory_space<hbm>>, %arg3: memref<4096x2x104xi32, #tpu.memory_space<hbm>>, %arg4: memref<4096xf32, #tpu.memory_space<hbm>>, %arg5: memref<32x16xf32, #tpu.memory_space<hbm>>, %arg6: memref<128x2x104xi32, #tpu.memory_space<vmem>>, %arg7: memref<208x128xf32, #tpu.memory_space<vmem>>, %arg8: memref<208x128xf32, #tpu.memory_space<vmem>>, %arg9: memref<128xf32, #tpu.memory_space<vmem>>, %arg10: memref<16xf32, #tpu.memory_space<vmem>>, %arg11: memref<!tpu.dma_semaphore, #tpu.memory_space<semaphore_mem>>, %arg12: memref<!tpu.dma_semaphore, #tpu.memory_space<semaphore_mem>>) attributes {dimension_semantics = [#tpu.dimension_semantics<core_parallel>, #tpu.dimension_semantics<subcore_parallel>], iteration_bounds = array<i64: 2, 16>, scalar_prefetch = 0 : i64, scratch_operands = 7 : i64, tpu.core_type = #tpu.core_type<sc_vector_subcore>, window_params = [{transform_indices = #map}, {transform_indices = #map1}, {transform_indices = #map2}, {transform_indices = #map}]} {
    %mul3A = arith.constant 2 : i32
    %mul3A_0 = arith.muli %arg1, %mul3A : i32
    %add3A = arith.addi %mul3A_0, %arg0 : i32
    %mul3A_1 = arith.constant 128 : i32
    %mul3A_2 = arith.muli %add3A, %mul3A_1 : i32
    "tpu.region"() ({
      %run_scoped3A = tpu.sem_alloc : memref<!tpu.dma_semaphore, #tpu.memory_space<semaphore_mem>>
      %dma_start3A_96 = arith.constant 0 : i32
      %dma_start3A_97 = arith.constant 0 : i32
      %dma_start3A_98 = tpu.memref_slice %arg3[%mul3A_2, %dma_start3A_96, %dma_start3A_97] : memref<4096x2x104xi32, #tpu.memory_space<hbm>> -> memref<128x2x104xi32, #tpu.memory_space<hbm>>
      %dma_start3A_99 = arith.constant 0 : i32
      %dma_start3A_100 = arith.constant 0 : i32
      %dma_start3A_101 = tpu.memref_slice %arg3[%mul3A_2, %dma_start3A_99, %dma_start3A_100] : memref<4096x2x104xi32, #tpu.memory_space<hbm>> -> memref<128x2x104xi32, #tpu.memory_space<hbm>>
      tpu.enqueue_dma source(%dma_start3A_101 : memref<128x2x104xi32, #tpu.memory_space<hbm>>) target(%arg6 : memref<128x2x104xi32, #tpu.memory_space<vmem>>) target_semaphore(%run_scoped3A : memref<!tpu.dma_semaphore, #tpu.memory_space<semaphore_mem>>)
      %dma_wait3A = arith.constant 0 : i32
      %dma_wait3A_102 = arith.constant 0 : i32
      %dma_wait3A_103 = tpu.memref_slice %arg3[%mul3A_2, %dma_wait3A, %dma_wait3A_102] : memref<4096x2x104xi32, #tpu.memory_space<hbm>> -> memref<128x2x104xi32, #tpu.memory_space<hbm>>
      %dma_wait3A_104 = arith.constant 0 : i32
      %dma_wait3A_105 = arith.constant 0 : i32
      %dma_wait3A_106 = tpu.memref_slice %arg3[%mul3A_2, %dma_wait3A_104, %dma_wait3A_105] : memref<4096x2x104xi32, #tpu.memory_space<hbm>> -> memref<128x2x104xi32, #tpu.memory_space<hbm>>
      tpu.wait_dma2 semaphore(%run_scoped3A : memref<!tpu.dma_semaphore, #tpu.memory_space<semaphore_mem>>) src(%dma_wait3A_106 : memref<128x2x104xi32, #tpu.memory_space<hbm>>) dst(%arg6 : memref<128x2x104xi32, #tpu.memory_space<vmem>>)
      tpu.yield
    }) : () -> ()
    %iota3A = tpu.iota {dimensions = array<i32: 0>} : vector<16xi32>
    %eq3A = arith.constant 0 : i32
    %eq3A_3 = vector.broadcast %eq3A : i32 to vector<16xi32>
    %eq3A_4 = arith.cmpi eq, %iota3A, %eq3A_3 : vector<16xi32>
    %lt3A = arith.constant 8 : i32
    %lt3A_5 = vector.broadcast %lt3A : i32 to vector<16xi32>
    %lt3A_6 = arith.cmpi slt, %iota3A, %lt3A_5 : vector<16xi32>
    %add3A_7 = arith.constant 0 : i32
    %add3A_8 = vector.broadcast %add3A_7 : i32 to vector<16xi32>
    %add3A_9 = arith.addi %iota3A, %add3A_8 : vector<16xi32>
    %add3A_10 = arith.constant 16 : i32
    %add3A_11 = vector.broadcast %add3A_10 : i32 to vector<16xi32>
    %add3A_12 = arith.addi %iota3A, %add3A_11 : vector<16xi32>
    %add3A_13 = arith.constant 32 : i32
    %add3A_14 = vector.broadcast %add3A_13 : i32 to vector<16xi32>
    %add3A_15 = arith.addi %iota3A, %add3A_14 : vector<16xi32>
    %add3A_16 = arith.constant 48 : i32
    %add3A_17 = vector.broadcast %add3A_16 : i32 to vector<16xi32>
    %add3A_18 = arith.addi %iota3A, %add3A_17 : vector<16xi32>
    %add3A_19 = arith.constant 64 : i32
    %add3A_20 = vector.broadcast %add3A_19 : i32 to vector<16xi32>
    %add3A_21 = arith.addi %iota3A, %add3A_20 : vector<16xi32>
    %add3A_22 = arith.constant 80 : i32
    %add3A_23 = vector.broadcast %add3A_22 : i32 to vector<16xi32>
    %add3A_24 = arith.addi %iota3A, %add3A_23 : vector<16xi32>
    %add3A_25 = arith.constant 96 : i32
    %add3A_26 = vector.broadcast %add3A_25 : i32 to vector<16xi32>
    %add3A_27 = arith.addi %iota3A, %add3A_26 : vector<16xi32>
    %add3A_28 = arith.constant 112 : i32
    %add3A_29 = vector.broadcast %add3A_28 : i32 to vector<16xi32>
    %add3A_30 = arith.addi %iota3A, %add3A_29 : vector<16xi32>
    %add3A_31 = arith.constant 128 : i32
    %add3A_32 = vector.broadcast %add3A_31 : i32 to vector<16xi32>
    %add3A_33 = arith.addi %iota3A, %add3A_32 : vector<16xi32>
    %add3A_34 = arith.constant 144 : i32
    %add3A_35 = vector.broadcast %add3A_34 : i32 to vector<16xi32>
    %add3A_36 = arith.addi %iota3A, %add3A_35 : vector<16xi32>
    %add3A_37 = arith.constant 160 : i32
    %add3A_38 = vector.broadcast %add3A_37 : i32 to vector<16xi32>
    %add3A_39 = arith.addi %iota3A, %add3A_38 : vector<16xi32>
    %add3A_40 = arith.constant 176 : i32
    %add3A_41 = vector.broadcast %add3A_40 : i32 to vector<16xi32>
    %add3A_42 = arith.addi %iota3A, %add3A_41 : vector<16xi32>
    %add3A_43 = arith.constant 192 : i32
    %add3A_44 = vector.broadcast %add3A_43 : i32 to vector<16xi32>
    %add3A_45 = arith.addi %iota3A, %add3A_44 : vector<16xi32>
    %broadcast_in_dim3A = arith.constant 0.000000e+00 : f32
    %broadcast_in_dim3A_46 = vector.broadcast %broadcast_in_dim3A : f32 to vector<16xf32>
    %dma_start3A = arith.constant 0 : i32
    %dma_start3A_47 = arith.constant 0 : i32
    %dma_start3A_48 = arith.constant 0 : i32
    %dma_start3A_49 = arith.constant 0 : i32
    %dma_start3A_50 = tpu.memref_slice %arg7[%dma_start3A_48, %dma_start3A_49] : memref<208x128xf32, #tpu.memory_space<vmem>> -> memref<104x128xf32, #tpu.memory_space<vmem>>
    %dma_start3A_51 = arith.constant 0 : i32
    %dma_start3A_52 = tpu.memref_slice %arg6[%dma_start3A, %dma_start3A_47, %dma_start3A_51] : memref<128x2x104xi32, #tpu.memory_space<vmem>> -> memref<1x1x104xi32, #tpu.memory_space<vmem>>
    %dma_start3A_53 = tpu.memref_squeeze %dma_start3A_52 : memref<1x1x104xi32, #tpu.memory_space<vmem>> -> memref<104xi32, #tpu.memory_space<vmem>>
    %dma_start3A_54 = arith.constant 0 : i32
    %dma_start3A_55 = arith.constant 0 : i32
    %dma_start3A_56 = tpu.memref_slice %arg2[%dma_start3A_54, %dma_start3A_55] : memref<100000x128xf32, #tpu.memory_space<hbm>> -> memref<100000x128xf32, #tpu.memory_space<hbm>>
    tpu.enqueue_indirect_dma source(%dma_start3A_56 : memref<100000x128xf32, #tpu.memory_space<hbm>>) target(%dma_start3A_50 : memref<104x128xf32, #tpu.memory_space<vmem>>) offsets(%dma_start3A_53 : memref<104xi32, #tpu.memory_space<vmem>>) semaphore(%arg11 : memref<!tpu.dma_semaphore, #tpu.memory_space<semaphore_mem>>)
    %dma_start3A_57 = arith.constant 0 : i32
    %dma_start3A_58 = arith.constant 1 : i32
    %dma_start3A_59 = arith.constant 104 : i32
    %dma_start3A_60 = arith.constant 0 : i32
    %dma_start3A_61 = tpu.memref_slice %arg7[%dma_start3A_59, %dma_start3A_60] : memref<208x128xf32, #tpu.memory_space<vmem>> -> memref<104x128xf32, #tpu.memory_space<vmem>>
    %dma_start3A_62 = arith.constant 0 : i32
    %dma_start3A_63 = tpu.memref_slice %arg6[%dma_start3A_57, %dma_start3A_58, %dma_start3A_62] : memref<128x2x104xi32, #tpu.memory_space<vmem>> -> memref<1x1x104xi32, #tpu.memory_space<vmem>>
    %dma_start3A_64 = tpu.memref_squeeze %dma_start3A_63 : memref<1x1x104xi32, #tpu.memory_space<vmem>> -> memref<104xi32, #tpu.memory_space<vmem>>
    %dma_start3A_65 = arith.constant 0 : i32
    %dma_start3A_66 = arith.constant 0 : i32
    %dma_start3A_67 = tpu.memref_slice %arg2[%dma_start3A_65, %dma_start3A_66] : memref<100000x128xf32, #tpu.memory_space<hbm>> -> memref<100000x128xf32, #tpu.memory_space<hbm>>
    tpu.enqueue_indirect_dma source(%dma_start3A_67 : memref<100000x128xf32, #tpu.memory_space<hbm>>) target(%dma_start3A_61 : memref<104x128xf32, #tpu.memory_space<vmem>>) offsets(%dma_start3A_64 : memref<104xi32, #tpu.memory_space<vmem>>) semaphore(%arg11 : memref<!tpu.dma_semaphore, #tpu.memory_space<semaphore_mem>>)
    %dma_start3A_68 = arith.constant 1 : i32
    %dma_start3A_69 = arith.constant 0 : i32
    %dma_start3A_70 = arith.constant 0 : i32
    %dma_start3A_71 = arith.constant 0 : i32
    %dma_start3A_72 = tpu.memref_slice %arg8[%dma_start3A_70, %dma_start3A_71] : memref<208x128xf32, #tpu.memory_space<vmem>> -> memref<104x128xf32, #tpu.memory_space<vmem>>
    %dma_start3A_73 = arith.constant 0 : i32
    %dma_start3A_74 = tpu.memref_slice %arg6[%dma_start3A_68, %dma_start3A_69, %dma_start3A_73] : memref<128x2x104xi32, #tpu.memory_space<vmem>> -> memref<1x1x104xi32, #tpu.memory_space<vmem>>
    %dma_start3A_75 = tpu.memref_squeeze %dma_start3A_74 : memref<1x1x104xi32, #tpu.memory_space<vmem>> -> memref<104xi32, #tpu.memory_space<vmem>>
    %dma_start3A_76 = arith.constant 0 : i32
    %dma_start3A_77 = arith.constant 0 : i32
    %dma_start3A_78 = tpu.memref_slice %arg2[%dma_start3A_76, %dma_start3A_77] : memref<100000x128xf32, #tpu.memory_space<hbm>> -> memref<100000x128xf32, #tpu.memory_space<hbm>>
    tpu.enqueue_indirect_dma source(%dma_start3A_78 : memref<100000x128xf32, #tpu.memory_space<hbm>>) target(%dma_start3A_72 : memref<104x128xf32, #tpu.memory_space<vmem>>) offsets(%dma_start3A_75 : memref<104xi32, #tpu.memory_space<vmem>>) semaphore(%arg12 : memref<!tpu.dma_semaphore, #tpu.memory_space<semaphore_mem>>)
    %dma_start3A_79 = arith.constant 1 : i32
    %dma_start3A_80 = arith.constant 1 : i32
    %dma_start3A_81 = arith.constant 104 : i32
    %dma_start3A_82 = arith.constant 0 : i32
    %dma_start3A_83 = tpu.memref_slice %arg8[%dma_start3A_81, %dma_start3A_82] : memref<208x128xf32, #tpu.memory_space<vmem>> -> memref<104x128xf32, #tpu.memory_space<vmem>>
    %dma_start3A_84 = arith.constant 0 : i32
    %dma_start3A_85 = tpu.memref_slice %arg6[%dma_start3A_79, %dma_start3A_80, %dma_start3A_84] : memref<128x2x104xi32, #tpu.memory_space<vmem>> -> memref<1x1x104xi32, #tpu.memory_space<vmem>>
    %dma_start3A_86 = tpu.memref_squeeze %dma_start3A_85 : memref<1x1x104xi32, #tpu.memory_space<vmem>> -> memref<104xi32, #tpu.memory_space<vmem>>
    %dma_start3A_87 = arith.constant 0 : i32
    %dma_start3A_88 = arith.constant 0 : i32
    %dma_start3A_89 = tpu.memref_slice %arg2[%dma_start3A_87, %dma_start3A_88] : memref<100000x128xf32, #tpu.memory_space<hbm>> -> memref<100000x128xf32, #tpu.memory_space<hbm>>
    tpu.enqueue_indirect_dma source(%dma_start3A_89 : memref<100000x128xf32, #tpu.memory_space<hbm>>) target(%dma_start3A_83 : memref<104x128xf32, #tpu.memory_space<vmem>>) offsets(%dma_start3A_86 : memref<104xi32, #tpu.memory_space<vmem>>) semaphore(%arg12 : memref<!tpu.dma_semaphore, #tpu.memory_space<semaphore_mem>>)
    %scan3A = arith.constant 0 : i32
    %scan3A_90 = arith.constant 64 : i32
    %scan3A_91 = arith.addi %scan3A, %scan3A_90 : i32
    %scan3A_92 = arith.constant 1 : i32
    %scan3A_93 = scf.for %scan3A_96 = %scan3A to %scan3A_91 step %scan3A_92 iter_args(%scan3A_97 = %broadcast_in_dim3A_46) -> (vector<16xf32>)  : i32 {
      %mul3A_98 = arith.constant 2 : i32
      %mul3A_99 = arith.muli %mul3A_98, %scan3A_96 : i32
      %dma_wait3A = arith.constant 0 : i32
      %dma_wait3A_100 = arith.constant 0 : i32
      %dma_wait3A_101 = arith.constant 0 : i32
      %dma_wait3A_102 = arith.constant 0 : i32
      %dma_wait3A_103 = tpu.memref_slice %arg7[%dma_wait3A_101, %dma_wait3A_102] : memref<208x128xf32, #tpu.memory_space<vmem>> -> memref<104x128xf32, #tpu.memory_space<vmem>>
      %dma_wait3A_104 = arith.constant 0 : i32
      %dma_wait3A_105 = tpu.memref_slice %arg6[%dma_wait3A, %dma_wait3A_100, %dma_wait3A_104] : memref<128x2x104xi32, #tpu.memory_space<vmem>> -> memref<1x1x104xi32, #tpu.memory_space<vmem>>
      %dma_wait3A_106 = tpu.memref_squeeze %dma_wait3A_105 : memref<1x1x104xi32, #tpu.memory_space<vmem>> -> memref<104xi32, #tpu.memory_space<vmem>>
      %dma_wait3A_107 = arith.constant 0 : i32
      %dma_wait3A_108 = arith.constant 0 : i32
      %dma_wait3A_109 = tpu.memref_slice %arg2[%dma_wait3A_107, %dma_wait3A_108] : memref<100000x128xf32, #tpu.memory_space<hbm>> -> memref<100000x128xf32, #tpu.memory_space<hbm>>
      tpu.wait_indirect_dma semaphore(%arg11 : memref<!tpu.dma_semaphore, #tpu.memory_space<semaphore_mem>>) src(%dma_wait3A_109 : memref<100000x128xf32, #tpu.memory_space<hbm>>) dst(%dma_wait3A_103 : memref<104x128xf32, #tpu.memory_space<vmem>>)
      %dma_wait3A_110 = arith.constant 0 : i32
      %dma_wait3A_111 = arith.constant 1 : i32
      %dma_wait3A_112 = arith.constant 104 : i32
      %dma_wait3A_113 = arith.constant 0 : i32
      %dma_wait3A_114 = tpu.memref_slice %arg7[%dma_wait3A_112, %dma_wait3A_113] : memref<208x128xf32, #tpu.memory_space<vmem>> -> memref<104x128xf32, #tpu.memory_space<vmem>>
      %dma_wait3A_115 = arith.constant 0 : i32
      %dma_wait3A_116 = tpu.memref_slice %arg6[%dma_wait3A_110, %dma_wait3A_111, %dma_wait3A_115] : memref<128x2x104xi32, #tpu.memory_space<vmem>> -> memref<1x1x104xi32, #tpu.memory_space<vmem>>
      %dma_wait3A_117 = tpu.memref_squeeze %dma_wait3A_116 : memref<1x1x104xi32, #tpu.memory_space<vmem>> -> memref<104xi32, #tpu.memory_space<vmem>>
      %dma_wait3A_118 = arith.constant 0 : i32
      %dma_wait3A_119 = arith.constant 0 : i32
      %dma_wait3A_120 = tpu.memref_slice %arg2[%dma_wait3A_118, %dma_wait3A_119] : memref<100000x128xf32, #tpu.memory_space<hbm>> -> memref<100000x128xf32, #tpu.memory_space<hbm>>
      tpu.wait_indirect_dma semaphore(%arg11 : memref<!tpu.dma_semaphore, #tpu.memory_space<semaphore_mem>>) src(%dma_wait3A_120 : memref<100000x128xf32, #tpu.memory_space<hbm>>) dst(%dma_wait3A_114 : memref<104x128xf32, #tpu.memory_space<vmem>>)
      %broadcast_in_dim3A_121 = arith.constant 201 : i32
      %broadcast_in_dim3A_122 = vector.broadcast %broadcast_in_dim3A_121 : i32 to vector<16xi32>
      %broadcast_in_dim3A_123 = arith.constant 200 : i32
      %broadcast_in_dim3A_124 = vector.broadcast %broadcast_in_dim3A_123 : i32 to vector<16xi32>
      %add3A_125 = arith.constant 0 : i32
      %add3A_126 = vector.broadcast %add3A_125 : i32 to vector<16xi32>
      %add3A_127 = arith.addi %iota3A, %add3A_126 : vector<16xi32>
      %gather3A = tpu.vector_load_idx %arg7[%broadcast_in_dim3A_122, %add3A_127] : memref<208x128xf32, #tpu.memory_space<vmem>>[vector<16xi32>, vector<16xi32>], vector<16xf32>,
      %gather3A_128 = tpu.vector_load_idx %arg7[%broadcast_in_dim3A_124, %add3A_127] : memref<208x128xf32, #tpu.memory_space<vmem>>[vector<16xi32>, vector<16xi32>], vector<16xf32>,
      %sub3A = arith.subf %gather3A, %gather3A_128 : vector<16xf32>
      %mul3A_129 = arith.mulf %sub3A, %sub3A : vector<16xf32>
      %add3A_130 = arith.addf %broadcast_in_dim3A_46, %mul3A_129 : vector<16xf32>
      %mul3A_131 = arith.mulf %gather3A, %gather3A : vector<16xf32>
      %add3A_132 = arith.addf %broadcast_in_dim3A_46, %mul3A_131 : vector<16xf32>
      %mul3A_133 = arith.mulf %gather3A_128, %gather3A_128 : vector<16xf32>
      %add3A_134 = arith.addf %broadcast_in_dim3A_46, %mul3A_133 : vector<16xf32>
      %add3A_135 = arith.constant 16 : i32
      %add3A_136 = vector.broadcast %add3A_135 : i32 to vector<16xi32>
      %add3A_137 = arith.addi %iota3A, %add3A_136 : vector<16xi32>
      %gather3A_138 = tpu.vector_load_idx %arg7[%broadcast_in_dim3A_122, %add3A_137] : memref<208x128xf32, #tpu.memory_space<vmem>>[vector<16xi32>, vector<16xi32>], vector<16xf32>,
      %gather3A_139 = tpu.vector_load_idx %arg7[%broadcast_in_dim3A_124, %add3A_137] : memref<208x128xf32, #tpu.memory_space<vmem>>[vector<16xi32>, vector<16xi32>], vector<16xf32>,
      %sub3A_140 = arith.subf %gather3A_138, %gather3A_139 : vector<16xf32>
      %mul3A_141 = arith.mulf %sub3A_140, %sub3A_140 : vector<16xf32>
      %add3A_142 = arith.addf %add3A_130, %mul3A_141 : vector<16xf32>
      %mul3A_143 = arith.mulf %gather3A_138, %gather3A_138 : vector<16xf32>
      %add3A_144 = arith.addf %add3A_132, %mul3A_143 : vector<16xf32>
      %mul3A_145 = arith.mulf %gather3A_139, %gather3A_139 : vector<16xf32>
      %add3A_146 = arith.addf %add3A_134, %mul3A_145 : vector<16xf32>
      %add3A_147 = arith.constant 32 : i32
      %add3A_148 = vector.broadcast %add3A_147 : i32 to vector<16xi32>
      %add3A_149 = arith.addi %iota3A, %add3A_148 : vector<16xi32>
      %gather3A_150 = tpu.vector_load_idx %arg7[%broadcast_in_dim3A_122, %add3A_149] : memref<208x128xf32, #tpu.memory_space<vmem>>[vector<16xi32>, vector<16xi32>], vector<16xf32>,
      %gather3A_151 = tpu.vector_load_idx %arg7[%broadcast_in_dim3A_124, %add3A_149] : memref<208x128xf32, #tpu.memory_space<vmem>>[vector<16xi32>, vector<16xi32>], vector<16xf32>,
      %sub3A_152 = arith.subf %gather3A_150, %gather3A_151 : vector<16xf32>
      %mul3A_153 = arith.mulf %sub3A_152, %sub3A_152 : vector<16xf32>
      %add3A_154 = arith.addf %add3A_142, %mul3A_153 : vector<16xf32>
      %mul3A_155 = arith.mulf %gather3A_150, %gather3A_150 : vector<16xf32>
      %add3A_156 = arith.addf %add3A_144, %mul3A_155 : vector<16xf32>
      %mul3A_157 = arith.mulf %gather3A_151, %gather3A_151 : vector<16xf32>
      %add3A_158 = arith.addf %add3A_146, %mul3A_157 : vector<16xf32>
      %add3A_159 = arith.constant 48 : i32
      %add3A_160 = vector.broadcast %add3A_159 : i32 to vector<16xi32>
      %add3A_161 = arith.addi %iota3A, %add3A_160 : vector<16xi32>
      %gather3A_162 = tpu.vector_load_idx %arg7[%broadcast_in_dim3A_122, %add3A_161] : memref<208x128xf32, #tpu.memory_space<vmem>>[vector<16xi32>, vector<16xi32>], vector<16xf32>,
      %gather3A_163 = tpu.vector_load_idx %arg7[%broadcast_in_dim3A_124, %add3A_161] : memref<208x128xf32, #tpu.memory_space<vmem>>[vector<16xi32>, vector<16xi32>], vector<16xf32>,
      %sub3A_164 = arith.subf %gather3A_162, %gather3A_163 : vector<16xf32>
      %mul3A_165 = arith.mulf %sub3A_164, %sub3A_164 : vector<16xf32>
      %add3A_166 = arith.addf %add3A_154, %mul3A_165 : vector<16xf32>
      %mul3A_167 = arith.mulf %gather3A_162, %gather3A_162 : vector<16xf32>
      %add3A_168 = arith.addf %add3A_156, %mul3A_167 : vector<16xf32>
      %mul3A_169 = arith.mulf %gather3A_163, %gather3A_163 : vector<16xf32>
      %add3A_170 = arith.addf %add3A_158, %mul3A_169 : vector<16xf32>
      %add3A_171 = arith.constant 64 : i32
      %add3A_172 = vector.broadcast %add3A_171 : i32 to vector<16xi32>
      %add3A_173 = arith.addi %iota3A, %add3A_172 : vector<16xi32>
      %gather3A_174 = tpu.vector_load_idx %arg7[%broadcast_in_dim3A_122, %add3A_173] : memref<208x128xf32, #tpu.memory_space<vmem>>[vector<16xi32>, vector<16xi32>], vector<16xf32>,
      %gather3A_175 = tpu.vector_load_idx %arg7[%broadcast_in_dim3A_124, %add3A_173] : memref<208x128xf32, #tpu.memory_space<vmem>>[vector<16xi32>, vector<16xi32>], vector<16xf32>,
      %sub3A_176 = arith.subf %gather3A_174, %gather3A_175 : vector<16xf32>
      %mul3A_177 = arith.mulf %sub3A_176, %sub3A_176 : vector<16xf32>
      %add3A_178 = arith.addf %add3A_166, %mul3A_177 : vector<16xf32>
      %mul3A_179 = arith.mulf %gather3A_174, %gather3A_174 : vector<16xf32>
      %add3A_180 = arith.addf %add3A_168, %mul3A_179 : vector<16xf32>
      %mul3A_181 = arith.mulf %gather3A_175, %gather3A_175 : vector<16xf32>
      %add3A_182 = arith.addf %add3A_170, %mul3A_181 : vector<16xf32>
      %add3A_183 = arith.constant 80 : i32
      %add3A_184 = vector.broadcast %add3A_183 : i32 to vector<16xi32>
      %add3A_185 = arith.addi %iota3A, %add3A_184 : vector<16xi32>
      %gather3A_186 = tpu.vector_load_idx %arg7[%broadcast_in_dim3A_122, %add3A_185] : memref<208x128xf32, #tpu.memory_space<vmem>>[vector<16xi32>, vector<16xi32>], vector<16xf32>,
      %gather3A_187 = tpu.vector_load_idx %arg7[%broadcast_in_dim3A_124, %add3A_185] : memref<208x128xf32, #tpu.memory_space<vmem>>[vector<16xi32>, vector<16xi32>], vector<16xf32>,
      %sub3A_188 = arith.subf %gather3A_186, %gather3A_187 : vector<16xf32>
      %mul3A_189 = arith.mulf %sub3A_188, %sub3A_188 : vector<16xf32>
      %add3A_190 = arith.addf %add3A_178, %mul3A_189 : vector<16xf32>
      %mul3A_191 = arith.mulf %gather3A_186, %gather3A_186 : vector<16xf32>
      %add3A_192 = arith.addf %add3A_180, %mul3A_191 : vector<16xf32>
      %mul3A_193 = arith.mulf %gather3A_187, %gather3A_187 : vector<16xf32>
      %add3A_194 = arith.addf %add3A_182, %mul3A_193 : vector<16xf32>
      %add3A_195 = arith.constant 96 : i32
      %add3A_196 = vector.broadcast %add3A_195 : i32 to vector<16xi32>
      %add3A_197 = arith.addi %iota3A, %add3A_196 : vector<16xi32>
      %gather3A_198 = tpu.vector_load_idx %arg7[%broadcast_in_dim3A_122, %add3A_197] : memref<208x128xf32, #tpu.memory_space<vmem>>[vector<16xi32>, vector<16xi32>], vector<16xf32>,
      %gather3A_199 = tpu.vector_load_idx %arg7[%broadcast_in_dim3A_124, %add3A_197] : memref<208x128xf32, #tpu.memory_space<vmem>>[vector<16xi32>, vector<16xi32>], vector<16xf32>,
      %sub3A_200 = arith.subf %gather3A_198, %gather3A_199 : vector<16xf32>
      %mul3A_201 = arith.mulf %sub3A_200, %sub3A_200 : vector<16xf32>
      %add3A_202 = arith.addf %add3A_190, %mul3A_201 : vector<16xf32>
      %mul3A_203 = arith.mulf %gather3A_198, %gather3A_198 : vector<16xf32>
      %add3A_204 = arith.addf %add3A_192, %mul3A_203 : vector<16xf32>
      %mul3A_205 = arith.mulf %gather3A_199, %gather3A_199 : vector<16xf32>
      %add3A_206 = arith.addf %add3A_194, %mul3A_205 : vector<16xf32>
      %add3A_207 = arith.constant 112 : i32
      %add3A_208 = vector.broadcast %add3A_207 : i32 to vector<16xi32>
      %add3A_209 = arith.addi %iota3A, %add3A_208 : vector<16xi32>
      %gather3A_210 = tpu.vector_load_idx %arg7[%broadcast_in_dim3A_122, %add3A_209] : memref<208x128xf32, #tpu.memory_space<vmem>>[vector<16xi32>, vector<16xi32>], vector<16xf32>,
      %gather3A_211 = tpu.vector_load_idx %arg7[%broadcast_in_dim3A_124, %add3A_209] : memref<208x128xf32, #tpu.memory_space<vmem>>[vector<16xi32>, vector<16xi32>], vector<16xf32>,
      %sub3A_212 = arith.subf %gather3A_210, %gather3A_211 : vector<16xf32>
      %mul3A_213 = arith.mulf %sub3A_212, %sub3A_212 : vector<16xf32>
      %add3A_214 = arith.addf %add3A_202, %mul3A_213 : vector<16xf32>
      %mul3A_215 = arith.mulf %gather3A_210, %gather3A_210 : vector<16xf32>
      %add3A_216 = arith.addf %add3A_204, %mul3A_215 : vector<16xf32>
      %mul3A_217 = arith.mulf %gather3A_211, %gather3A_211 : vector<16xf32>
      %add3A_218 = arith.addf %add3A_206, %mul3A_217 : vector<16xf32>
      %reduce_sum3A = arith.constant true
      %reduce_sum3A_219 = vector.broadcast %reduce_sum3A : i1 to vector<16xi1>
      %reduce_sum3A_220 = tpu.scan <sum>, %add3A_214 masked %reduce_sum3A_219 : vector<16xf32>, vector<16xi1> -> vector<16xf32>
      %reduce_sum3A_221 = vector.extract %reduce_sum3A_220[15] : f32 from vector<16xf32>
      %reduce_sum3A_222 = arith.constant true
      %reduce_sum3A_223 = vector.broadcast %reduce_sum3A_222 : i1 to vector<16xi1>
      %reduce_sum3A_224 = tpu.scan <sum>, %add3A_216 masked %reduce_sum3A_223 : vector<16xf32>, vector<16xi1> -> vector<16xf32>
      %reduce_sum3A_225 = vector.extract %reduce_sum3A_224[15] : f32 from vector<16xf32>
      %reduce_sum3A_226 = arith.constant true
      %reduce_sum3A_227 = vector.broadcast %reduce_sum3A_226 : i1 to vector<16xi1>
      %reduce_sum3A_228 = tpu.scan <sum>, %add3A_218 masked %reduce_sum3A_227 : vector<16xf32>, vector<16xi1> -> vector<16xf32>
      %reduce_sum3A_229 = vector.extract %reduce_sum3A_228[15] : f32 from vector<16xf32>
      %broadcast_in_dim3A_230 = vector.broadcast %reduce_sum3A_225 : f32 to vector<16xf32>
      %sub3A_231 = arith.constant 1.000000e+00 : f32
      %sub3A_232 = vector.broadcast %sub3A_231 : f32 to vector<16xf32>
      %sub3A_233 = arith.subf %sub3A_232, %broadcast_in_dim3A_230 : vector<16xf32>
      %broadcast_in_dim3A_234 = vector.broadcast %reduce_sum3A_229 : f32 to vector<16xf32>
      %sub3A_235 = arith.constant 1.000000e+00 : f32
      %sub3A_236 = vector.broadcast %sub3A_235 : f32 to vector<16xf32>
      %sub3A_237 = arith.subf %sub3A_236, %broadcast_in_dim3A_234 : vector<16xf32>
      %mul3A_238 = arith.mulf %sub3A_233, %sub3A_237 : vector<16xf32>
      %add3A_239 = arith.constant 9.99999974E-6 : f32
      %add3A_240 = vector.broadcast %add3A_239 : f32 to vector<16xf32>
      %add3A_241 = arith.addf %mul3A_238, %add3A_240 : vector<16xf32>
      %broadcast_in_dim3A_242 = vector.broadcast %reduce_sum3A_221 : f32 to vector<16xf32>
      %mul3A_243 = arith.constant 2.000000e+00 : f32
      %mul3A_244 = vector.broadcast %mul3A_243 : f32 to vector<16xf32>
      %mul3A_245 = arith.mulf %mul3A_244, %broadcast_in_dim3A_242 : vector<16xf32>
      %div3A = arith.divf %mul3A_245, %add3A_241 : vector<16xf32>
      %max3A = arith.constant 9.99999974E-6 : f32
      %max3A_246 = vector.broadcast %max3A : f32 to vector<16xf32>
      %max3A_247 = arith.maximumf %div3A, %max3A_246 : vector<16xf32>
      %add3A_248 = arith.constant 2.000000e+00 : f32
      %add3A_249 = vector.broadcast %add3A_248 : f32 to vector<16xf32>
      %add3A_250 = arith.addf %max3A_247, %add3A_249 : vector<16xf32>
      %mul3A_251 = arith.mulf %max3A_247, %add3A_250 : vector<16xf32>
      %add3A_252 = arith.constant 1.000000e+00 : f32
      %add3A_253 = vector.broadcast %add3A_252 : f32 to vector<16xf32>
      %add3A_254 = arith.addf %add3A_253, %max3A_247 : vector<16xf32>
      %bitcast_convert_type3A = tpu.bitcast %mul3A_251 : vector<16xf32> -> vector<16xi32>
      %shift_right_logical3A = arith.constant 1 : i32
      %shift_right_logical3A_255 = vector.broadcast %shift_right_logical3A : i32 to vector<16xi32>
      %shift_right_logical3A_256 = arith.shrui %bitcast_convert_type3A, %shift_right_logical3A_255 : vector<16xi32>
      %sub3A_257 = arith.constant 1597463007 : i32
      %sub3A_258 = vector.broadcast %sub3A_257 : i32 to vector<16xi32>
      %sub3A_259 = arith.subi %sub3A_258, %shift_right_logical3A_256 : vector<16xi32>
      %bitcast_convert_type3A_260 = tpu.bitcast %sub3A_259 : vector<16xi32> -> vector<16xf32>
      %mul3A_261 = arith.constant 5.000000e-01 : f32
      %mul3A_262 = vector.broadcast %mul3A_261 : f32 to vector<16xf32>
      %mul3A_263 = arith.mulf %mul3A_262, %mul3A_251 : vector<16xf32>
      %mul3A_264 = arith.mulf %mul3A_263, %bitcast_convert_type3A_260 : vector<16xf32>
      %mul3A_265 = arith.mulf %mul3A_264, %bitcast_convert_type3A_260 : vector<16xf32>
      %sub3A_266 = arith.constant 1.500000e+00 : f32
      %sub3A_267 = vector.broadcast %sub3A_266 : f32 to vector<16xf32>
      %sub3A_268 = arith.subf %sub3A_267, %mul3A_265 : vector<16xf32>
      %mul3A_269 = arith.mulf %bitcast_convert_type3A_260, %sub3A_268 : vector<16xf32>
      %mul3A_270 = arith.constant 5.000000e-01 : f32
      %mul3A_271 = vector.broadcast %mul3A_270 : f32 to vector<16xf32>
      %mul3A_272 = arith.mulf %mul3A_271, %mul3A_251 : vector<16xf32>
      %mul3A_273 = arith.mulf %mul3A_272, %mul3A_269 : vector<16xf32>
      %mul3A_274 = arith.mulf %mul3A_273, %mul3A_269 : vector<16xf32>
      %sub3A_275 = arith.constant 1.500000e+00 : f32
      %sub3A_276 = vector.broadcast %sub3A_275 : f32 to vector<16xf32>
      %sub3A_277 = arith.subf %sub3A_276, %mul3A_274 : vector<16xf32>
      %mul3A_278 = arith.mulf %mul3A_269, %sub3A_277 : vector<16xf32>
      %mul3A_279 = arith.constant 5.000000e-01 : f32
      %mul3A_280 = vector.broadcast %mul3A_279 : f32 to vector<16xf32>
      %mul3A_281 = arith.mulf %mul3A_280, %mul3A_251 : vector<16xf32>
      %mul3A_282 = arith.mulf %mul3A_281, %mul3A_278 : vector<16xf32>
      %mul3A_283 = arith.mulf %mul3A_282, %mul3A_278 : vector<16xf32>
      %sub3A_284 = arith.constant 1.500000e+00 : f32
      %sub3A_285 = vector.broadcast %sub3A_284 : f32 to vector<16xf32>
      %sub3A_286 = arith.subf %sub3A_285, %mul3A_283 : vector<16xf32>
      %mul3A_287 = arith.mulf %mul3A_278, %sub3A_286 : vector<16xf32>
      %mul3A_288 = arith.mulf %mul3A_251, %mul3A_287 : vector<16xf32>
      %sub3A_289 = arith.subf %add3A_254, %mul3A_288 : vector<16xf32>
      %broadcast_in_dim3A_290 = vector.broadcast %mul3A_99 : i32 to vector<16xi32>
      tpu.vector_store_idx %arg9[%broadcast_in_dim3A_290], %sub3A_289 masked %eq3A_4 : memref<128xf32, #tpu.memory_space<vmem>>[vector<16xi32>], vector<16xf32>, vector<16xi1>
      %scan3A_291 = arith.constant 0 : i32
      %scan3A_292 = arith.constant 128 : i32
      %scan3A_293 = arith.addi %scan3A_291, %scan3A_292 : i32
      %scan3A_294 = arith.constant 1 : i32
      %scan3A_295:26 = scf.for %scan3A_2184 = %scan3A_291 to %scan3A_293 step %scan3A_294 iter_args(%scan3A_2185 = %broadcast_in_dim3A_46, %scan3A_2186 = %broadcast_in_dim3A_46, %scan3A_2187 = %broadcast_in_dim3A_46, %scan3A_2188 = %broadcast_in_dim3A_46, %scan3A_2189 = %broadcast_in_dim3A_46, %scan3A_2190 = %broadcast_in_dim3A_46, %scan3A_2191 = %broadcast_in_dim3A_46, %scan3A_2192 = %broadcast_in_dim3A_46, %scan3A_2193 = %broadcast_in_dim3A_46, %scan3A_2194 = %broadcast_in_dim3A_46, %scan3A_2195 = %broadcast_in_dim3A_46, %scan3A_2196 = %broadcast_in_dim3A_46, %scan3A_2197 = %broadcast_in_dim3A_46, %scan3A_2198 = %broadcast_in_dim3A_46, %scan3A_2199 = %broadcast_in_dim3A_46, %scan3A_2200 = %broadcast_in_dim3A_46, %scan3A_2201 = %broadcast_in_dim3A_46, %scan3A_2202 = %broadcast_in_dim3A_46, %scan3A_2203 = %broadcast_in_dim3A_46, %scan3A_2204 = %broadcast_in_dim3A_46, %scan3A_2205 = %broadcast_in_dim3A_46, %scan3A_2206 = %broadcast_in_dim3A_46, %scan3A_2207 = %broadcast_in_dim3A_46, %scan3A_2208 = %broadcast_in_dim3A_46, %scan3A_2209 = %broadcast_in_dim3A_46, %scan3A_2210 = %broadcast_in_dim3A_46) -> (vector<16xf32>, vector<16xf32>, vector<16xf32>, vector<16xf32>, vector<16xf32>, vector<16xf32>, vector<16xf32>, vector<16xf32>, vector<16xf32>, vector<16xf32>, vector<16xf32>, vector<16xf32>, vector<16xf32>, vector<16xf32>, vector<16xf32>, vector<16xf32>, vector<16xf32>, vector<16xf32>, vector<16xf32>, vector<16xf32>, vector<16xf32>, vector<16xf32>, vector<16xf32>, vector<16xf32>, vector<16xf32>, vector<16xf32>)  : i32 {
        %broadcast_in_dim3A_2211 = vector.broadcast %scan3A_2184 : i32 to vector<16xi32>
        %gather3A_2212 = tpu.vector_load_idx %arg7[%broadcast_in_dim3A_122, %broadcast_in_dim3A_2211] : memref<208x128xf32, #tpu.memory_space<vmem>>[vector<16xi32>, vector<16xi32>], vector<16xf32>,
        %gather3A_2213 = tpu.vector_load_idx %arg7[%add3A_9, %broadcast_in_dim3A_2211] : memref<208x128xf32, #tpu.memory_space<vmem>>[vector<16xi32>, vector<16xi32>], vector<16xf32>,
        %mul3A_2214 = arith.mulf %gather3A_2212, %gather3A_2213 : vector<16xf32>
        %add3A_2215 = arith.addf %scan3A_2185, %mul3A_2214 : vector<16xf32>
        %mul3A_2216 = arith.mulf %gather3A_2213, %gather3A_2213 : vector<16xf32>
        %add3A_2217 = arith.addf %scan3A_2198, %mul3A_2216 : vector<16xf32>
        %gather3A_2218 = tpu.vector_load_idx %arg7[%add3A_12, %broadcast_in_dim3A_2211] : memref<208x128xf32, #tpu.memory_space<vmem>>[vector<16xi32>, vector<16xi32>], vector<16xf32>,
        %mul3A_2219 = arith.mulf %gather3A_2212, %gather3A_2218 : vector<16xf32>
        %add3A_2220 = arith.addf %scan3A_2186, %mul3A_2219 : vector<16xf32>
        %mul3A_2221 = arith.mulf %gather3A_2218, %gather3A_2218 : vector<16xf32>
        %add3A_2222 = arith.addf %scan3A_2199, %mul3A_2221 : vector<16xf32>
        %gather3A_2223 = tpu.vector_load_idx %arg7[%add3A_15, %broadcast_in_dim3A_2211] : memref<208x128xf32, #tpu.memory_space<vmem>>[vector<16xi32>, vector<16xi32>], vector<16xf32>,
        %mul3A_2224 = arith.mulf %gather3A_2212, %gather3A_2223 : vector<16xf32>
        %add3A_2225 = arith.addf %scan3A_2187, %mul3A_2224 : vector<16xf32>
        %mul3A_2226 = arith.mulf %gather3A_2223, %gather3A_2223 : vector<16xf32>
        %add3A_2227 = arith.addf %scan3A_2200, %mul3A_2226 : vector<16xf32>
        %gather3A_2228 = tpu.vector_load_idx %arg7[%add3A_18, %broadcast_in_dim3A_2211] : memref<208x128xf32, #tpu.memory_space<vmem>>[vector<16xi32>, vector<16xi32>], vector<16xf32>,
        %mul3A_2229 = arith.mulf %gather3A_2212, %gather3A_2228 : vector<16xf32>
        %add3A_2230 = arith.addf %scan3A_2188, %mul3A_2229 : vector<16xf32>
        %mul3A_2231 = arith.mulf %gather3A_2228, %gather3A_2228 : vector<16xf32>
        %add3A_2232 = arith.addf %scan3A_2201, %mul3A_2231 : vector<16xf32>
        %gather3A_2233 = tpu.vector_load_idx %arg7[%add3A_21, %broadcast_in_dim3A_2211] : memref<208x128xf32, #tpu.memory_space<vmem>>[vector<16xi32>, vector<16xi32>], vector<16xf32>,
        %mul3A_2234 = arith.mulf %gather3A_2212, %gather3A_2233 : vector<16xf32>
        %add3A_2235 = arith.addf %scan3A_2189, %mul3A_2234 : vector<16xf32>
        %mul3A_2236 = arith.mulf %gather3A_2233, %gather3A_2233 : vector<16xf32>
        %add3A_2237 = arith.addf %scan3A_2202, %mul3A_2236 : vector<16xf32>
        %gather3A_2238 = tpu.vector_load_idx %arg7[%add3A_24, %broadcast_in_dim3A_2211] : memref<208x128xf32, #tpu.memory_space<vmem>>[vector<16xi32>, vector<16xi32>], vector<16xf32>,
        %mul3A_2239 = arith.mulf %gather3A_2212, %gather3A_2238 : vector<16xf32>
        %add3A_2240 = arith.addf %scan3A_2190, %mul3A_2239 : vector<16xf32>
        %mul3A_2241 = arith.mulf %gather3A_2238, %gather3A_2238 : vector<16xf32>
        %add3A_2242 = arith.addf %scan3A_2203, %mul3A_2241 : vector<16xf32>
        %gather3A_2243 = tpu.vector_load_idx %arg7[%add3A_27, %broadcast_in_dim3A_2211] : memref<208x128xf32, #tpu.memory_space<vmem>>[vector<16xi32>, vector<16xi32>], vector<16xf32>,
        %mul3A_2244 = arith.mulf %gather3A_2212, %gather3A_2243 : vector<16xf32>
        %add3A_2245 = arith.addf %scan3A_2191, %mul3A_2244 : vector<16xf32>
        %mul3A_2246 = arith.mulf %gather3A_2243, %gather3A_2243 : vector<16xf32>
        %add3A_2247 = arith.addf %scan3A_2204, %mul3A_2246 : vector<16xf32>
        %gather3A_2248 = tpu.vector_load_idx %arg7[%add3A_30, %broadcast_in_dim3A_2211] : memref<208x128xf32, #tpu.memory_space<vmem>>[vector<16xi32>, vector<16xi32>], vector<16xf32>,
        %mul3A_2249 = arith.mulf %gather3A_2212, %gather3A_2248 : vector<16xf32>
        %add3A_2250 = arith.addf %scan3A_2192, %mul3A_2249 : vector<16xf32>
        %mul3A_2251 = arith.mulf %gather3A_2248, %gather3A_2248 : vector<16xf32>
        %add3A_2252 = arith.addf %scan3A_2205, %mul3A_2251 : vector<16xf32>
        %gather3A_2253 = tpu.vector_load_idx %arg7[%add3A_33, %broadcast_in_dim3A_2211] : memref<208x128xf32, #tpu.memory_space<vmem>>[vector<16xi32>, vector<16xi32>], vector<16xf32>,
        %mul3A_2254 = arith.mulf %gather3A_2212, %gather3A_2253 : vector<16xf32>
        %add3A_2255 = arith.addf %scan3A_2193, %mul3A_2254 : vector<16xf32>
        %mul3A_2256 = arith.mulf %gather3A_2253, %gather3A_2253 : vector<16xf32>
        %add3A_2257 = arith.addf %scan3A_2206, %mul3A_2256 : vector<16xf32>
        %gather3A_2258 = tpu.vector_load_idx %arg7[%add3A_36, %broadcast_in_dim3A_2211] : memref<208x128xf32, #tpu.memory_space<vmem>>[vector<16xi32>, vector<16xi32>], vector<16xf32>,
        %mul3A_2259 = arith.mulf %gather3A_2212, %gather3A_2258 : vector<16xf32>
        %add3A_2260 = arith.addf %scan3A_2194, %mul3A_2259 : vector<16xf32>
        %mul3A_2261 = arith.mulf %gather3A_2258, %gather3A_2258 : vector<16xf32>
        %add3A_2262 = arith.addf %scan3A_2207, %mul3A_2261 : vector<16xf32>
        %gather3A_2263 = tpu.vector_load_idx %arg7[%add3A_39, %broadcast_in_dim3A_2211] : memref<208x128xf32, #tpu.memory_space<vmem>>[vector<16xi32>, vector<16xi32>], vector<16xf32>,
        %mul3A_2264 = arith.mulf %gather3A_2212, %gather3A_2263 : vector<16xf32>
        %add3A_2265 = arith.addf %scan3A_2195, %mul3A_2264 : vector<16xf32>
        %mul3A_2266 = arith.mulf %gather3A_2263, %gather3A_2263 : vector<16xf32>
        %add3A_2267 = arith.addf %scan3A_2208, %mul3A_2266 : vector<16xf32>
        %gather3A_2268 = tpu.vector_load_idx %arg7[%add3A_42, %broadcast_in_dim3A_2211] : memref<208x128xf32, #tpu.memory_space<vmem>>[vector<16xi32>, vector<16xi32>], vector<16xf32>,
        %mul3A_2269 = arith.mulf %gather3A_2212, %gather3A_2268 : vector<16xf32>
        %add3A_2270 = arith.addf %scan3A_2196, %mul3A_2269 : vector<16xf32>
        %mul3A_2271 = arith.mulf %gather3A_2268, %gather3A_2268 : vector<16xf32>
        %add3A_2272 = arith.addf %scan3A_2209, %mul3A_2271 : vector<16xf32>
        %gather3A_2273 = tpu.vector_load_idx %arg7[%add3A_45, %broadcast_in_dim3A_2211] : memref<208x128xf32, #tpu.memory_space<vmem>>[vector<16xi32>, vector<16xi32>], vector<16xf32>,
        %mul3A_2274 = arith.mulf %gather3A_2212, %gather3A_2273 : vector<16xf32>
        %add3A_2275 = arith.addf %scan3A_2197, %mul3A_2274 : vector<16xf32>
        %mul3A_2276 = arith.mulf %gather3A_2273, %gather3A_2273 : vector<16xf32>
        %add3A_2277 = arith.addf %scan3A_2210, %mul3A_2276 : vector<16xf32>
        scf.yield %add3A_2215, %add3A_2220, %add3A_2225, %add3A_2230, %add3A_2235, %add3A_2240, %add3A_2245, %add3A_2250, %add3A_2255, %add3A_2260, %add3A_2265, %add3A_2270, %add3A_2275, %add3A_2217, %add3A_2222, %add3A_2227, %add3A_2232, %add3A_2237, %add3A_2242, %add3A_2247, %add3A_2252, %add3A_2257, %add3A_2262, %add3A_2267, %add3A_2272, %add3A_2277 : vector<16xf32>, vector<16xf32>, vector<16xf32>, vector<16xf32>, vector<16xf32>, vector<16xf32>, vector<16xf32>, vector<16xf32>, vector<16xf32>, vector<16xf32>, vector<16xf32>, vector<16xf32>, vector<16xf32>, vector<16xf32>, vector<16xf32>, vector<16xf32>, vector<16xf32>, vector<16xf32>, vector<16xf32>, vector<16xf32>, vector<16xf32>, vector<16xf32>, vector<16xf32>, vector<16xf32>, vector<16xf32>, vector<16xf32>
      }
      %scan3A_296 = arith.constant 128 : i32
      %add3A_297 = arith.addf %broadcast_in_dim3A_230, %scan3A_295#13 : vector<16xf32>
      %mul3A_298 = arith.constant 2.000000e+00 : f32
      %mul3A_299 = vector.broadcast %mul3A_298 : f32 to vector<16xf32>
      %mul3A_300 = arith.mulf %mul3A_299, %scan3A_295#0 : vector<16xf32>
      %sub3A_301 = arith.subf %add3A_297, %mul3A_300 : vector<16xf32>
      %sub3A_302 = arith.constant 1.000000e+00 : f32
      %sub3A_303 = vector.broadcast %sub3A_302 : f32 to vector<16xf32>
      %sub3A_304 = arith.subf %sub3A_303, %scan3A_295#13 : vector<16xf32>
      %mul3A_305 = arith.mulf %sub3A_233, %sub3A_304 : vector<16xf32>
      %add3A_306 = arith.constant 9.99999974E-6 : f32
      %add3A_307 = vector.broadcast %add3A_306 : f32 to vector<16xf32>
      %add3A_308 = arith.addf %mul3A_305, %add3A_307 : vector<16xf32>
      %mul3A_309 = arith.constant 2.000000e+00 : f32
      %mul3A_310 = vector.broadcast %mul3A_309 : f32 to vector<16xf32>
      %mul3A_311 = arith.mulf %mul3A_310, %sub3A_301 : vector<16xf32>
      %div3A_312 = arith.divf %mul3A_311, %add3A_308 : vector<16xf32>
      %max3A_313 = arith.constant 9.99999974E-6 : f32
      %max3A_314 = vector.broadcast %max3A_313 : f32 to vector<16xf32>
      %max3A_315 = arith.maximumf %div3A_312, %max3A_314 : vector<16xf32>
      %add3A_316 = arith.constant 2.000000e+00 : f32
      %add3A_317 = vector.broadcast %add3A_316 : f32 to vector<16xf32>
      %add3A_318 = arith.addf %max3A_315, %add3A_317 : vector<16xf32>
      %mul3A_319 = arith.mulf %max3A_315, %add3A_318 : vector<16xf32>
      %add3A_320 = arith.constant 1.000000e+00 : f32
      %add3A_321 = vector.broadcast %add3A_320 : f32 to vector<16xf32>
      %add3A_322 = arith.addf %add3A_321, %max3A_315 : vector<16xf32>
      %bitcast_convert_type3A_323 = tpu.bitcast %mul3A_319 : vector<16xf32> -> vector<16xi32>
      %shift_right_logical3A_324 = arith.constant 1 : i32
      %shift_right_logical3A_325 = vector.broadcast %shift_right_logical3A_324 : i32 to vector<16xi32>
      %shift_right_logical3A_326 = arith.shrui %bitcast_convert_type3A_323, %shift_right_logical3A_325 : vector<16xi32>
      %sub3A_327 = arith.constant 1597463007 : i32
      %sub3A_328 = vector.broadcast %sub3A_327 : i32 to vector<16xi32>
      %sub3A_329 = arith.subi %sub3A_328, %shift_right_logical3A_326 : vector<16xi32>
      %bitcast_convert_type3A_330 = tpu.bitcast %sub3A_329 : vector<16xi32> -> vector<16xf32>
      %mul3A_331 = arith.constant 5.000000e-01 : f32
      %mul3A_332 = vector.broadcast %mul3A_331 : f32 to vector<16xf32>
      %mul3A_333 = arith.mulf %mul3A_332, %mul3A_319 : vector<16xf32>
      %mul3A_334 = arith.mulf %mul3A_333, %bitcast_convert_type3A_330 : vector<16xf32>
      %mul3A_335 = arith.mulf %mul3A_334, %bitcast_convert_type3A_330 : vector<16xf32>
      %sub3A_336 = arith.constant 1.500000e+00 : f32
      %sub3A_337 = vector.broadcast %sub3A_336 : f32 to vector<16xf32>
      %sub3A_338 = arith.subf %sub3A_337, %mul3A_335 : vector<16xf32>
      %mul3A_339 = arith.mulf %bitcast_convert_type3A_330, %sub3A_338 : vector<16xf32>
      %mul3A_340 = arith.constant 5.000000e-01 : f32
      %mul3A_341 = vector.broadcast %mul3A_340 : f32 to vector<16xf32>
      %mul3A_342 = arith.mulf %mul3A_341, %mul3A_319 : vector<16xf32>
      %mul3A_343 = arith.mulf %mul3A_342, %mul3A_339 : vector<16xf32>
      %mul3A_344 = arith.mulf %mul3A_343, %mul3A_339 : vector<16xf32>
      %sub3A_345 = arith.constant 1.500000e+00 : f32
      %sub3A_346 = vector.broadcast %sub3A_345 : f32 to vector<16xf32>
      %sub3A_347 = arith.subf %sub3A_346, %mul3A_344 : vector<16xf32>
      %mul3A_348 = arith.mulf %mul3A_339, %sub3A_347 : vector<16xf32>
      %mul3A_349 = arith.constant 5.000000e-01 : f32
      %mul3A_350 = vector.broadcast %mul3A_349 : f32 to vector<16xf32>
      %mul3A_351 = arith.mulf %mul3A_350, %mul3A_319 : vector<16xf32>
      %mul3A_352 = arith.mulf %mul3A_351, %mul3A_348 : vector<16xf32>
      %mul3A_353 = arith.mulf %mul3A_352, %mul3A_348 : vector<16xf32>
      %sub3A_354 = arith.constant 1.500000e+00 : f32
      %sub3A_355 = vector.broadcast %sub3A_354 : f32 to vector<16xf32>
      %sub3A_356 = arith.subf %sub3A_355, %mul3A_353 : vector<16xf32>
      %mul3A_357 = arith.mulf %mul3A_348, %sub3A_356 : vector<16xf32>
      %mul3A_358 = arith.mulf %mul3A_319, %mul3A_357 : vector<16xf32>
      %sub3A_359 = arith.subf %add3A_322, %mul3A_358 : vector<16xf32>
      %add3A_360 = arith.addf %scan3A_97, %sub3A_359 : vector<16xf32>
      %add3A_361 = arith.addf %broadcast_in_dim3A_230, %scan3A_295#14 : vector<16xf32>
      %mul3A_362 = arith.constant 2.000000e+00 : f32
      %mul3A_363 = vector.broadcast %mul3A_362 : f32 to vector<16xf32>
      %mul3A_364 = arith.mulf %mul3A_363, %scan3A_295#1 : vector<16xf32>
      %sub3A_365 = arith.subf %add3A_361, %mul3A_364 : vector<16xf32>
      %sub3A_366 = arith.constant 1.000000e+00 : f32
      %sub3A_367 = vector.broadcast %sub3A_366 : f32 to vector<16xf32>
      %sub3A_368 = arith.subf %sub3A_367, %scan3A_295#14 : vector<16xf32>
      %mul3A_369 = arith.mulf %sub3A_233, %sub3A_368 : vector<16xf32>
      %add3A_370 = arith.constant 9.99999974E-6 : f32
      %add3A_371 = vector.broadcast %add3A_370 : f32 to vector<16xf32>
      %add3A_372 = arith.addf %mul3A_369, %add3A_371 : vector<16xf32>
      %mul3A_373 = arith.constant 2.000000e+00 : f32
      %mul3A_374 = vector.broadcast %mul3A_373 : f32 to vector<16xf32>
      %mul3A_375 = arith.mulf %mul3A_374, %sub3A_365 : vector<16xf32>
      %div3A_376 = arith.divf %mul3A_375, %add3A_372 : vector<16xf32>
      %max3A_377 = arith.constant 9.99999974E-6 : f32
      %max3A_378 = vector.broadcast %max3A_377 : f32 to vector<16xf32>
      %max3A_379 = arith.maximumf %div3A_376, %max3A_378 : vector<16xf32>
      %add3A_380 = arith.constant 2.000000e+00 : f32
      %add3A_381 = vector.broadcast %add3A_380 : f32 to vector<16xf32>
      %add3A_382 = arith.addf %max3A_379, %add3A_381 : vector<16xf32>
      %mul3A_383 = arith.mulf %max3A_379, %add3A_382 : vector<16xf32>
      %add3A_384 = arith.constant 1.000000e+00 : f32
      %add3A_385 = vector.broadcast %add3A_384 : f32 to vector<16xf32>
      %add3A_386 = arith.addf %add3A_385, %max3A_379 : vector<16xf32>
      %bitcast_convert_type3A_387 = tpu.bitcast %mul3A_383 : vector<16xf32> -> vector<16xi32>
      %shift_right_logical3A_388 = arith.constant 1 : i32
      %shift_right_logical3A_389 = vector.broadcast %shift_right_logical3A_388 : i32 to vector<16xi32>
      %shift_right_logical3A_390 = arith.shrui %bitcast_convert_type3A_387, %shift_right_logical3A_389 : vector<16xi32>
      %sub3A_391 = arith.constant 1597463007 : i32
      %sub3A_392 = vector.broadcast %sub3A_391 : i32 to vector<16xi32>
      %sub3A_393 = arith.subi %sub3A_392, %shift_right_logical3A_390 : vector<16xi32>
      %bitcast_convert_type3A_394 = tpu.bitcast %sub3A_393 : vector<16xi32> -> vector<16xf32>
      %mul3A_395 = arith.constant 5.000000e-01 : f32
      %mul3A_396 = vector.broadcast %mul3A_395 : f32 to vector<16xf32>
      %mul3A_397 = arith.mulf %mul3A_396, %mul3A_383 : vector<16xf32>
      %mul3A_398 = arith.mulf %mul3A_397, %bitcast_convert_type3A_394 : vector<16xf32>
      %mul3A_399 = arith.mulf %mul3A_398, %bitcast_convert_type3A_394 : vector<16xf32>
      %sub3A_400 = arith.constant 1.500000e+00 : f32
      %sub3A_401 = vector.broadcast %sub3A_400 : f32 to vector<16xf32>
      %sub3A_402 = arith.subf %sub3A_401, %mul3A_399 : vector<16xf32>
      %mul3A_403 = arith.mulf %bitcast_convert_type3A_394, %sub3A_402 : vector<16xf32>
      %mul3A_404 = arith.constant 5.000000e-01 : f32
      %mul3A_405 = vector.broadcast %mul3A_404 : f32 to vector<16xf32>
      %mul3A_406 = arith.mulf %mul3A_405, %mul3A_383 : vector<16xf32>
      %mul3A_407 = arith.mulf %mul3A_406, %mul3A_403 : vector<16xf32>
      %mul3A_408 = arith.mulf %mul3A_407, %mul3A_403 : vector<16xf32>
      %sub3A_409 = arith.constant 1.500000e+00 : f32
      %sub3A_410 = vector.broadcast %sub3A_409 : f32 to vector<16xf32>
      %sub3A_411 = arith.subf %sub3A_410, %mul3A_408 : vector<16xf32>
      %mul3A_412 = arith.mulf %mul3A_403, %sub3A_411 : vector<16xf32>
      %mul3A_413 = arith.constant 5.000000e-01 : f32
      %mul3A_414 = vector.broadcast %mul3A_413 : f32 to vector<16xf32>
      %mul3A_415 = arith.mulf %mul3A_414, %mul3A_383 : vector<16xf32>
      %mul3A_416 = arith.mulf %mul3A_415, %mul3A_412 : vector<16xf32>
      %mul3A_417 = arith.mulf %mul3A_416, %mul3A_412 : vector<16xf32>
      %sub3A_418 = arith.constant 1.500000e+00 : f32
      %sub3A_419 = vector.broadcast %sub3A_418 : f32 to vector<16xf32>
      %sub3A_420 = arith.subf %sub3A_419, %mul3A_417 : vector<16xf32>
      %mul3A_421 = arith.mulf %mul3A_412, %sub3A_420 : vector<16xf32>
      %mul3A_422 = arith.mulf %mul3A_383, %mul3A_421 : vector<16xf32>
      %sub3A_423 = arith.subf %add3A_386, %mul3A_422 : vector<16xf32>
      %add3A_424 = arith.addf %add3A_360, %sub3A_423 : vector<16xf32>
      %add3A_425 = arith.addf %broadcast_in_dim3A_230, %scan3A_295#15 : vector<16xf32>
      %mul3A_426 = arith.constant 2.000000e+00 : f32
      %mul3A_427 = vector.broadcast %mul3A_426 : f32 to vector<16xf32>
      %mul3A_428 = arith.mulf %mul3A_427, %scan3A_295#2 : vector<16xf32>
      %sub3A_429 = arith.subf %add3A_425, %mul3A_428 : vector<16xf32>
      %sub3A_430 = arith.constant 1.000000e+00 : f32
      %sub3A_431 = vector.broadcast %sub3A_430 : f32 to vector<16xf32>
      %sub3A_432 = arith.subf %sub3A_431, %scan3A_295#15 : vector<16xf32>
      %mul3A_433 = arith.mulf %sub3A_233, %sub3A_432 : vector<16xf32>
      %add3A_434 = arith.constant 9.99999974E-6 : f32
      %add3A_435 = vector.broadcast %add3A_434 : f32 to vector<16xf32>
      %add3A_436 = arith.addf %mul3A_433, %add3A_435 : vector<16xf32>
      %mul3A_437 = arith.constant 2.000000e+00 : f32
      %mul3A_438 = vector.broadcast %mul3A_437 : f32 to vector<16xf32>
      %mul3A_439 = arith.mulf %mul3A_438, %sub3A_429 : vector<16xf32>
      %div3A_440 = arith.divf %mul3A_439, %add3A_436 : vector<16xf32>
      %max3A_441 = arith.constant 9.99999974E-6 : f32
      %max3A_442 = vector.broadcast %max3A_441 : f32 to vector<16xf32>
      %max3A_443 = arith.maximumf %div3A_440, %max3A_442 : vector<16xf32>
      %add3A_444 = arith.constant 2.000000e+00 : f32
      %add3A_445 = vector.broadcast %add3A_444 : f32 to vector<16xf32>
      %add3A_446 = arith.addf %max3A_443, %add3A_445 : vector<16xf32>
      %mul3A_447 = arith.mulf %max3A_443, %add3A_446 : vector<16xf32>
      %add3A_448 = arith.constant 1.000000e+00 : f32
      %add3A_449 = vector.broadcast %add3A_448 : f32 to vector<16xf32>
      %add3A_450 = arith.addf %add3A_449, %max3A_443 : vector<16xf32>
      %bitcast_convert_type3A_451 = tpu.bitcast %mul3A_447 : vector<16xf32> -> vector<16xi32>
      %shift_right_logical3A_452 = arith.constant 1 : i32
      %shift_right_logical3A_453 = vector.broadcast %shift_right_logical3A_452 : i32 to vector<16xi32>
      %shift_right_logical3A_454 = arith.shrui %bitcast_convert_type3A_451, %shift_right_logical3A_453 : vector<16xi32>
      %sub3A_455 = arith.constant 1597463007 : i32
      %sub3A_456 = vector.broadcast %sub3A_455 : i32 to vector<16xi32>
      %sub3A_457 = arith.subi %sub3A_456, %shift_right_logical3A_454 : vector<16xi32>
      %bitcast_convert_type3A_458 = tpu.bitcast %sub3A_457 : vector<16xi32> -> vector<16xf32>
      %mul3A_459 = arith.constant 5.000000e-01 : f32
      %mul3A_460 = vector.broadcast %mul3A_459 : f32 to vector<16xf32>
      %mul3A_461 = arith.mulf %mul3A_460, %mul3A_447 : vector<16xf32>
      %mul3A_462 = arith.mulf %mul3A_461, %bitcast_convert_type3A_458 : vector<16xf32>
      %mul3A_463 = arith.mulf %mul3A_462, %bitcast_convert_type3A_458 : vector<16xf32>
      %sub3A_464 = arith.constant 1.500000e+00 : f32
      %sub3A_465 = vector.broadcast %sub3A_464 : f32 to vector<16xf32>
      %sub3A_466 = arith.subf %sub3A_465, %mul3A_463 : vector<16xf32>
      %mul3A_467 = arith.mulf %bitcast_convert_type3A_458, %sub3A_466 : vector<16xf32>
      %mul3A_468 = arith.constant 5.000000e-01 : f32
      %mul3A_469 = vector.broadcast %mul3A_468 : f32 to vector<16xf32>
      %mul3A_470 = arith.mulf %mul3A_469, %mul3A_447 : vector<16xf32>
      %mul3A_471 = arith.mulf %mul3A_470, %mul3A_467 : vector<16xf32>
      %mul3A_472 = arith.mulf %mul3A_471, %mul3A_467 : vector<16xf32>
      %sub3A_473 = arith.constant 1.500000e+00 : f32
      %sub3A_474 = vector.broadcast %sub3A_473 : f32 to vector<16xf32>
      %sub3A_475 = arith.subf %sub3A_474, %mul3A_472 : vector<16xf32>
      %mul3A_476 = arith.mulf %mul3A_467, %sub3A_475 : vector<16xf32>
      %mul3A_477 = arith.constant 5.000000e-01 : f32
      %mul3A_478 = vector.broadcast %mul3A_477 : f32 to vector<16xf32>
      %mul3A_479 = arith.mulf %mul3A_478, %mul3A_447 : vector<16xf32>
      %mul3A_480 = arith.mulf %mul3A_479, %mul3A_476 : vector<16xf32>
      %mul3A_481 = arith.mulf %mul3A_480, %mul3A_476 : vector<16xf32>
      %sub3A_482 = arith.constant 1.500000e+00 : f32
      %sub3A_483 = vector.broadcast %sub3A_482 : f32 to vector<16xf32>
      %sub3A_484 = arith.subf %sub3A_483, %mul3A_481 : vector<16xf32>
      %mul3A_485 = arith.mulf %mul3A_476, %sub3A_484 : vector<16xf32>
      %mul3A_486 = arith.mulf %mul3A_447, %mul3A_485 : vector<16xf32>
      %sub3A_487 = arith.subf %add3A_450, %mul3A_486 : vector<16xf32>
      %add3A_488 = arith.addf %add3A_424, %sub3A_487 : vector<16xf32>
      %add3A_489 = arith.addf %broadcast_in_dim3A_230, %scan3A_295#16 : vector<16xf32>
      %mul3A_490 = arith.constant 2.000000e+00 : f32
      %mul3A_491 = vector.broadcast %mul3A_490 : f32 to vector<16xf32>
      %mul3A_492 = arith.mulf %mul3A_491, %scan3A_295#3 : vector<16xf32>
      %sub3A_493 = arith.subf %add3A_489, %mul3A_492 : vector<16xf32>
      %sub3A_494 = arith.constant 1.000000e+00 : f32
      %sub3A_495 = vector.broadcast %sub3A_494 : f32 to vector<16xf32>
      %sub3A_496 = arith.subf %sub3A_495, %scan3A_295#16 : vector<16xf32>
      %mul3A_497 = arith.mulf %sub3A_233, %sub3A_496 : vector<16xf32>
      %add3A_498 = arith.constant 9.99999974E-6 : f32
      %add3A_499 = vector.broadcast %add3A_498 : f32 to vector<16xf32>
      %add3A_500 = arith.addf %mul3A_497, %add3A_499 : vector<16xf32>
      %mul3A_501 = arith.constant 2.000000e+00 : f32
      %mul3A_502 = vector.broadcast %mul3A_501 : f32 to vector<16xf32>
      %mul3A_503 = arith.mulf %mul3A_502, %sub3A_493 : vector<16xf32>
      %div3A_504 = arith.divf %mul3A_503, %add3A_500 : vector<16xf32>
      %max3A_505 = arith.constant 9.99999974E-6 : f32
      %max3A_506 = vector.broadcast %max3A_505 : f32 to vector<16xf32>
      %max3A_507 = arith.maximumf %div3A_504, %max3A_506 : vector<16xf32>
      %add3A_508 = arith.constant 2.000000e+00 : f32
      %add3A_509 = vector.broadcast %add3A_508 : f32 to vector<16xf32>
      %add3A_510 = arith.addf %max3A_507, %add3A_509 : vector<16xf32>
      %mul3A_511 = arith.mulf %max3A_507, %add3A_510 : vector<16xf32>
      %add3A_512 = arith.constant 1.000000e+00 : f32
      %add3A_513 = vector.broadcast %add3A_512 : f32 to vector<16xf32>
      %add3A_514 = arith.addf %add3A_513, %max3A_507 : vector<16xf32>
      %bitcast_convert_type3A_515 = tpu.bitcast %mul3A_511 : vector<16xf32> -> vector<16xi32>
      %shift_right_logical3A_516 = arith.constant 1 : i32
      %shift_right_logical3A_517 = vector.broadcast %shift_right_logical3A_516 : i32 to vector<16xi32>
      %shift_right_logical3A_518 = arith.shrui %bitcast_convert_type3A_515, %shift_right_logical3A_517 : vector<16xi32>
      %sub3A_519 = arith.constant 1597463007 : i32
      %sub3A_520 = vector.broadcast %sub3A_519 : i32 to vector<16xi32>
      %sub3A_521 = arith.subi %sub3A_520, %shift_right_logical3A_518 : vector<16xi32>
      %bitcast_convert_type3A_522 = tpu.bitcast %sub3A_521 : vector<16xi32> -> vector<16xf32>
      %mul3A_523 = arith.constant 5.000000e-01 : f32
      %mul3A_524 = vector.broadcast %mul3A_523 : f32 to vector<16xf32>
      %mul3A_525 = arith.mulf %mul3A_524, %mul3A_511 : vector<16xf32>
      %mul3A_526 = arith.mulf %mul3A_525, %bitcast_convert_type3A_522 : vector<16xf32>
      %mul3A_527 = arith.mulf %mul3A_526, %bitcast_convert_type3A_522 : vector<16xf32>
      %sub3A_528 = arith.constant 1.500000e+00 : f32
      %sub3A_529 = vector.broadcast %sub3A_528 : f32 to vector<16xf32>
      %sub3A_530 = arith.subf %sub3A_529, %mul3A_527 : vector<16xf32>
      %mul3A_531 = arith.mulf %bitcast_convert_type3A_522, %sub3A_530 : vector<16xf32>
      %mul3A_532 = arith.constant 5.000000e-01 : f32
      %mul3A_533 = vector.broadcast %mul3A_532 : f32 to vector<16xf32>
      %mul3A_534 = arith.mulf %mul3A_533, %mul3A_511 : vector<16xf32>
      %mul3A_535 = arith.mulf %mul3A_534, %mul3A_531 : vector<16xf32>
      %mul3A_536 = arith.mulf %mul3A_535, %mul3A_531 : vector<16xf32>
      %sub3A_537 = arith.constant 1.500000e+00 : f32
      %sub3A_538 = vector.broadcast %sub3A_537 : f32 to vector<16xf32>
      %sub3A_539 = arith.subf %sub3A_538, %mul3A_536 : vector<16xf32>
      %mul3A_540 = arith.mulf %mul3A_531, %sub3A_539 : vector<16xf32>
      %mul3A_541 = arith.constant 5.000000e-01 : f32
      %mul3A_542 = vector.broadcast %mul3A_541 : f32 to vector<16xf32>
      %mul3A_543 = arith.mulf %mul3A_542, %mul3A_511 : vector<16xf32>
      %mul3A_544 = arith.mulf %mul3A_543, %mul3A_540 : vector<16xf32>
      %mul3A_545 = arith.mulf %mul3A_544, %mul3A_540 : vector<16xf32>
      %sub3A_546 = arith.constant 1.500000e+00 : f32
      %sub3A_547 = vector.broadcast %sub3A_546 : f32 to vector<16xf32>
      %sub3A_548 = arith.subf %sub3A_547, %mul3A_545 : vector<16xf32>
      %mul3A_549 = arith.mulf %mul3A_540, %sub3A_548 : vector<16xf32>
      %mul3A_550 = arith.mulf %mul3A_511, %mul3A_549 : vector<16xf32>
      %sub3A_551 = arith.subf %add3A_514, %mul3A_550 : vector<16xf32>
      %add3A_552 = arith.addf %add3A_488, %sub3A_551 : vector<16xf32>
      %add3A_553 = arith.addf %broadcast_in_dim3A_230, %scan3A_295#17 : vector<16xf32>
      %mul3A_554 = arith.constant 2.000000e+00 : f32
      %mul3A_555 = vector.broadcast %mul3A_554 : f32 to vector<16xf32>
      %mul3A_556 = arith.mulf %mul3A_555, %scan3A_295#4 : vector<16xf32>
      %sub3A_557 = arith.subf %add3A_553, %mul3A_556 : vector<16xf32>
      %sub3A_558 = arith.constant 1.000000e+00 : f32
      %sub3A_559 = vector.broadcast %sub3A_558 : f32 to vector<16xf32>
      %sub3A_560 = arith.subf %sub3A_559, %scan3A_295#17 : vector<16xf32>
      %mul3A_561 = arith.mulf %sub3A_233, %sub3A_560 : vector<16xf32>
      %add3A_562 = arith.constant 9.99999974E-6 : f32
      %add3A_563 = vector.broadcast %add3A_562 : f32 to vector<16xf32>
      %add3A_564 = arith.addf %mul3A_561, %add3A_563 : vector<16xf32>
      %mul3A_565 = arith.constant 2.000000e+00 : f32
      %mul3A_566 = vector.broadcast %mul3A_565 : f32 to vector<16xf32>
      %mul3A_567 = arith.mulf %mul3A_566, %sub3A_557 : vector<16xf32>
      %div3A_568 = arith.divf %mul3A_567, %add3A_564 : vector<16xf32>
      %max3A_569 = arith.constant 9.99999974E-6 : f32
      %max3A_570 = vector.broadcast %max3A_569 : f32 to vector<16xf32>
      %max3A_571 = arith.maximumf %div3A_568, %max3A_570 : vector<16xf32>
      %add3A_572 = arith.constant 2.000000e+00 : f32
      %add3A_573 = vector.broadcast %add3A_572 : f32 to vector<16xf32>
      %add3A_574 = arith.addf %max3A_571, %add3A_573 : vector<16xf32>
      %mul3A_575 = arith.mulf %max3A_571, %add3A_574 : vector<16xf32>
      %add3A_576 = arith.constant 1.000000e+00 : f32
      %add3A_577 = vector.broadcast %add3A_576 : f32 to vector<16xf32>
      %add3A_578 = arith.addf %add3A_577, %max3A_571 : vector<16xf32>
      %bitcast_convert_type3A_579 = tpu.bitcast %mul3A_575 : vector<16xf32> -> vector<16xi32>
      %shift_right_logical3A_580 = arith.constant 1 : i32
      %shift_right_logical3A_581 = vector.broadcast %shift_right_logical3A_580 : i32 to vector<16xi32>
      %shift_right_logical3A_582 = arith.shrui %bitcast_convert_type3A_579, %shift_right_logical3A_581 : vector<16xi32>
      %sub3A_583 = arith.constant 1597463007 : i32
      %sub3A_584 = vector.broadcast %sub3A_583 : i32 to vector<16xi32>
      %sub3A_585 = arith.subi %sub3A_584, %shift_right_logical3A_582 : vector<16xi32>
      %bitcast_convert_type3A_586 = tpu.bitcast %sub3A_585 : vector<16xi32> -> vector<16xf32>
      %mul3A_587 = arith.constant 5.000000e-01 : f32
      %mul3A_588 = vector.broadcast %mul3A_587 : f32 to vector<16xf32>
      %mul3A_589 = arith.mulf %mul3A_588, %mul3A_575 : vector<16xf32>
      %mul3A_590 = arith.mulf %mul3A_589, %bitcast_convert_type3A_586 : vector<16xf32>
      %mul3A_591 = arith.mulf %mul3A_590, %bitcast_convert_type3A_586 : vector<16xf32>
      %sub3A_592 = arith.constant 1.500000e+00 : f32
      %sub3A_593 = vector.broadcast %sub3A_592 : f32 to vector<16xf32>
      %sub3A_594 = arith.subf %sub3A_593, %mul3A_591 : vector<16xf32>
      %mul3A_595 = arith.mulf %bitcast_convert_type3A_586, %sub3A_594 : vector<16xf32>
      %mul3A_596 = arith.constant 5.000000e-01 : f32
      %mul3A_597 = vector.broadcast %mul3A_596 : f32 to vector<16xf32>
      %mul3A_598 = arith.mulf %mul3A_597, %mul3A_575 : vector<16xf32>
      %mul3A_599 = arith.mulf %mul3A_598, %mul3A_595 : vector<16xf32>
      %mul3A_600 = arith.mulf %mul3A_599, %mul3A_595 : vector<16xf32>
      %sub3A_601 = arith.constant 1.500000e+00 : f32
      %sub3A_602 = vector.broadcast %sub3A_601 : f32 to vector<16xf32>
      %sub3A_603 = arith.subf %sub3A_602, %mul3A_600 : vector<16xf32>
      %mul3A_604 = arith.mulf %mul3A_595, %sub3A_603 : vector<16xf32>
      %mul3A_605 = arith.constant 5.000000e-01 : f32
      %mul3A_606 = vector.broadcast %mul3A_605 : f32 to vector<16xf32>
      %mul3A_607 = arith.mulf %mul3A_606, %mul3A_575 : vector<16xf32>
      %mul3A_608 = arith.mulf %mul3A_607, %mul3A_604 : vector<16xf32>
      %mul3A_609 = arith.mulf %mul3A_608, %mul3A_604 : vector<16xf32>
      %sub3A_610 = arith.constant 1.500000e+00 : f32
      %sub3A_611 = vector.broadcast %sub3A_610 : f32 to vector<16xf32>
      %sub3A_612 = arith.subf %sub3A_611, %mul3A_609 : vector<16xf32>
      %mul3A_613 = arith.mulf %mul3A_604, %sub3A_612 : vector<16xf32>
      %mul3A_614 = arith.mulf %mul3A_575, %mul3A_613 : vector<16xf32>
      %sub3A_615 = arith.subf %add3A_578, %mul3A_614 : vector<16xf32>
      %add3A_616 = arith.addf %add3A_552, %sub3A_615 : vector<16xf32>
      %add3A_617 = arith.addf %broadcast_in_dim3A_230, %scan3A_295#18 : vector<16xf32>
      %mul3A_618 = arith.constant 2.000000e+00 : f32
      %mul3A_619 = vector.broadcast %mul3A_618 : f32 to vector<16xf32>
      %mul3A_620 = arith.mulf %mul3A_619, %scan3A_295#5 : vector<16xf32>
      %sub3A_621 = arith.subf %add3A_617, %mul3A_620 : vector<16xf32>
      %sub3A_622 = arith.constant 1.000000e+00 : f32
      %sub3A_623 = vector.broadcast %sub3A_622 : f32 to vector<16xf32>
      %sub3A_624 = arith.subf %sub3A_623, %scan3A_295#18 : vector<16xf32>
      %mul3A_625 = arith.mulf %sub3A_233, %sub3A_624 : vector<16xf32>
      %add3A_626 = arith.constant 9.99999974E-6 : f32
      %add3A_627 = vector.broadcast %add3A_626 : f32 to vector<16xf32>
      %add3A_628 = arith.addf %mul3A_625, %add3A_627 : vector<16xf32>
      %mul3A_629 = arith.constant 2.000000e+00 : f32
      %mul3A_630 = vector.broadcast %mul3A_629 : f32 to vector<16xf32>
      %mul3A_631 = arith.mulf %mul3A_630, %sub3A_621 : vector<16xf32>
      %div3A_632 = arith.divf %mul3A_631, %add3A_628 : vector<16xf32>
      %max3A_633 = arith.constant 9.99999974E-6 : f32
      %max3A_634 = vector.broadcast %max3A_633 : f32 to vector<16xf32>
      %max3A_635 = arith.maximumf %div3A_632, %max3A_634 : vector<16xf32>
      %add3A_636 = arith.constant 2.000000e+00 : f32
      %add3A_637 = vector.broadcast %add3A_636 : f32 to vector<16xf32>
      %add3A_638 = arith.addf %max3A_635, %add3A_637 : vector<16xf32>
      %mul3A_639 = arith.mulf %max3A_635, %add3A_638 : vector<16xf32>
      %add3A_640 = arith.constant 1.000000e+00 : f32
      %add3A_641 = vector.broadcast %add3A_640 : f32 to vector<16xf32>
      %add3A_642 = arith.addf %add3A_641, %max3A_635 : vector<16xf32>
      %bitcast_convert_type3A_643 = tpu.bitcast %mul3A_639 : vector<16xf32> -> vector<16xi32>
      %shift_right_logical3A_644 = arith.constant 1 : i32
      %shift_right_logical3A_645 = vector.broadcast %shift_right_logical3A_644 : i32 to vector<16xi32>
      %shift_right_logical3A_646 = arith.shrui %bitcast_convert_type3A_643, %shift_right_logical3A_645 : vector<16xi32>
      %sub3A_647 = arith.constant 1597463007 : i32
      %sub3A_648 = vector.broadcast %sub3A_647 : i32 to vector<16xi32>
      %sub3A_649 = arith.subi %sub3A_648, %shift_right_logical3A_646 : vector<16xi32>
      %bitcast_convert_type3A_650 = tpu.bitcast %sub3A_649 : vector<16xi32> -> vector<16xf32>
      %mul3A_651 = arith.constant 5.000000e-01 : f32
      %mul3A_652 = vector.broadcast %mul3A_651 : f32 to vector<16xf32>
      %mul3A_653 = arith.mulf %mul3A_652, %mul3A_639 : vector<16xf32>
      %mul3A_654 = arith.mulf %mul3A_653, %bitcast_convert_type3A_650 : vector<16xf32>
      %mul3A_655 = arith.mulf %mul3A_654, %bitcast_convert_type3A_650 : vector<16xf32>
      %sub3A_656 = arith.constant 1.500000e+00 : f32
      %sub3A_657 = vector.broadcast %sub3A_656 : f32 to vector<16xf32>
      %sub3A_658 = arith.subf %sub3A_657, %mul3A_655 : vector<16xf32>
      %mul3A_659 = arith.mulf %bitcast_convert_type3A_650, %sub3A_658 : vector<16xf32>
      %mul3A_660 = arith.constant 5.000000e-01 : f32
      %mul3A_661 = vector.broadcast %mul3A_660 : f32 to vector<16xf32>
      %mul3A_662 = arith.mulf %mul3A_661, %mul3A_639 : vector<16xf32>
      %mul3A_663 = arith.mulf %mul3A_662, %mul3A_659 : vector<16xf32>
      %mul3A_664 = arith.mulf %mul3A_663, %mul3A_659 : vector<16xf32>
      %sub3A_665 = arith.constant 1.500000e+00 : f32
      %sub3A_666 = vector.broadcast %sub3A_665 : f32 to vector<16xf32>
      %sub3A_667 = arith.subf %sub3A_666, %mul3A_664 : vector<16xf32>
      %mul3A_668 = arith.mulf %mul3A_659, %sub3A_667 : vector<16xf32>
      %mul3A_669 = arith.constant 5.000000e-01 : f32
      %mul3A_670 = vector.broadcast %mul3A_669 : f32 to vector<16xf32>
      %mul3A_671 = arith.mulf %mul3A_670, %mul3A_639 : vector<16xf32>
      %mul3A_672 = arith.mulf %mul3A_671, %mul3A_668 : vector<16xf32>
      %mul3A_673 = arith.mulf %mul3A_672, %mul3A_668 : vector<16xf32>
      %sub3A_674 = arith.constant 1.500000e+00 : f32
      %sub3A_675 = vector.broadcast %sub3A_674 : f32 to vector<16xf32>
      %sub3A_676 = arith.subf %sub3A_675, %mul3A_673 : vector<16xf32>
      %mul3A_677 = arith.mulf %mul3A_668, %sub3A_676 : vector<16xf32>
      %mul3A_678 = arith.mulf %mul3A_639, %mul3A_677 : vector<16xf32>
      %sub3A_679 = arith.subf %add3A_642, %mul3A_678 : vector<16xf32>
      %add3A_680 = arith.addf %add3A_616, %sub3A_679 : vector<16xf32>
      %add3A_681 = arith.addf %broadcast_in_dim3A_230, %scan3A_295#19 : vector<16xf32>
      %mul3A_682 = arith.constant 2.000000e+00 : f32
      %mul3A_683 = vector.broadcast %mul3A_682 : f32 to vector<16xf32>
      %mul3A_684 = arith.mulf %mul3A_683, %scan3A_295#6 : vector<16xf32>
      %sub3A_685 = arith.subf %add3A_681, %mul3A_684 : vector<16xf32>
      %sub3A_686 = arith.constant 1.000000e+00 : f32
      %sub3A_687 = vector.broadcast %sub3A_686 : f32 to vector<16xf32>
      %sub3A_688 = arith.subf %sub3A_687, %scan3A_295#19 : vector<16xf32>
      %mul3A_689 = arith.mulf %sub3A_233, %sub3A_688 : vector<16xf32>
      %add3A_690 = arith.constant 9.99999974E-6 : f32
      %add3A_691 = vector.broadcast %add3A_690 : f32 to vector<16xf32>
      %add3A_692 = arith.addf %mul3A_689, %add3A_691 : vector<16xf32>
      %mul3A_693 = arith.constant 2.000000e+00 : f32
      %mul3A_694 = vector.broadcast %mul3A_693 : f32 to vector<16xf32>
      %mul3A_695 = arith.mulf %mul3A_694, %sub3A_685 : vector<16xf32>
      %div3A_696 = arith.divf %mul3A_695, %add3A_692 : vector<16xf32>
      %max3A_697 = arith.constant 9.99999974E-6 : f32
      %max3A_698 = vector.broadcast %max3A_697 : f32 to vector<16xf32>
      %max3A_699 = arith.maximumf %div3A_696, %max3A_698 : vector<16xf32>
      %add3A_700 = arith.constant 2.000000e+00 : f32
      %add3A_701 = vector.broadcast %add3A_700 : f32 to vector<16xf32>
      %add3A_702 = arith.addf %max3A_699, %add3A_701 : vector<16xf32>
      %mul3A_703 = arith.mulf %max3A_699, %add3A_702 : vector<16xf32>
      %add3A_704 = arith.constant 1.000000e+00 : f32
      %add3A_705 = vector.broadcast %add3A_704 : f32 to vector<16xf32>
      %add3A_706 = arith.addf %add3A_705, %max3A_699 : vector<16xf32>
      %bitcast_convert_type3A_707 = tpu.bitcast %mul3A_703 : vector<16xf32> -> vector<16xi32>
      %shift_right_logical3A_708 = arith.constant 1 : i32
      %shift_right_logical3A_709 = vector.broadcast %shift_right_logical3A_708 : i32 to vector<16xi32>
      %shift_right_logical3A_710 = arith.shrui %bitcast_convert_type3A_707, %shift_right_logical3A_709 : vector<16xi32>
      %sub3A_711 = arith.constant 1597463007 : i32
      %sub3A_712 = vector.broadcast %sub3A_711 : i32 to vector<16xi32>
      %sub3A_713 = arith.subi %sub3A_712, %shift_right_logical3A_710 : vector<16xi32>
      %bitcast_convert_type3A_714 = tpu.bitcast %sub3A_713 : vector<16xi32> -> vector<16xf32>
      %mul3A_715 = arith.constant 5.000000e-01 : f32
      %mul3A_716 = vector.broadcast %mul3A_715 : f32 to vector<16xf32>
      %mul3A_717 = arith.mulf %mul3A_716, %mul3A_703 : vector<16xf32>
      %mul3A_718 = arith.mulf %mul3A_717, %bitcast_convert_type3A_714 : vector<16xf32>
      %mul3A_719 = arith.mulf %mul3A_718, %bitcast_convert_type3A_714 : vector<16xf32>
      %sub3A_720 = arith.constant 1.500000e+00 : f32
      %sub3A_721 = vector.broadcast %sub3A_720 : f32 to vector<16xf32>
      %sub3A_722 = arith.subf %sub3A_721, %mul3A_719 : vector<16xf32>
      %mul3A_723 = arith.mulf %bitcast_convert_type3A_714, %sub3A_722 : vector<16xf32>
      %mul3A_724 = arith.constant 5.000000e-01 : f32
      %mul3A_725 = vector.broadcast %mul3A_724 : f32 to vector<16xf32>
      %mul3A_726 = arith.mulf %mul3A_725, %mul3A_703 : vector<16xf32>
      %mul3A_727 = arith.mulf %mul3A_726, %mul3A_723 : vector<16xf32>
      %mul3A_728 = arith.mulf %mul3A_727, %mul3A_723 : vector<16xf32>
      %sub3A_729 = arith.constant 1.500000e+00 : f32
      %sub3A_730 = vector.broadcast %sub3A_729 : f32 to vector<16xf32>
      %sub3A_731 = arith.subf %sub3A_730, %mul3A_728 : vector<16xf32>
      %mul3A_732 = arith.mulf %mul3A_723, %sub3A_731 : vector<16xf32>
      %mul3A_733 = arith.constant 5.000000e-01 : f32
      %mul3A_734 = vector.broadcast %mul3A_733 : f32 to vector<16xf32>
      %mul3A_735 = arith.mulf %mul3A_734, %mul3A_703 : vector<16xf32>
      %mul3A_736 = arith.mulf %mul3A_735, %mul3A_732 : vector<16xf32>
      %mul3A_737 = arith.mulf %mul3A_736, %mul3A_732 : vector<16xf32>
      %sub3A_738 = arith.constant 1.500000e+00 : f32
      %sub3A_739 = vector.broadcast %sub3A_738 : f32 to vector<16xf32>
      %sub3A_740 = arith.subf %sub3A_739, %mul3A_737 : vector<16xf32>
      %mul3A_741 = arith.mulf %mul3A_732, %sub3A_740 : vector<16xf32>
      %mul3A_742 = arith.mulf %mul3A_703, %mul3A_741 : vector<16xf32>
      %sub3A_743 = arith.subf %add3A_706, %mul3A_742 : vector<16xf32>
      %add3A_744 = arith.addf %add3A_680, %sub3A_743 : vector<16xf32>
      %add3A_745 = arith.addf %broadcast_in_dim3A_230, %scan3A_295#20 : vector<16xf32>
      %mul3A_746 = arith.constant 2.000000e+00 : f32
      %mul3A_747 = vector.broadcast %mul3A_746 : f32 to vector<16xf32>
      %mul3A_748 = arith.mulf %mul3A_747, %scan3A_295#7 : vector<16xf32>
      %sub3A_749 = arith.subf %add3A_745, %mul3A_748 : vector<16xf32>
      %sub3A_750 = arith.constant 1.000000e+00 : f32
      %sub3A_751 = vector.broadcast %sub3A_750 : f32 to vector<16xf32>
      %sub3A_752 = arith.subf %sub3A_751, %scan3A_295#20 : vector<16xf32>
      %mul3A_753 = arith.mulf %sub3A_233, %sub3A_752 : vector<16xf32>
      %add3A_754 = arith.constant 9.99999974E-6 : f32
      %add3A_755 = vector.broadcast %add3A_754 : f32 to vector<16xf32>
      %add3A_756 = arith.addf %mul3A_753, %add3A_755 : vector<16xf32>
      %mul3A_757 = arith.constant 2.000000e+00 : f32
      %mul3A_758 = vector.broadcast %mul3A_757 : f32 to vector<16xf32>
      %mul3A_759 = arith.mulf %mul3A_758, %sub3A_749 : vector<16xf32>
      %div3A_760 = arith.divf %mul3A_759, %add3A_756 : vector<16xf32>
      %max3A_761 = arith.constant 9.99999974E-6 : f32
      %max3A_762 = vector.broadcast %max3A_761 : f32 to vector<16xf32>
      %max3A_763 = arith.maximumf %div3A_760, %max3A_762 : vector<16xf32>
      %add3A_764 = arith.constant 2.000000e+00 : f32
      %add3A_765 = vector.broadcast %add3A_764 : f32 to vector<16xf32>
      %add3A_766 = arith.addf %max3A_763, %add3A_765 : vector<16xf32>
      %mul3A_767 = arith.mulf %max3A_763, %add3A_766 : vector<16xf32>
      %add3A_768 = arith.constant 1.000000e+00 : f32
      %add3A_769 = vector.broadcast %add3A_768 : f32 to vector<16xf32>
      %add3A_770 = arith.addf %add3A_769, %max3A_763 : vector<16xf32>
      %bitcast_convert_type3A_771 = tpu.bitcast %mul3A_767 : vector<16xf32> -> vector<16xi32>
      %shift_right_logical3A_772 = arith.constant 1 : i32
      %shift_right_logical3A_773 = vector.broadcast %shift_right_logical3A_772 : i32 to vector<16xi32>
      %shift_right_logical3A_774 = arith.shrui %bitcast_convert_type3A_771, %shift_right_logical3A_773 : vector<16xi32>
      %sub3A_775 = arith.constant 1597463007 : i32
      %sub3A_776 = vector.broadcast %sub3A_775 : i32 to vector<16xi32>
      %sub3A_777 = arith.subi %sub3A_776, %shift_right_logical3A_774 : vector<16xi32>
      %bitcast_convert_type3A_778 = tpu.bitcast %sub3A_777 : vector<16xi32> -> vector<16xf32>
      %mul3A_779 = arith.constant 5.000000e-01 : f32
      %mul3A_780 = vector.broadcast %mul3A_779 : f32 to vector<16xf32>
      %mul3A_781 = arith.mulf %mul3A_780, %mul3A_767 : vector<16xf32>
      %mul3A_782 = arith.mulf %mul3A_781, %bitcast_convert_type3A_778 : vector<16xf32>
      %mul3A_783 = arith.mulf %mul3A_782, %bitcast_convert_type3A_778 : vector<16xf32>
      %sub3A_784 = arith.constant 1.500000e+00 : f32
      %sub3A_785 = vector.broadcast %sub3A_784 : f32 to vector<16xf32>
      %sub3A_786 = arith.subf %sub3A_785, %mul3A_783 : vector<16xf32>
      %mul3A_787 = arith.mulf %bitcast_convert_type3A_778, %sub3A_786 : vector<16xf32>
      %mul3A_788 = arith.constant 5.000000e-01 : f32
      %mul3A_789 = vector.broadcast %mul3A_788 : f32 to vector<16xf32>
      %mul3A_790 = arith.mulf %mul3A_789, %mul3A_767 : vector<16xf32>
      %mul3A_791 = arith.mulf %mul3A_790, %mul3A_787 : vector<16xf32>
      %mul3A_792 = arith.mulf %mul3A_791, %mul3A_787 : vector<16xf32>
      %sub3A_793 = arith.constant 1.500000e+00 : f32
      %sub3A_794 = vector.broadcast %sub3A_793 : f32 to vector<16xf32>
      %sub3A_795 = arith.subf %sub3A_794, %mul3A_792 : vector<16xf32>
      %mul3A_796 = arith.mulf %mul3A_787, %sub3A_795 : vector<16xf32>
      %mul3A_797 = arith.constant 5.000000e-01 : f32
      %mul3A_798 = vector.broadcast %mul3A_797 : f32 to vector<16xf32>
      %mul3A_799 = arith.mulf %mul3A_798, %mul3A_767 : vector<16xf32>
      %mul3A_800 = arith.mulf %mul3A_799, %mul3A_796 : vector<16xf32>
      %mul3A_801 = arith.mulf %mul3A_800, %mul3A_796 : vector<16xf32>
      %sub3A_802 = arith.constant 1.500000e+00 : f32
      %sub3A_803 = vector.broadcast %sub3A_802 : f32 to vector<16xf32>
      %sub3A_804 = arith.subf %sub3A_803, %mul3A_801 : vector<16xf32>
      %mul3A_805 = arith.mulf %mul3A_796, %sub3A_804 : vector<16xf32>
      %mul3A_806 = arith.mulf %mul3A_767, %mul3A_805 : vector<16xf32>
      %sub3A_807 = arith.subf %add3A_770, %mul3A_806 : vector<16xf32>
      %add3A_808 = arith.addf %add3A_744, %sub3A_807 : vector<16xf32>
      %add3A_809 = arith.addf %broadcast_in_dim3A_230, %scan3A_295#21 : vector<16xf32>
      %mul3A_810 = arith.constant 2.000000e+00 : f32
      %mul3A_811 = vector.broadcast %mul3A_810 : f32 to vector<16xf32>
      %mul3A_812 = arith.mulf %mul3A_811, %scan3A_295#8 : vector<16xf32>
      %sub3A_813 = arith.subf %add3A_809, %mul3A_812 : vector<16xf32>
      %sub3A_814 = arith.constant 1.000000e+00 : f32
      %sub3A_815 = vector.broadcast %sub3A_814 : f32 to vector<16xf32>
      %sub3A_816 = arith.subf %sub3A_815, %scan3A_295#21 : vector<16xf32>
      %mul3A_817 = arith.mulf %sub3A_233, %sub3A_816 : vector<16xf32>
      %add3A_818 = arith.constant 9.99999974E-6 : f32
      %add3A_819 = vector.broadcast %add3A_818 : f32 to vector<16xf32>
      %add3A_820 = arith.addf %mul3A_817, %add3A_819 : vector<16xf32>
      %mul3A_821 = arith.constant 2.000000e+00 : f32
      %mul3A_822 = vector.broadcast %mul3A_821 : f32 to vector<16xf32>
      %mul3A_823 = arith.mulf %mul3A_822, %sub3A_813 : vector<16xf32>
      %div3A_824 = arith.divf %mul3A_823, %add3A_820 : vector<16xf32>
      %max3A_825 = arith.constant 9.99999974E-6 : f32
      %max3A_826 = vector.broadcast %max3A_825 : f32 to vector<16xf32>
      %max3A_827 = arith.maximumf %div3A_824, %max3A_826 : vector<16xf32>
      %add3A_828 = arith.constant 2.000000e+00 : f32
      %add3A_829 = vector.broadcast %add3A_828 : f32 to vector<16xf32>
      %add3A_830 = arith.addf %max3A_827, %add3A_829 : vector<16xf32>
      %mul3A_831 = arith.mulf %max3A_827, %add3A_830 : vector<16xf32>
      %add3A_832 = arith.constant 1.000000e+00 : f32
      %add3A_833 = vector.broadcast %add3A_832 : f32 to vector<16xf32>
      %add3A_834 = arith.addf %add3A_833, %max3A_827 : vector<16xf32>
      %bitcast_convert_type3A_835 = tpu.bitcast %mul3A_831 : vector<16xf32> -> vector<16xi32>
      %shift_right_logical3A_836 = arith.constant 1 : i32
      %shift_right_logical3A_837 = vector.broadcast %shift_right_logical3A_836 : i32 to vector<16xi32>
      %shift_right_logical3A_838 = arith.shrui %bitcast_convert_type3A_835, %shift_right_logical3A_837 : vector<16xi32>
      %sub3A_839 = arith.constant 1597463007 : i32
      %sub3A_840 = vector.broadcast %sub3A_839 : i32 to vector<16xi32>
      %sub3A_841 = arith.subi %sub3A_840, %shift_right_logical3A_838 : vector<16xi32>
      %bitcast_convert_type3A_842 = tpu.bitcast %sub3A_841 : vector<16xi32> -> vector<16xf32>
      %mul3A_843 = arith.constant 5.000000e-01 : f32
      %mul3A_844 = vector.broadcast %mul3A_843 : f32 to vector<16xf32>
      %mul3A_845 = arith.mulf %mul3A_844, %mul3A_831 : vector<16xf32>
      %mul3A_846 = arith.mulf %mul3A_845, %bitcast_convert_type3A_842 : vector<16xf32>
      %mul3A_847 = arith.mulf %mul3A_846, %bitcast_convert_type3A_842 : vector<16xf32>
      %sub3A_848 = arith.constant 1.500000e+00 : f32
      %sub3A_849 = vector.broadcast %sub3A_848 : f32 to vector<16xf32>
      %sub3A_850 = arith.subf %sub3A_849, %mul3A_847 : vector<16xf32>
      %mul3A_851 = arith.mulf %bitcast_convert_type3A_842, %sub3A_850 : vector<16xf32>
      %mul3A_852 = arith.constant 5.000000e-01 : f32
      %mul3A_853 = vector.broadcast %mul3A_852 : f32 to vector<16xf32>
      %mul3A_854 = arith.mulf %mul3A_853, %mul3A_831 : vector<16xf32>
      %mul3A_855 = arith.mulf %mul3A_854, %mul3A_851 : vector<16xf32>
      %mul3A_856 = arith.mulf %mul3A_855, %mul3A_851 : vector<16xf32>
      %sub3A_857 = arith.constant 1.500000e+00 : f32
      %sub3A_858 = vector.broadcast %sub3A_857 : f32 to vector<16xf32>
      %sub3A_859 = arith.subf %sub3A_858, %mul3A_856 : vector<16xf32>
      %mul3A_860 = arith.mulf %mul3A_851, %sub3A_859 : vector<16xf32>
      %mul3A_861 = arith.constant 5.000000e-01 : f32
      %mul3A_862 = vector.broadcast %mul3A_861 : f32 to vector<16xf32>
      %mul3A_863 = arith.mulf %mul3A_862, %mul3A_831 : vector<16xf32>
      %mul3A_864 = arith.mulf %mul3A_863, %mul3A_860 : vector<16xf32>
      %mul3A_865 = arith.mulf %mul3A_864, %mul3A_860 : vector<16xf32>
      %sub3A_866 = arith.constant 1.500000e+00 : f32
      %sub3A_867 = vector.broadcast %sub3A_866 : f32 to vector<16xf32>
      %sub3A_868 = arith.subf %sub3A_867, %mul3A_865 : vector<16xf32>
      %mul3A_869 = arith.mulf %mul3A_860, %sub3A_868 : vector<16xf32>
      %mul3A_870 = arith.mulf %mul3A_831, %mul3A_869 : vector<16xf32>
      %sub3A_871 = arith.subf %add3A_834, %mul3A_870 : vector<16xf32>
      %add3A_872 = arith.addf %add3A_808, %sub3A_871 : vector<16xf32>
      %add3A_873 = arith.addf %broadcast_in_dim3A_230, %scan3A_295#22 : vector<16xf32>
      %mul3A_874 = arith.constant 2.000000e+00 : f32
      %mul3A_875 = vector.broadcast %mul3A_874 : f32 to vector<16xf32>
      %mul3A_876 = arith.mulf %mul3A_875, %scan3A_295#9 : vector<16xf32>
      %sub3A_877 = arith.subf %add3A_873, %mul3A_876 : vector<16xf32>
      %sub3A_878 = arith.constant 1.000000e+00 : f32
      %sub3A_879 = vector.broadcast %sub3A_878 : f32 to vector<16xf32>
      %sub3A_880 = arith.subf %sub3A_879, %scan3A_295#22 : vector<16xf32>
      %mul3A_881 = arith.mulf %sub3A_233, %sub3A_880 : vector<16xf32>
      %add3A_882 = arith.constant 9.99999974E-6 : f32
      %add3A_883 = vector.broadcast %add3A_882 : f32 to vector<16xf32>
      %add3A_884 = arith.addf %mul3A_881, %add3A_883 : vector<16xf32>
      %mul3A_885 = arith.constant 2.000000e+00 : f32
      %mul3A_886 = vector.broadcast %mul3A_885 : f32 to vector<16xf32>
      %mul3A_887 = arith.mulf %mul3A_886, %sub3A_877 : vector<16xf32>
      %div3A_888 = arith.divf %mul3A_887, %add3A_884 : vector<16xf32>
      %max3A_889 = arith.constant 9.99999974E-6 : f32
      %max3A_890 = vector.broadcast %max3A_889 : f32 to vector<16xf32>
      %max3A_891 = arith.maximumf %div3A_888, %max3A_890 : vector<16xf32>
      %add3A_892 = arith.constant 2.000000e+00 : f32
      %add3A_893 = vector.broadcast %add3A_892 : f32 to vector<16xf32>
      %add3A_894 = arith.addf %max3A_891, %add3A_893 : vector<16xf32>
      %mul3A_895 = arith.mulf %max3A_891, %add3A_894 : vector<16xf32>
      %add3A_896 = arith.constant 1.000000e+00 : f32
      %add3A_897 = vector.broadcast %add3A_896 : f32 to vector<16xf32>
      %add3A_898 = arith.addf %add3A_897, %max3A_891 : vector<16xf32>
      %bitcast_convert_type3A_899 = tpu.bitcast %mul3A_895 : vector<16xf32> -> vector<16xi32>
      %shift_right_logical3A_900 = arith.constant 1 : i32
      %shift_right_logical3A_901 = vector.broadcast %shift_right_logical3A_900 : i32 to vector<16xi32>
      %shift_right_logical3A_902 = arith.shrui %bitcast_convert_type3A_899, %shift_right_logical3A_901 : vector<16xi32>
      %sub3A_903 = arith.constant 1597463007 : i32
      %sub3A_904 = vector.broadcast %sub3A_903 : i32 to vector<16xi32>
      %sub3A_905 = arith.subi %sub3A_904, %shift_right_logical3A_902 : vector<16xi32>
      %bitcast_convert_type3A_906 = tpu.bitcast %sub3A_905 : vector<16xi32> -> vector<16xf32>
      %mul3A_907 = arith.constant 5.000000e-01 : f32
      %mul3A_908 = vector.broadcast %mul3A_907 : f32 to vector<16xf32>
      %mul3A_909 = arith.mulf %mul3A_908, %mul3A_895 : vector<16xf32>
      %mul3A_910 = arith.mulf %mul3A_909, %bitcast_convert_type3A_906 : vector<16xf32>
      %mul3A_911 = arith.mulf %mul3A_910, %bitcast_convert_type3A_906 : vector<16xf32>
      %sub3A_912 = arith.constant 1.500000e+00 : f32
      %sub3A_913 = vector.broadcast %sub3A_912 : f32 to vector<16xf32>
      %sub3A_914 = arith.subf %sub3A_913, %mul3A_911 : vector<16xf32>
      %mul3A_915 = arith.mulf %bitcast_convert_type3A_906, %sub3A_914 : vector<16xf32>
      %mul3A_916 = arith.constant 5.000000e-01 : f32
      %mul3A_917 = vector.broadcast %mul3A_916 : f32 to vector<16xf32>
      %mul3A_918 = arith.mulf %mul3A_917, %mul3A_895 : vector<16xf32>
      %mul3A_919 = arith.mulf %mul3A_918, %mul3A_915 : vector<16xf32>
      %mul3A_920 = arith.mulf %mul3A_919, %mul3A_915 : vector<16xf32>
      %sub3A_921 = arith.constant 1.500000e+00 : f32
      %sub3A_922 = vector.broadcast %sub3A_921 : f32 to vector<16xf32>
      %sub3A_923 = arith.subf %sub3A_922, %mul3A_920 : vector<16xf32>
      %mul3A_924 = arith.mulf %mul3A_915, %sub3A_923 : vector<16xf32>
      %mul3A_925 = arith.constant 5.000000e-01 : f32
      %mul3A_926 = vector.broadcast %mul3A_925 : f32 to vector<16xf32>
      %mul3A_927 = arith.mulf %mul3A_926, %mul3A_895 : vector<16xf32>
      %mul3A_928 = arith.mulf %mul3A_927, %mul3A_924 : vector<16xf32>
      %mul3A_929 = arith.mulf %mul3A_928, %mul3A_924 : vector<16xf32>
      %sub3A_930 = arith.constant 1.500000e+00 : f32
      %sub3A_931 = vector.broadcast %sub3A_930 : f32 to vector<16xf32>
      %sub3A_932 = arith.subf %sub3A_931, %mul3A_929 : vector<16xf32>
      %mul3A_933 = arith.mulf %mul3A_924, %sub3A_932 : vector<16xf32>
      %mul3A_934 = arith.mulf %mul3A_895, %mul3A_933 : vector<16xf32>
      %sub3A_935 = arith.subf %add3A_898, %mul3A_934 : vector<16xf32>
      %add3A_936 = arith.addf %add3A_872, %sub3A_935 : vector<16xf32>
      %add3A_937 = arith.addf %broadcast_in_dim3A_230, %scan3A_295#23 : vector<16xf32>
      %mul3A_938 = arith.constant 2.000000e+00 : f32
      %mul3A_939 = vector.broadcast %mul3A_938 : f32 to vector<16xf32>
      %mul3A_940 = arith.mulf %mul3A_939, %scan3A_295#10 : vector<16xf32>
      %sub3A_941 = arith.subf %add3A_937, %mul3A_940 : vector<16xf32>
      %sub3A_942 = arith.constant 1.000000e+00 : f32
      %sub3A_943 = vector.broadcast %sub3A_942 : f32 to vector<16xf32>
      %sub3A_944 = arith.subf %sub3A_943, %scan3A_295#23 : vector<16xf32>
      %mul3A_945 = arith.mulf %sub3A_233, %sub3A_944 : vector<16xf32>
      %add3A_946 = arith.constant 9.99999974E-6 : f32
      %add3A_947 = vector.broadcast %add3A_946 : f32 to vector<16xf32>
      %add3A_948 = arith.addf %mul3A_945, %add3A_947 : vector<16xf32>
      %mul3A_949 = arith.constant 2.000000e+00 : f32
      %mul3A_950 = vector.broadcast %mul3A_949 : f32 to vector<16xf32>
      %mul3A_951 = arith.mulf %mul3A_950, %sub3A_941 : vector<16xf32>
      %div3A_952 = arith.divf %mul3A_951, %add3A_948 : vector<16xf32>
      %max3A_953 = arith.constant 9.99999974E-6 : f32
      %max3A_954 = vector.broadcast %max3A_953 : f32 to vector<16xf32>
      %max3A_955 = arith.maximumf %div3A_952, %max3A_954 : vector<16xf32>
      %add3A_956 = arith.constant 2.000000e+00 : f32
      %add3A_957 = vector.broadcast %add3A_956 : f32 to vector<16xf32>
      %add3A_958 = arith.addf %max3A_955, %add3A_957 : vector<16xf32>
      %mul3A_959 = arith.mulf %max3A_955, %add3A_958 : vector<16xf32>
      %add3A_960 = arith.constant 1.000000e+00 : f32
      %add3A_961 = vector.broadcast %add3A_960 : f32 to vector<16xf32>
      %add3A_962 = arith.addf %add3A_961, %max3A_955 : vector<16xf32>
      %bitcast_convert_type3A_963 = tpu.bitcast %mul3A_959 : vector<16xf32> -> vector<16xi32>
      %shift_right_logical3A_964 = arith.constant 1 : i32
      %shift_right_logical3A_965 = vector.broadcast %shift_right_logical3A_964 : i32 to vector<16xi32>
      %shift_right_logical3A_966 = arith.shrui %bitcast_convert_type3A_963, %shift_right_logical3A_965 : vector<16xi32>
      %sub3A_967 = arith.constant 1597463007 : i32
      %sub3A_968 = vector.broadcast %sub3A_967 : i32 to vector<16xi32>
      %sub3A_969 = arith.subi %sub3A_968, %shift_right_logical3A_966 : vector<16xi32>
      %bitcast_convert_type3A_970 = tpu.bitcast %sub3A_969 : vector<16xi32> -> vector<16xf32>
      %mul3A_971 = arith.constant 5.000000e-01 : f32
      %mul3A_972 = vector.broadcast %mul3A_971 : f32 to vector<16xf32>
      %mul3A_973 = arith.mulf %mul3A_972, %mul3A_959 : vector<16xf32>
      %mul3A_974 = arith.mulf %mul3A_973, %bitcast_convert_type3A_970 : vector<16xf32>
      %mul3A_975 = arith.mulf %mul3A_974, %bitcast_convert_type3A_970 : vector<16xf32>
      %sub3A_976 = arith.constant 1.500000e+00 : f32
      %sub3A_977 = vector.broadcast %sub3A_976 : f32 to vector<16xf32>
      %sub3A_978 = arith.subf %sub3A_977, %mul3A_975 : vector<16xf32>
      %mul3A_979 = arith.mulf %bitcast_convert_type3A_970, %sub3A_978 : vector<16xf32>
      %mul3A_980 = arith.constant 5.000000e-01 : f32
      %mul3A_981 = vector.broadcast %mul3A_980 : f32 to vector<16xf32>
      %mul3A_982 = arith.mulf %mul3A_981, %mul3A_959 : vector<16xf32>
      %mul3A_983 = arith.mulf %mul3A_982, %mul3A_979 : vector<16xf32>
      %mul3A_984 = arith.mulf %mul3A_983, %mul3A_979 : vector<16xf32>
      %sub3A_985 = arith.constant 1.500000e+00 : f32
      %sub3A_986 = vector.broadcast %sub3A_985 : f32 to vector<16xf32>
      %sub3A_987 = arith.subf %sub3A_986, %mul3A_984 : vector<16xf32>
      %mul3A_988 = arith.mulf %mul3A_979, %sub3A_987 : vector<16xf32>
      %mul3A_989 = arith.constant 5.000000e-01 : f32
      %mul3A_990 = vector.broadcast %mul3A_989 : f32 to vector<16xf32>
      %mul3A_991 = arith.mulf %mul3A_990, %mul3A_959 : vector<16xf32>
      %mul3A_992 = arith.mulf %mul3A_991, %mul3A_988 : vector<16xf32>
      %mul3A_993 = arith.mulf %mul3A_992, %mul3A_988 : vector<16xf32>
      %sub3A_994 = arith.constant 1.500000e+00 : f32
      %sub3A_995 = vector.broadcast %sub3A_994 : f32 to vector<16xf32>
      %sub3A_996 = arith.subf %sub3A_995, %mul3A_993 : vector<16xf32>
      %mul3A_997 = arith.mulf %mul3A_988, %sub3A_996 : vector<16xf32>
      %mul3A_998 = arith.mulf %mul3A_959, %mul3A_997 : vector<16xf32>
      %sub3A_999 = arith.subf %add3A_962, %mul3A_998 : vector<16xf32>
      %add3A_1000 = arith.addf %add3A_936, %sub3A_999 : vector<16xf32>
      %add3A_1001 = arith.addf %broadcast_in_dim3A_230, %scan3A_295#24 : vector<16xf32>
      %mul3A_1002 = arith.constant 2.000000e+00 : f32
      %mul3A_1003 = vector.broadcast %mul3A_1002 : f32 to vector<16xf32>
      %mul3A_1004 = arith.mulf %mul3A_1003, %scan3A_295#11 : vector<16xf32>
      %sub3A_1005 = arith.subf %add3A_1001, %mul3A_1004 : vector<16xf32>
      %sub3A_1006 = arith.constant 1.000000e+00 : f32
      %sub3A_1007 = vector.broadcast %sub3A_1006 : f32 to vector<16xf32>
      %sub3A_1008 = arith.subf %sub3A_1007, %scan3A_295#24 : vector<16xf32>
      %mul3A_1009 = arith.mulf %sub3A_233, %sub3A_1008 : vector<16xf32>
      %add3A_1010 = arith.constant 9.99999974E-6 : f32
      %add3A_1011 = vector.broadcast %add3A_1010 : f32 to vector<16xf32>
      %add3A_1012 = arith.addf %mul3A_1009, %add3A_1011 : vector<16xf32>
      %mul3A_1013 = arith.constant 2.000000e+00 : f32
      %mul3A_1014 = vector.broadcast %mul3A_1013 : f32 to vector<16xf32>
      %mul3A_1015 = arith.mulf %mul3A_1014, %sub3A_1005 : vector<16xf32>
      %div3A_1016 = arith.divf %mul3A_1015, %add3A_1012 : vector<16xf32>
      %max3A_1017 = arith.constant 9.99999974E-6 : f32
      %max3A_1018 = vector.broadcast %max3A_1017 : f32 to vector<16xf32>
      %max3A_1019 = arith.maximumf %div3A_1016, %max3A_1018 : vector<16xf32>
      %add3A_1020 = arith.constant 2.000000e+00 : f32
      %add3A_1021 = vector.broadcast %add3A_1020 : f32 to vector<16xf32>
      %add3A_1022 = arith.addf %max3A_1019, %add3A_1021 : vector<16xf32>
      %mul3A_1023 = arith.mulf %max3A_1019, %add3A_1022 : vector<16xf32>
      %add3A_1024 = arith.constant 1.000000e+00 : f32
      %add3A_1025 = vector.broadcast %add3A_1024 : f32 to vector<16xf32>
      %add3A_1026 = arith.addf %add3A_1025, %max3A_1019 : vector<16xf32>
      %bitcast_convert_type3A_1027 = tpu.bitcast %mul3A_1023 : vector<16xf32> -> vector<16xi32>
      %shift_right_logical3A_1028 = arith.constant 1 : i32
      %shift_right_logical3A_1029 = vector.broadcast %shift_right_logical3A_1028 : i32 to vector<16xi32>
      %shift_right_logical3A_1030 = arith.shrui %bitcast_convert_type3A_1027, %shift_right_logical3A_1029 : vector<16xi32>
      %sub3A_1031 = arith.constant 1597463007 : i32
      %sub3A_1032 = vector.broadcast %sub3A_1031 : i32 to vector<16xi32>
      %sub3A_1033 = arith.subi %sub3A_1032, %shift_right_logical3A_1030 : vector<16xi32>
      %bitcast_convert_type3A_1034 = tpu.bitcast %sub3A_1033 : vector<16xi32> -> vector<16xf32>
      %mul3A_1035 = arith.constant 5.000000e-01 : f32
      %mul3A_1036 = vector.broadcast %mul3A_1035 : f32 to vector<16xf32>
      %mul3A_1037 = arith.mulf %mul3A_1036, %mul3A_1023 : vector<16xf32>
      %mul3A_1038 = arith.mulf %mul3A_1037, %bitcast_convert_type3A_1034 : vector<16xf32>
      %mul3A_1039 = arith.mulf %mul3A_1038, %bitcast_convert_type3A_1034 : vector<16xf32>
      %sub3A_1040 = arith.constant 1.500000e+00 : f32
      %sub3A_1041 = vector.broadcast %sub3A_1040 : f32 to vector<16xf32>
      %sub3A_1042 = arith.subf %sub3A_1041, %mul3A_1039 : vector<16xf32>
      %mul3A_1043 = arith.mulf %bitcast_convert_type3A_1034, %sub3A_1042 : vector<16xf32>
      %mul3A_1044 = arith.constant 5.000000e-01 : f32
      %mul3A_1045 = vector.broadcast %mul3A_1044 : f32 to vector<16xf32>
      %mul3A_1046 = arith.mulf %mul3A_1045, %mul3A_1023 : vector<16xf32>
      %mul3A_1047 = arith.mulf %mul3A_1046, %mul3A_1043 : vector<16xf32>
      %mul3A_1048 = arith.mulf %mul3A_1047, %mul3A_1043 : vector<16xf32>
      %sub3A_1049 = arith.constant 1.500000e+00 : f32
      %sub3A_1050 = vector.broadcast %sub3A_1049 : f32 to vector<16xf32>
      %sub3A_1051 = arith.subf %sub3A_1050, %mul3A_1048 : vector<16xf32>
      %mul3A_1052 = arith.mulf %mul3A_1043, %sub3A_1051 : vector<16xf32>
      %mul3A_1053 = arith.constant 5.000000e-01 : f32
      %mul3A_1054 = vector.broadcast %mul3A_1053 : f32 to vector<16xf32>
      %mul3A_1055 = arith.mulf %mul3A_1054, %mul3A_1023 : vector<16xf32>
      %mul3A_1056 = arith.mulf %mul3A_1055, %mul3A_1052 : vector<16xf32>
      %mul3A_1057 = arith.mulf %mul3A_1056, %mul3A_1052 : vector<16xf32>
      %sub3A_1058 = arith.constant 1.500000e+00 : f32
      %sub3A_1059 = vector.broadcast %sub3A_1058 : f32 to vector<16xf32>
      %sub3A_1060 = arith.subf %sub3A_1059, %mul3A_1057 : vector<16xf32>
      %mul3A_1061 = arith.mulf %mul3A_1052, %sub3A_1060 : vector<16xf32>
      %mul3A_1062 = arith.mulf %mul3A_1023, %mul3A_1061 : vector<16xf32>
      %sub3A_1063 = arith.subf %add3A_1026, %mul3A_1062 : vector<16xf32>
      %add3A_1064 = arith.addf %add3A_1000, %sub3A_1063 : vector<16xf32>
      %add3A_1065 = arith.addf %broadcast_in_dim3A_230, %scan3A_295#25 : vector<16xf32>
      %mul3A_1066 = arith.constant 2.000000e+00 : f32
      %mul3A_1067 = vector.broadcast %mul3A_1066 : f32 to vector<16xf32>
      %mul3A_1068 = arith.mulf %mul3A_1067, %scan3A_295#12 : vector<16xf32>
      %sub3A_1069 = arith.subf %add3A_1065, %mul3A_1068 : vector<16xf32>
      %sub3A_1070 = arith.constant 1.000000e+00 : f32
      %sub3A_1071 = vector.broadcast %sub3A_1070 : f32 to vector<16xf32>
      %sub3A_1072 = arith.subf %sub3A_1071, %scan3A_295#25 : vector<16xf32>
      %mul3A_1073 = arith.mulf %sub3A_233, %sub3A_1072 : vector<16xf32>
      %add3A_1074 = arith.constant 9.99999974E-6 : f32
      %add3A_1075 = vector.broadcast %add3A_1074 : f32 to vector<16xf32>
      %add3A_1076 = arith.addf %mul3A_1073, %add3A_1075 : vector<16xf32>
      %mul3A_1077 = arith.constant 2.000000e+00 : f32
      %mul3A_1078 = vector.broadcast %mul3A_1077 : f32 to vector<16xf32>
      %mul3A_1079 = arith.mulf %mul3A_1078, %sub3A_1069 : vector<16xf32>
      %div3A_1080 = arith.divf %mul3A_1079, %add3A_1076 : vector<16xf32>
      %max3A_1081 = arith.constant 9.99999974E-6 : f32
      %max3A_1082 = vector.broadcast %max3A_1081 : f32 to vector<16xf32>
      %max3A_1083 = arith.maximumf %div3A_1080, %max3A_1082 : vector<16xf32>
      %add3A_1084 = arith.constant 2.000000e+00 : f32
      %add3A_1085 = vector.broadcast %add3A_1084 : f32 to vector<16xf32>
      %add3A_1086 = arith.addf %max3A_1083, %add3A_1085 : vector<16xf32>
      %mul3A_1087 = arith.mulf %max3A_1083, %add3A_1086 : vector<16xf32>
      %add3A_1088 = arith.constant 1.000000e+00 : f32
      %add3A_1089 = vector.broadcast %add3A_1088 : f32 to vector<16xf32>
      %add3A_1090 = arith.addf %add3A_1089, %max3A_1083 : vector<16xf32>
      %bitcast_convert_type3A_1091 = tpu.bitcast %mul3A_1087 : vector<16xf32> -> vector<16xi32>
      %shift_right_logical3A_1092 = arith.constant 1 : i32
      %shift_right_logical3A_1093 = vector.broadcast %shift_right_logical3A_1092 : i32 to vector<16xi32>
      %shift_right_logical3A_1094 = arith.shrui %bitcast_convert_type3A_1091, %shift_right_logical3A_1093 : vector<16xi32>
      %sub3A_1095 = arith.constant 1597463007 : i32
      %sub3A_1096 = vector.broadcast %sub3A_1095 : i32 to vector<16xi32>
      %sub3A_1097 = arith.subi %sub3A_1096, %shift_right_logical3A_1094 : vector<16xi32>
      %bitcast_convert_type3A_1098 = tpu.bitcast %sub3A_1097 : vector<16xi32> -> vector<16xf32>
      %mul3A_1099 = arith.constant 5.000000e-01 : f32
      %mul3A_1100 = vector.broadcast %mul3A_1099 : f32 to vector<16xf32>
      %mul3A_1101 = arith.mulf %mul3A_1100, %mul3A_1087 : vector<16xf32>
      %mul3A_1102 = arith.mulf %mul3A_1101, %bitcast_convert_type3A_1098 : vector<16xf32>
      %mul3A_1103 = arith.mulf %mul3A_1102, %bitcast_convert_type3A_1098 : vector<16xf32>
      %sub3A_1104 = arith.constant 1.500000e+00 : f32
      %sub3A_1105 = vector.broadcast %sub3A_1104 : f32 to vector<16xf32>
      %sub3A_1106 = arith.subf %sub3A_1105, %mul3A_1103 : vector<16xf32>
      %mul3A_1107 = arith.mulf %bitcast_convert_type3A_1098, %sub3A_1106 : vector<16xf32>
      %mul3A_1108 = arith.constant 5.000000e-01 : f32
      %mul3A_1109 = vector.broadcast %mul3A_1108 : f32 to vector<16xf32>
      %mul3A_1110 = arith.mulf %mul3A_1109, %mul3A_1087 : vector<16xf32>
      %mul3A_1111 = arith.mulf %mul3A_1110, %mul3A_1107 : vector<16xf32>
      %mul3A_1112 = arith.mulf %mul3A_1111, %mul3A_1107 : vector<16xf32>
      %sub3A_1113 = arith.constant 1.500000e+00 : f32
      %sub3A_1114 = vector.broadcast %sub3A_1113 : f32 to vector<16xf32>
      %sub3A_1115 = arith.subf %sub3A_1114, %mul3A_1112 : vector<16xf32>
      %mul3A_1116 = arith.mulf %mul3A_1107, %sub3A_1115 : vector<16xf32>
      %mul3A_1117 = arith.constant 5.000000e-01 : f32
      %mul3A_1118 = vector.broadcast %mul3A_1117 : f32 to vector<16xf32>
      %mul3A_1119 = arith.mulf %mul3A_1118, %mul3A_1087 : vector<16xf32>
      %mul3A_1120 = arith.mulf %mul3A_1119, %mul3A_1116 : vector<16xf32>
      %mul3A_1121 = arith.mulf %mul3A_1120, %mul3A_1116 : vector<16xf32>
      %sub3A_1122 = arith.constant 1.500000e+00 : f32
      %sub3A_1123 = vector.broadcast %sub3A_1122 : f32 to vector<16xf32>
      %sub3A_1124 = arith.subf %sub3A_1123, %mul3A_1121 : vector<16xf32>
      %mul3A_1125 = arith.mulf %mul3A_1116, %sub3A_1124 : vector<16xf32>
      %mul3A_1126 = arith.mulf %mul3A_1087, %mul3A_1125 : vector<16xf32>
      %sub3A_1127 = arith.subf %add3A_1090, %mul3A_1126 : vector<16xf32>
      %jit3A = arith.constant 0.000000e+00 : f32
      %broadcast_in_dim3A_1128 = vector.broadcast %jit3A : f32 to vector<16xf32>
      %select_n3A = arith.select %lt3A_6, %sub3A_1127, %broadcast_in_dim3A_1128 : vector<16xi1>, vector<16xf32>
      %add3A_1129 = arith.addf %add3A_1064, %select_n3A : vector<16xf32>
      %add3A_1130 = arith.constant 2 : i32
      %add3A_1131 = arith.addi %mul3A_99, %add3A_1130 : i32
      %lt3A_1132 = arith.constant 128 : i32
      %lt3A_1133 = arith.cmpi slt, %add3A_1131, %lt3A_1132 : i32
      %convert_element_type3A = arith.extui %lt3A_1133 : i1 to i32
      %cond3A = arith.constant 0 : i32
      %cond3A_1134 = arith.cmpi ne, %convert_element_type3A, %cond3A : i32
      scf.if %cond3A_1134 {
        %add3A_2184 = arith.constant 2 : i32
        %add3A_2185 = arith.addi %mul3A_99, %add3A_2184 : i32
        %dma_start3A_2186 = arith.constant 0 : i32
        %dma_start3A_2187 = arith.constant 0 : i32
        %dma_start3A_2188 = arith.constant 0 : i32
        %dma_start3A_2189 = tpu.memref_slice %arg7[%dma_start3A_2187, %dma_start3A_2188] : memref<208x128xf32, #tpu.memory_space<vmem>> -> memref<104x128xf32, #tpu.memory_space<vmem>>
        %dma_start3A_2190 = arith.constant 0 : i32
        %dma_start3A_2191 = tpu.memref_slice %arg6[%add3A_2185, %dma_start3A_2186, %dma_start3A_2190] : memref<128x2x104xi32, #tpu.memory_space<vmem>> -> memref<1x1x104xi32, #tpu.memory_space<vmem>>
        %dma_start3A_2192 = tpu.memref_squeeze %dma_start3A_2191 : memref<1x1x104xi32, #tpu.memory_space<vmem>> -> memref<104xi32, #tpu.memory_space<vmem>>
        %dma_start3A_2193 = arith.constant 0 : i32
        %dma_start3A_2194 = arith.constant 0 : i32
        %dma_start3A_2195 = tpu.memref_slice %arg2[%dma_start3A_2193, %dma_start3A_2194] : memref<100000x128xf32, #tpu.memory_space<hbm>> -> memref<100000x128xf32, #tpu.memory_space<hbm>>
        tpu.enqueue_indirect_dma source(%dma_start3A_2195 : memref<100000x128xf32, #tpu.memory_space<hbm>>) target(%dma_start3A_2189 : memref<104x128xf32, #tpu.memory_space<vmem>>) offsets(%dma_start3A_2192 : memref<104xi32, #tpu.memory_space<vmem>>) semaphore(%arg11 : memref<!tpu.dma_semaphore, #tpu.memory_space<semaphore_mem>>)
        %dma_start3A_2196 = arith.constant 1 : i32
        %dma_start3A_2197 = arith.constant 104 : i32
        %dma_start3A_2198 = arith.constant 0 : i32
        %dma_start3A_2199 = tpu.memref_slice %arg7[%dma_start3A_2197, %dma_start3A_2198] : memref<208x128xf32, #tpu.memory_space<vmem>> -> memref<104x128xf32, #tpu.memory_space<vmem>>
        %dma_start3A_2200 = arith.constant 0 : i32
        %dma_start3A_2201 = tpu.memref_slice %arg6[%add3A_2185, %dma_start3A_2196, %dma_start3A_2200] : memref<128x2x104xi32, #tpu.memory_space<vmem>> -> memref<1x1x104xi32, #tpu.memory_space<vmem>>
        %dma_start3A_2202 = tpu.memref_squeeze %dma_start3A_2201 : memref<1x1x104xi32, #tpu.memory_space<vmem>> -> memref<104xi32, #tpu.memory_space<vmem>>
        %dma_start3A_2203 = arith.constant 0 : i32
        %dma_start3A_2204 = arith.constant 0 : i32
        %dma_start3A_2205 = tpu.memref_slice %arg2[%dma_start3A_2203, %dma_start3A_2204] : memref<100000x128xf32, #tpu.memory_space<hbm>> -> memref<100000x128xf32, #tpu.memory_space<hbm>>
        tpu.enqueue_indirect_dma source(%dma_start3A_2205 : memref<100000x128xf32, #tpu.memory_space<hbm>>) target(%dma_start3A_2199 : memref<104x128xf32, #tpu.memory_space<vmem>>) offsets(%dma_start3A_2202 : memref<104xi32, #tpu.memory_space<vmem>>) semaphore(%arg11 : memref<!tpu.dma_semaphore, #tpu.memory_space<semaphore_mem>>)
      } else {
      }
      %dma_wait3A_1135 = arith.constant 0 : i32
      %dma_wait3A_1136 = arith.constant 0 : i32
      %dma_wait3A_1137 = arith.constant 0 : i32
      %dma_wait3A_1138 = arith.constant 0 : i32
      %dma_wait3A_1139 = tpu.memref_slice %arg8[%dma_wait3A_1137, %dma_wait3A_1138] : memref<208x128xf32, #tpu.memory_space<vmem>> -> memref<104x128xf32, #tpu.memory_space<vmem>>
      %dma_wait3A_1140 = arith.constant 0 : i32
      %dma_wait3A_1141 = tpu.memref_slice %arg6[%dma_wait3A_1135, %dma_wait3A_1136, %dma_wait3A_1140] : memref<128x2x104xi32, #tpu.memory_space<vmem>> -> memref<1x1x104xi32, #tpu.memory_space<vmem>>
      %dma_wait3A_1142 = tpu.memref_squeeze %dma_wait3A_1141 : memref<1x1x104xi32, #tpu.memory_space<vmem>> -> memref<104xi32, #tpu.memory_space<vmem>>
      %dma_wait3A_1143 = arith.constant 0 : i32
      %dma_wait3A_1144 = arith.constant 0 : i32
      %dma_wait3A_1145 = tpu.memref_slice %arg2[%dma_wait3A_1143, %dma_wait3A_1144] : memref<100000x128xf32, #tpu.memory_space<hbm>> -> memref<100000x128xf32, #tpu.memory_space<hbm>>
      tpu.wait_indirect_dma semaphore(%arg12 : memref<!tpu.dma_semaphore, #tpu.memory_space<semaphore_mem>>) src(%dma_wait3A_1145 : memref<100000x128xf32, #tpu.memory_space<hbm>>) dst(%dma_wait3A_1139 : memref<104x128xf32, #tpu.memory_space<vmem>>)
      %dma_wait3A_1146 = arith.constant 0 : i32
      %dma_wait3A_1147 = arith.constant 1 : i32
      %dma_wait3A_1148 = arith.constant 104 : i32
      %dma_wait3A_1149 = arith.constant 0 : i32
      %dma_wait3A_1150 = tpu.memref_slice %arg8[%dma_wait3A_1148, %dma_wait3A_1149] : memref<208x128xf32, #tpu.memory_space<vmem>> -> memref<104x128xf32, #tpu.memory_space<vmem>>
      %dma_wait3A_1151 = arith.constant 0 : i32
      %dma_wait3A_1152 = tpu.memref_slice %arg6[%dma_wait3A_1146, %dma_wait3A_1147, %dma_wait3A_1151] : memref<128x2x104xi32, #tpu.memory_space<vmem>> -> memref<1x1x104xi32, #tpu.memory_space<vmem>>
      %dma_wait3A_1153 = tpu.memref_squeeze %dma_wait3A_1152 : memref<1x1x104xi32, #tpu.memory_space<vmem>> -> memref<104xi32, #tpu.memory_space<vmem>>
      %dma_wait3A_1154 = arith.constant 0 : i32
      %dma_wait3A_1155 = arith.constant 0 : i32
      %dma_wait3A_1156 = tpu.memref_slice %arg2[%dma_wait3A_1154, %dma_wait3A_1155] : memref<100000x128xf32, #tpu.memory_space<hbm>> -> memref<100000x128xf32, #tpu.memory_space<hbm>>
      tpu.wait_indirect_dma semaphore(%arg12 : memref<!tpu.dma_semaphore, #tpu.memory_space<semaphore_mem>>) src(%dma_wait3A_1156 : memref<100000x128xf32, #tpu.memory_space<hbm>>) dst(%dma_wait3A_1150 : memref<104x128xf32, #tpu.memory_space<vmem>>)
      %add3A_1157 = arith.constant 1 : i32
      %add3A_1158 = arith.addi %mul3A_99, %add3A_1157 : i32
      %broadcast_in_dim3A_1159 = arith.constant 201 : i32
      %broadcast_in_dim3A_1160 = vector.broadcast %broadcast_in_dim3A_1159 : i32 to vector<16xi32>
      %broadcast_in_dim3A_1161 = arith.constant 200 : i32
      %broadcast_in_dim3A_1162 = vector.broadcast %broadcast_in_dim3A_1161 : i32 to vector<16xi32>
      %add3A_1163 = arith.constant 0 : i32
      %add3A_1164 = vector.broadcast %add3A_1163 : i32 to vector<16xi32>
      %add3A_1165 = arith.addi %iota3A, %add3A_1164 : vector<16xi32>
      %gather3A_1166 = tpu.vector_load_idx %arg8[%broadcast_in_dim3A_1160, %add3A_1165] : memref<208x128xf32, #tpu.memory_space<vmem>>[vector<16xi32>, vector<16xi32>], vector<16xf32>,
      %gather3A_1167 = tpu.vector_load_idx %arg8[%broadcast_in_dim3A_1162, %add3A_1165] : memref<208x128xf32, #tpu.memory_space<vmem>>[vector<16xi32>, vector<16xi32>], vector<16xf32>,
      %sub3A_1168 = arith.subf %gather3A_1166, %gather3A_1167 : vector<16xf32>
      %mul3A_1169 = arith.mulf %sub3A_1168, %sub3A_1168 : vector<16xf32>
      %add3A_1170 = arith.addf %broadcast_in_dim3A_46, %mul3A_1169 : vector<16xf32>
      %mul3A_1171 = arith.mulf %gather3A_1166, %gather3A_1166 : vector<16xf32>
      %add3A_1172 = arith.addf %broadcast_in_dim3A_46, %mul3A_1171 : vector<16xf32>
      %mul3A_1173 = arith.mulf %gather3A_1167, %gather3A_1167 : vector<16xf32>
      %add3A_1174 = arith.addf %broadcast_in_dim3A_46, %mul3A_1173 : vector<16xf32>
      %add3A_1175 = arith.constant 16 : i32
      %add3A_1176 = vector.broadcast %add3A_1175 : i32 to vector<16xi32>
      %add3A_1177 = arith.addi %iota3A, %add3A_1176 : vector<16xi32>
      %gather3A_1178 = tpu.vector_load_idx %arg8[%broadcast_in_dim3A_1160, %add3A_1177] : memref<208x128xf32, #tpu.memory_space<vmem>>[vector<16xi32>, vector<16xi32>], vector<16xf32>,
      %gather3A_1179 = tpu.vector_load_idx %arg8[%broadcast_in_dim3A_1162, %add3A_1177] : memref<208x128xf32, #tpu.memory_space<vmem>>[vector<16xi32>, vector<16xi32>], vector<16xf32>,
      %sub3A_1180 = arith.subf %gather3A_1178, %gather3A_1179 : vector<16xf32>
      %mul3A_1181 = arith.mulf %sub3A_1180, %sub3A_1180 : vector<16xf32>
      %add3A_1182 = arith.addf %add3A_1170, %mul3A_1181 : vector<16xf32>
      %mul3A_1183 = arith.mulf %gather3A_1178, %gather3A_1178 : vector<16xf32>
      %add3A_1184 = arith.addf %add3A_1172, %mul3A_1183 : vector<16xf32>
      %mul3A_1185 = arith.mulf %gather3A_1179, %gather3A_1179 : vector<16xf32>
      %add3A_1186 = arith.addf %add3A_1174, %mul3A_1185 : vector<16xf32>
      %add3A_1187 = arith.constant 32 : i32
      %add3A_1188 = vector.broadcast %add3A_1187 : i32 to vector<16xi32>
      %add3A_1189 = arith.addi %iota3A, %add3A_1188 : vector<16xi32>
      %gather3A_1190 = tpu.vector_load_idx %arg8[%broadcast_in_dim3A_1160, %add3A_1189] : memref<208x128xf32, #tpu.memory_space<vmem>>[vector<16xi32>, vector<16xi32>], vector<16xf32>,
      %gather3A_1191 = tpu.vector_load_idx %arg8[%broadcast_in_dim3A_1162, %add3A_1189] : memref<208x128xf32, #tpu.memory_space<vmem>>[vector<16xi32>, vector<16xi32>], vector<16xf32>,
      %sub3A_1192 = arith.subf %gather3A_1190, %gather3A_1191 : vector<16xf32>
      %mul3A_1193 = arith.mulf %sub3A_1192, %sub3A_1192 : vector<16xf32>
      %add3A_1194 = arith.addf %add3A_1182, %mul3A_1193 : vector<16xf32>
      %mul3A_1195 = arith.mulf %gather3A_1190, %gather3A_1190 : vector<16xf32>
      %add3A_1196 = arith.addf %add3A_1184, %mul3A_1195 : vector<16xf32>
      %mul3A_1197 = arith.mulf %gather3A_1191, %gather3A_1191 : vector<16xf32>
      %add3A_1198 = arith.addf %add3A_1186, %mul3A_1197 : vector<16xf32>
      %add3A_1199 = arith.constant 48 : i32
      %add3A_1200 = vector.broadcast %add3A_1199 : i32 to vector<16xi32>
      %add3A_1201 = arith.addi %iota3A, %add3A_1200 : vector<16xi32>
      %gather3A_1202 = tpu.vector_load_idx %arg8[%broadcast_in_dim3A_1160, %add3A_1201] : memref<208x128xf32, #tpu.memory_space<vmem>>[vector<16xi32>, vector<16xi32>], vector<16xf32>,
      %gather3A_1203 = tpu.vector_load_idx %arg8[%broadcast_in_dim3A_1162, %add3A_1201] : memref<208x128xf32, #tpu.memory_space<vmem>>[vector<16xi32>, vector<16xi32>], vector<16xf32>,
      %sub3A_1204 = arith.subf %gather3A_1202, %gather3A_1203 : vector<16xf32>
      %mul3A_1205 = arith.mulf %sub3A_1204, %sub3A_1204 : vector<16xf32>
      %add3A_1206 = arith.addf %add3A_1194, %mul3A_1205 : vector<16xf32>
      %mul3A_1207 = arith.mulf %gather3A_1202, %gather3A_1202 : vector<16xf32>
      %add3A_1208 = arith.addf %add3A_1196, %mul3A_1207 : vector<16xf32>
      %mul3A_1209 = arith.mulf %gather3A_1203, %gather3A_1203 : vector<16xf32>
      %add3A_1210 = arith.addf %add3A_1198, %mul3A_1209 : vector<16xf32>
      %add3A_1211 = arith.constant 64 : i32
      %add3A_1212 = vector.broadcast %add3A_1211 : i32 to vector<16xi32>
      %add3A_1213 = arith.addi %iota3A, %add3A_1212 : vector<16xi32>
      %gather3A_1214 = tpu.vector_load_idx %arg8[%broadcast_in_dim3A_1160, %add3A_1213] : memref<208x128xf32, #tpu.memory_space<vmem>>[vector<16xi32>, vector<16xi32>], vector<16xf32>,
      %gather3A_1215 = tpu.vector_load_idx %arg8[%broadcast_in_dim3A_1162, %add3A_1213] : memref<208x128xf32, #tpu.memory_space<vmem>>[vector<16xi32>, vector<16xi32>], vector<16xf32>,
      %sub3A_1216 = arith.subf %gather3A_1214, %gather3A_1215 : vector<16xf32>
      %mul3A_1217 = arith.mulf %sub3A_1216, %sub3A_1216 : vector<16xf32>
      %add3A_1218 = arith.addf %add3A_1206, %mul3A_1217 : vector<16xf32>
      %mul3A_1219 = arith.mulf %gather3A_1214, %gather3A_1214 : vector<16xf32>
      %add3A_1220 = arith.addf %add3A_1208, %mul3A_1219 : vector<16xf32>
      %mul3A_1221 = arith.mulf %gather3A_1215, %gather3A_1215 : vector<16xf32>
      %add3A_1222 = arith.addf %add3A_1210, %mul3A_1221 : vector<16xf32>
      %add3A_1223 = arith.constant 80 : i32
      %add3A_1224 = vector.broadcast %add3A_1223 : i32 to vector<16xi32>
      %add3A_1225 = arith.addi %iota3A, %add3A_1224 : vector<16xi32>
      %gather3A_1226 = tpu.vector_load_idx %arg8[%broadcast_in_dim3A_1160, %add3A_1225] : memref<208x128xf32, #tpu.memory_space<vmem>>[vector<16xi32>, vector<16xi32>], vector<16xf32>,
      %gather3A_1227 = tpu.vector_load_idx %arg8[%broadcast_in_dim3A_1162, %add3A_1225] : memref<208x128xf32, #tpu.memory_space<vmem>>[vector<16xi32>, vector<16xi32>], vector<16xf32>,
      %sub3A_1228 = arith.subf %gather3A_1226, %gather3A_1227 : vector<16xf32>
      %mul3A_1229 = arith.mulf %sub3A_1228, %sub3A_1228 : vector<16xf32>
      %add3A_1230 = arith.addf %add3A_1218, %mul3A_1229 : vector<16xf32>
      %mul3A_1231 = arith.mulf %gather3A_1226, %gather3A_1226 : vector<16xf32>
      %add3A_1232 = arith.addf %add3A_1220, %mul3A_1231 : vector<16xf32>
      %mul3A_1233 = arith.mulf %gather3A_1227, %gather3A_1227 : vector<16xf32>
      %add3A_1234 = arith.addf %add3A_1222, %mul3A_1233 : vector<16xf32>
      %add3A_1235 = arith.constant 96 : i32
      %add3A_1236 = vector.broadcast %add3A_1235 : i32 to vector<16xi32>
      %add3A_1237 = arith.addi %iota3A, %add3A_1236 : vector<16xi32>
      %gather3A_1238 = tpu.vector_load_idx %arg8[%broadcast_in_dim3A_1160, %add3A_1237] : memref<208x128xf32, #tpu.memory_space<vmem>>[vector<16xi32>, vector<16xi32>], vector<16xf32>,
      %gather3A_1239 = tpu.vector_load_idx %arg8[%broadcast_in_dim3A_1162, %add3A_1237] : memref<208x128xf32, #tpu.memory_space<vmem>>[vector<16xi32>, vector<16xi32>], vector<16xf32>,
      %sub3A_1240 = arith.subf %gather3A_1238, %gather3A_1239 : vector<16xf32>
      %mul3A_1241 = arith.mulf %sub3A_1240, %sub3A_1240 : vector<16xf32>
      %add3A_1242 = arith.addf %add3A_1230, %mul3A_1241 : vector<16xf32>
      %mul3A_1243 = arith.mulf %gather3A_1238, %gather3A_1238 : vector<16xf32>
      %add3A_1244 = arith.addf %add3A_1232, %mul3A_1243 : vector<16xf32>
      %mul3A_1245 = arith.mulf %gather3A_1239, %gather3A_1239 : vector<16xf32>
      %add3A_1246 = arith.addf %add3A_1234, %mul3A_1245 : vector<16xf32>
      %add3A_1247 = arith.constant 112 : i32
      %add3A_1248 = vector.broadcast %add3A_1247 : i32 to vector<16xi32>
      %add3A_1249 = arith.addi %iota3A, %add3A_1248 : vector<16xi32>
      %gather3A_1250 = tpu.vector_load_idx %arg8[%broadcast_in_dim3A_1160, %add3A_1249] : memref<208x128xf32, #tpu.memory_space<vmem>>[vector<16xi32>, vector<16xi32>], vector<16xf32>,
      %gather3A_1251 = tpu.vector_load_idx %arg8[%broadcast_in_dim3A_1162, %add3A_1249] : memref<208x128xf32, #tpu.memory_space<vmem>>[vector<16xi32>, vector<16xi32>], vector<16xf32>,
      %sub3A_1252 = arith.subf %gather3A_1250, %gather3A_1251 : vector<16xf32>
      %mul3A_1253 = arith.mulf %sub3A_1252, %sub3A_1252 : vector<16xf32>
      %add3A_1254 = arith.addf %add3A_1242, %mul3A_1253 : vector<16xf32>
      %mul3A_1255 = arith.mulf %gather3A_1250, %gather3A_1250 : vector<16xf32>
      %add3A_1256 = arith.addf %add3A_1244, %mul3A_1255 : vector<16xf32>
      %mul3A_1257 = arith.mulf %gather3A_1251, %gather3A_1251 : vector<16xf32>
      %add3A_1258 = arith.addf %add3A_1246, %mul3A_1257 : vector<16xf32>
      %reduce_sum3A_1259 = arith.constant true
      %reduce_sum3A_1260 = vector.broadcast %reduce_sum3A_1259 : i1 to vector<16xi1>
      %reduce_sum3A_1261 = tpu.scan <sum>, %add3A_1254 masked %reduce_sum3A_1260 : vector<16xf32>, vector<16xi1> -> vector<16xf32>
      %reduce_sum3A_1262 = vector.extract %reduce_sum3A_1261[15] : f32 from vector<16xf32>
      %reduce_sum3A_1263 = arith.constant true
      %reduce_sum3A_1264 = vector.broadcast %reduce_sum3A_1263 : i1 to vector<16xi1>
      %reduce_sum3A_1265 = tpu.scan <sum>, %add3A_1256 masked %reduce_sum3A_1264 : vector<16xf32>, vector<16xi1> -> vector<16xf32>
      %reduce_sum3A_1266 = vector.extract %reduce_sum3A_1265[15] : f32 from vector<16xf32>
      %reduce_sum3A_1267 = arith.constant true
      %reduce_sum3A_1268 = vector.broadcast %reduce_sum3A_1267 : i1 to vector<16xi1>
      %reduce_sum3A_1269 = tpu.scan <sum>, %add3A_1258 masked %reduce_sum3A_1268 : vector<16xf32>, vector<16xi1> -> vector<16xf32>
      %reduce_sum3A_1270 = vector.extract %reduce_sum3A_1269[15] : f32 from vector<16xf32>
      %broadcast_in_dim3A_1271 = vector.broadcast %reduce_sum3A_1266 : f32 to vector<16xf32>
      %sub3A_1272 = arith.constant 1.000000e+00 : f32
      %sub3A_1273 = vector.broadcast %sub3A_1272 : f32 to vector<16xf32>
      %sub3A_1274 = arith.subf %sub3A_1273, %broadcast_in_dim3A_1271 : vector<16xf32>
      %broadcast_in_dim3A_1275 = vector.broadcast %reduce_sum3A_1270 : f32 to vector<16xf32>
      %sub3A_1276 = arith.constant 1.000000e+00 : f32
      %sub3A_1277 = vector.broadcast %sub3A_1276 : f32 to vector<16xf32>
      %sub3A_1278 = arith.subf %sub3A_1277, %broadcast_in_dim3A_1275 : vector<16xf32>
      %mul3A_1279 = arith.mulf %sub3A_1274, %sub3A_1278 : vector<16xf32>
      %add3A_1280 = arith.constant 9.99999974E-6 : f32
      %add3A_1281 = vector.broadcast %add3A_1280 : f32 to vector<16xf32>
      %add3A_1282 = arith.addf %mul3A_1279, %add3A_1281 : vector<16xf32>
      %broadcast_in_dim3A_1283 = vector.broadcast %reduce_sum3A_1262 : f32 to vector<16xf32>
      %mul3A_1284 = arith.constant 2.000000e+00 : f32
      %mul3A_1285 = vector.broadcast %mul3A_1284 : f32 to vector<16xf32>
      %mul3A_1286 = arith.mulf %mul3A_1285, %broadcast_in_dim3A_1283 : vector<16xf32>
      %div3A_1287 = arith.divf %mul3A_1286, %add3A_1282 : vector<16xf32>
      %max3A_1288 = arith.constant 9.99999974E-6 : f32
      %max3A_1289 = vector.broadcast %max3A_1288 : f32 to vector<16xf32>
      %max3A_1290 = arith.maximumf %div3A_1287, %max3A_1289 : vector<16xf32>
      %add3A_1291 = arith.constant 2.000000e+00 : f32
      %add3A_1292 = vector.broadcast %add3A_1291 : f32 to vector<16xf32>
      %add3A_1293 = arith.addf %max3A_1290, %add3A_1292 : vector<16xf32>
      %mul3A_1294 = arith.mulf %max3A_1290, %add3A_1293 : vector<16xf32>
      %add3A_1295 = arith.constant 1.000000e+00 : f32
      %add3A_1296 = vector.broadcast %add3A_1295 : f32 to vector<16xf32>
      %add3A_1297 = arith.addf %add3A_1296, %max3A_1290 : vector<16xf32>
      %bitcast_convert_type3A_1298 = tpu.bitcast %mul3A_1294 : vector<16xf32> -> vector<16xi32>
      %shift_right_logical3A_1299 = arith.constant 1 : i32
      %shift_right_logical3A_1300 = vector.broadcast %shift_right_logical3A_1299 : i32 to vector<16xi32>
      %shift_right_logical3A_1301 = arith.shrui %bitcast_convert_type3A_1298, %shift_right_logical3A_1300 : vector<16xi32>
      %sub3A_1302 = arith.constant 1597463007 : i32
      %sub3A_1303 = vector.broadcast %sub3A_1302 : i32 to vector<16xi32>
      %sub3A_1304 = arith.subi %sub3A_1303, %shift_right_logical3A_1301 : vector<16xi32>
      %bitcast_convert_type3A_1305 = tpu.bitcast %sub3A_1304 : vector<16xi32> -> vector<16xf32>
      %mul3A_1306 = arith.constant 5.000000e-01 : f32
      %mul3A_1307 = vector.broadcast %mul3A_1306 : f32 to vector<16xf32>
      %mul3A_1308 = arith.mulf %mul3A_1307, %mul3A_1294 : vector<16xf32>
      %mul3A_1309 = arith.mulf %mul3A_1308, %bitcast_convert_type3A_1305 : vector<16xf32>
      %mul3A_1310 = arith.mulf %mul3A_1309, %bitcast_convert_type3A_1305 : vector<16xf32>
      %sub3A_1311 = arith.constant 1.500000e+00 : f32
      %sub3A_1312 = vector.broadcast %sub3A_1311 : f32 to vector<16xf32>
      %sub3A_1313 = arith.subf %sub3A_1312, %mul3A_1310 : vector<16xf32>
      %mul3A_1314 = arith.mulf %bitcast_convert_type3A_1305, %sub3A_1313 : vector<16xf32>
      %mul3A_1315 = arith.constant 5.000000e-01 : f32
      %mul3A_1316 = vector.broadcast %mul3A_1315 : f32 to vector<16xf32>
      %mul3A_1317 = arith.mulf %mul3A_1316, %mul3A_1294 : vector<16xf32>
      %mul3A_1318 = arith.mulf %mul3A_1317, %mul3A_1314 : vector<16xf32>
      %mul3A_1319 = arith.mulf %mul3A_1318, %mul3A_1314 : vector<16xf32>
      %sub3A_1320 = arith.constant 1.500000e+00 : f32
      %sub3A_1321 = vector.broadcast %sub3A_1320 : f32 to vector<16xf32>
      %sub3A_1322 = arith.subf %sub3A_1321, %mul3A_1319 : vector<16xf32>
      %mul3A_1323 = arith.mulf %mul3A_1314, %sub3A_1322 : vector<16xf32>
      %mul3A_1324 = arith.constant 5.000000e-01 : f32
      %mul3A_1325 = vector.broadcast %mul3A_1324 : f32 to vector<16xf32>
      %mul3A_1326 = arith.mulf %mul3A_1325, %mul3A_1294 : vector<16xf32>
      %mul3A_1327 = arith.mulf %mul3A_1326, %mul3A_1323 : vector<16xf32>
      %mul3A_1328 = arith.mulf %mul3A_1327, %mul3A_1323 : vector<16xf32>
      %sub3A_1329 = arith.constant 1.500000e+00 : f32
      %sub3A_1330 = vector.broadcast %sub3A_1329 : f32 to vector<16xf32>
      %sub3A_1331 = arith.subf %sub3A_1330, %mul3A_1328 : vector<16xf32>
      %mul3A_1332 = arith.mulf %mul3A_1323, %sub3A_1331 : vector<16xf32>
      %mul3A_1333 = arith.mulf %mul3A_1294, %mul3A_1332 : vector<16xf32>
      %sub3A_1334 = arith.subf %add3A_1297, %mul3A_1333 : vector<16xf32>
      %broadcast_in_dim3A_1335 = vector.broadcast %add3A_1158 : i32 to vector<16xi32>
      tpu.vector_store_idx %arg9[%broadcast_in_dim3A_1335], %sub3A_1334 masked %eq3A_4 : memref<128xf32, #tpu.memory_space<vmem>>[vector<16xi32>], vector<16xf32>, vector<16xi1>
      %scan3A_1336 = arith.constant 0 : i32
      %scan3A_1337 = arith.constant 128 : i32
      %scan3A_1338 = arith.addi %scan3A_1336, %scan3A_1337 : i32
      %scan3A_1339 = arith.constant 1 : i32
      %scan3A_1340:26 = scf.for %scan3A_2184 = %scan3A_1336 to %scan3A_1338 step %scan3A_1339 iter_args(%scan3A_2185 = %broadcast_in_dim3A_46, %scan3A_2186 = %broadcast_in_dim3A_46, %scan3A_2187 = %broadcast_in_dim3A_46, %scan3A_2188 = %broadcast_in_dim3A_46, %scan3A_2189 = %broadcast_in_dim3A_46, %scan3A_2190 = %broadcast_in_dim3A_46, %scan3A_2191 = %broadcast_in_dim3A_46, %scan3A_2192 = %broadcast_in_dim3A_46, %scan3A_2193 = %broadcast_in_dim3A_46, %scan3A_2194 = %broadcast_in_dim3A_46, %scan3A_2195 = %broadcast_in_dim3A_46, %scan3A_2196 = %broadcast_in_dim3A_46, %scan3A_2197 = %broadcast_in_dim3A_46, %scan3A_2198 = %broadcast_in_dim3A_46, %scan3A_2199 = %broadcast_in_dim3A_46, %scan3A_2200 = %broadcast_in_dim3A_46, %scan3A_2201 = %broadcast_in_dim3A_46, %scan3A_2202 = %broadcast_in_dim3A_46, %scan3A_2203 = %broadcast_in_dim3A_46, %scan3A_2204 = %broadcast_in_dim3A_46, %scan3A_2205 = %broadcast_in_dim3A_46, %scan3A_2206 = %broadcast_in_dim3A_46, %scan3A_2207 = %broadcast_in_dim3A_46, %scan3A_2208 = %broadcast_in_dim3A_46, %scan3A_2209 = %broadcast_in_dim3A_46, %scan3A_2210 = %broadcast_in_dim3A_46) -> (vector<16xf32>, vector<16xf32>, vector<16xf32>, vector<16xf32>, vector<16xf32>, vector<16xf32>, vector<16xf32>, vector<16xf32>, vector<16xf32>, vector<16xf32>, vector<16xf32>, vector<16xf32>, vector<16xf32>, vector<16xf32>, vector<16xf32>, vector<16xf32>, vector<16xf32>, vector<16xf32>, vector<16xf32>, vector<16xf32>, vector<16xf32>, vector<16xf32>, vector<16xf32>, vector<16xf32>, vector<16xf32>, vector<16xf32>)  : i32 {
        %broadcast_in_dim3A_2211 = vector.broadcast %scan3A_2184 : i32 to vector<16xi32>
        %gather3A_2212 = tpu.vector_load_idx %arg8[%broadcast_in_dim3A_1160, %broadcast_in_dim3A_2211] : memref<208x128xf32, #tpu.memory_space<vmem>>[vector<16xi32>, vector<16xi32>], vector<16xf32>,
        %gather3A_2213 = tpu.vector_load_idx %arg8[%add3A_9, %broadcast_in_dim3A_2211] : memref<208x128xf32, #tpu.memory_space<vmem>>[vector<16xi32>, vector<16xi32>], vector<16xf32>,
        %mul3A_2214 = arith.mulf %gather3A_2212, %gather3A_2213 : vector<16xf32>
        %add3A_2215 = arith.addf %scan3A_2185, %mul3A_2214 : vector<16xf32>
        %mul3A_2216 = arith.mulf %gather3A_2213, %gather3A_2213 : vector<16xf32>
        %add3A_2217 = arith.addf %scan3A_2198, %mul3A_2216 : vector<16xf32>
        %gather3A_2218 = tpu.vector_load_idx %arg8[%add3A_12, %broadcast_in_dim3A_2211] : memref<208x128xf32, #tpu.memory_space<vmem>>[vector<16xi32>, vector<16xi32>], vector<16xf32>,
        %mul3A_2219 = arith.mulf %gather3A_2212, %gather3A_2218 : vector<16xf32>
        %add3A_2220 = arith.addf %scan3A_2186, %mul3A_2219 : vector<16xf32>
        %mul3A_2221 = arith.mulf %gather3A_2218, %gather3A_2218 : vector<16xf32>
        %add3A_2222 = arith.addf %scan3A_2199, %mul3A_2221 : vector<16xf32>
        %gather3A_2223 = tpu.vector_load_idx %arg8[%add3A_15, %broadcast_in_dim3A_2211] : memref<208x128xf32, #tpu.memory_space<vmem>>[vector<16xi32>, vector<16xi32>], vector<16xf32>,
        %mul3A_2224 = arith.mulf %gather3A_2212, %gather3A_2223 : vector<16xf32>
        %add3A_2225 = arith.addf %scan3A_2187, %mul3A_2224 : vector<16xf32>
        %mul3A_2226 = arith.mulf %gather3A_2223, %gather3A_2223 : vector<16xf32>
        %add3A_2227 = arith.addf %scan3A_2200, %mul3A_2226 : vector<16xf32>
        %gather3A_2228 = tpu.vector_load_idx %arg8[%add3A_18, %broadcast_in_dim3A_2211] : memref<208x128xf32, #tpu.memory_space<vmem>>[vector<16xi32>, vector<16xi32>], vector<16xf32>,
        %mul3A_2229 = arith.mulf %gather3A_2212, %gather3A_2228 : vector<16xf32>
        %add3A_2230 = arith.addf %scan3A_2188, %mul3A_2229 : vector<16xf32>
        %mul3A_2231 = arith.mulf %gather3A_2228, %gather3A_2228 : vector<16xf32>
        %add3A_2232 = arith.addf %scan3A_2201, %mul3A_2231 : vector<16xf32>
        %gather3A_2233 = tpu.vector_load_idx %arg8[%add3A_21, %broadcast_in_dim3A_2211] : memref<208x128xf32, #tpu.memory_space<vmem>>[vector<16xi32>, vector<16xi32>], vector<16xf32>,
        %mul3A_2234 = arith.mulf %gather3A_2212, %gather3A_2233 : vector<16xf32>
        %add3A_2235 = arith.addf %scan3A_2189, %mul3A_2234 : vector<16xf32>
        %mul3A_2236 = arith.mulf %gather3A_2233, %gather3A_2233 : vector<16xf32>
        %add3A_2237 = arith.addf %scan3A_2202, %mul3A_2236 : vector<16xf32>
        %gather3A_2238 = tpu.vector_load_idx %arg8[%add3A_24, %broadcast_in_dim3A_2211] : memref<208x128xf32, #tpu.memory_space<vmem>>[vector<16xi32>, vector<16xi32>], vector<16xf32>,
        %mul3A_2239 = arith.mulf %gather3A_2212, %gather3A_2238 : vector<16xf32>
        %add3A_2240 = arith.addf %scan3A_2190, %mul3A_2239 : vector<16xf32>
        %mul3A_2241 = arith.mulf %gather3A_2238, %gather3A_2238 : vector<16xf32>
        %add3A_2242 = arith.addf %scan3A_2203, %mul3A_2241 : vector<16xf32>
        %gather3A_2243 = tpu.vector_load_idx %arg8[%add3A_27, %broadcast_in_dim3A_2211] : memref<208x128xf32, #tpu.memory_space<vmem>>[vector<16xi32>, vector<16xi32>], vector<16xf32>,
        %mul3A_2244 = arith.mulf %gather3A_2212, %gather3A_2243 : vector<16xf32>
        %add3A_2245 = arith.addf %scan3A_2191, %mul3A_2244 : vector<16xf32>
        %mul3A_2246 = arith.mulf %gather3A_2243, %gather3A_2243 : vector<16xf32>
        %add3A_2247 = arith.addf %scan3A_2204, %mul3A_2246 : vector<16xf32>
        %gather3A_2248 = tpu.vector_load_idx %arg8[%add3A_30, %broadcast_in_dim3A_2211] : memref<208x128xf32, #tpu.memory_space<vmem>>[vector<16xi32>, vector<16xi32>], vector<16xf32>,
        %mul3A_2249 = arith.mulf %gather3A_2212, %gather3A_2248 : vector<16xf32>
        %add3A_2250 = arith.addf %scan3A_2192, %mul3A_2249 : vector<16xf32>
        %mul3A_2251 = arith.mulf %gather3A_2248, %gather3A_2248 : vector<16xf32>
        %add3A_2252 = arith.addf %scan3A_2205, %mul3A_2251 : vector<16xf32>
        %gather3A_2253 = tpu.vector_load_idx %arg8[%add3A_33, %broadcast_in_dim3A_2211] : memref<208x128xf32, #tpu.memory_space<vmem>>[vector<16xi32>, vector<16xi32>], vector<16xf32>,
        %mul3A_2254 = arith.mulf %gather3A_2212, %gather3A_2253 : vector<16xf32>
        %add3A_2255 = arith.addf %scan3A_2193, %mul3A_2254 : vector<16xf32>
        %mul3A_2256 = arith.mulf %gather3A_2253, %gather3A_2253 : vector<16xf32>
        %add3A_2257 = arith.addf %scan3A_2206, %mul3A_2256 : vector<16xf32>
        %gather3A_2258 = tpu.vector_load_idx %arg8[%add3A_36, %broadcast_in_dim3A_2211] : memref<208x128xf32, #tpu.memory_space<vmem>>[vector<16xi32>, vector<16xi32>], vector<16xf32>,
        %mul3A_2259 = arith.mulf %gather3A_2212, %gather3A_2258 : vector<16xf32>
        %add3A_2260 = arith.addf %scan3A_2194, %mul3A_2259 : vector<16xf32>
        %mul3A_2261 = arith.mulf %gather3A_2258, %gather3A_2258 : vector<16xf32>
        %add3A_2262 = arith.addf %scan3A_2207, %mul3A_2261 : vector<16xf32>
        %gather3A_2263 = tpu.vector_load_idx %arg8[%add3A_39, %broadcast_in_dim3A_2211] : memref<208x128xf32, #tpu.memory_space<vmem>>[vector<16xi32>, vector<16xi32>], vector<16xf32>,
        %mul3A_2264 = arith.mulf %gather3A_2212, %gather3A_2263 : vector<16xf32>
        %add3A_2265 = arith.addf %scan3A_2195, %mul3A_2264 : vector<16xf32>
        %mul3A_2266 = arith.mulf %gather3A_2263, %gather3A_2263 : vector<16xf32>
        %add3A_2267 = arith.addf %scan3A_2208, %mul3A_2266 : vector<16xf32>
        %gather3A_2268 = tpu.vector_load_idx %arg8[%add3A_42, %broadcast_in_dim3A_2211] : memref<208x128xf32, #tpu.memory_space<vmem>>[vector<16xi32>, vector<16xi32>], vector<16xf32>,
        %mul3A_2269 = arith.mulf %gather3A_2212, %gather3A_2268 : vector<16xf32>
        %add3A_2270 = arith.addf %scan3A_2196, %mul3A_2269 : vector<16xf32>
        %mul3A_2271 = arith.mulf %gather3A_2268, %gather3A_2268 : vector<16xf32>
        %add3A_2272 = arith.addf %scan3A_2209, %mul3A_2271 : vector<16xf32>
        %gather3A_2273 = tpu.vector_load_idx %arg8[%add3A_45, %broadcast_in_dim3A_2211] : memref<208x128xf32, #tpu.memory_space<vmem>>[vector<16xi32>, vector<16xi32>], vector<16xf32>,
        %mul3A_2274 = arith.mulf %gather3A_2212, %gather3A_2273 : vector<16xf32>
        %add3A_2275 = arith.addf %scan3A_2197, %mul3A_2274 : vector<16xf32>
        %mul3A_2276 = arith.mulf %gather3A_2273, %gather3A_2273 : vector<16xf32>
        %add3A_2277 = arith.addf %scan3A_2210, %mul3A_2276 : vector<16xf32>
        scf.yield %add3A_2215, %add3A_2220, %add3A_2225, %add3A_2230, %add3A_2235, %add3A_2240, %add3A_2245, %add3A_2250, %add3A_2255, %add3A_2260, %add3A_2265, %add3A_2270, %add3A_2275, %add3A_2217, %add3A_2222, %add3A_2227, %add3A_2232, %add3A_2237, %add3A_2242, %add3A_2247, %add3A_2252, %add3A_2257, %add3A_2262, %add3A_2267, %add3A_2272, %add3A_2277 : vector<16xf32>, vector<16xf32>, vector<16xf32>, vector<16xf32>, vector<16xf32>, vector<16xf32>, vector<16xf32>, vector<16xf32>, vector<16xf32>, vector<16xf32>, vector<16xf32>, vector<16xf32>, vector<16xf32>, vector<16xf32>, vector<16xf32>, vector<16xf32>, vector<16xf32>, vector<16xf32>, vector<16xf32>, vector<16xf32>, vector<16xf32>, vector<16xf32>, vector<16xf32>, vector<16xf32>, vector<16xf32>, vector<16xf32>
      }
      %scan3A_1341 = arith.constant 128 : i32
      %add3A_1342 = arith.addf %broadcast_in_dim3A_1271, %scan3A_1340#13 : vector<16xf32>
      %mul3A_1343 = arith.constant 2.000000e+00 : f32
      %mul3A_1344 = vector.broadcast %mul3A_1343 : f32 to vector<16xf32>
      %mul3A_1345 = arith.mulf %mul3A_1344, %scan3A_1340#0 : vector<16xf32>
      %sub3A_1346 = arith.subf %add3A_1342, %mul3A_1345 : vector<16xf32>
      %sub3A_1347 = arith.constant 1.000000e+00 : f32
      %sub3A_1348 = vector.broadcast %sub3A_1347 : f32 to vector<16xf32>
      %sub3A_1349 = arith.subf %sub3A_1348, %scan3A_1340#13 : vector<16xf32>
      %mul3A_1350 = arith.mulf %sub3A_1274, %sub3A_1349 : vector<16xf32>
      %add3A_1351 = arith.constant 9.99999974E-6 : f32
      %add3A_1352 = vector.broadcast %add3A_1351 : f32 to vector<16xf32>
      %add3A_1353 = arith.addf %mul3A_1350, %add3A_1352 : vector<16xf32>
      %mul3A_1354 = arith.constant 2.000000e+00 : f32
      %mul3A_1355 = vector.broadcast %mul3A_1354 : f32 to vector<16xf32>
      %mul3A_1356 = arith.mulf %mul3A_1355, %sub3A_1346 : vector<16xf32>
      %div3A_1357 = arith.divf %mul3A_1356, %add3A_1353 : vector<16xf32>
      %max3A_1358 = arith.constant 9.99999974E-6 : f32
      %max3A_1359 = vector.broadcast %max3A_1358 : f32 to vector<16xf32>
      %max3A_1360 = arith.maximumf %div3A_1357, %max3A_1359 : vector<16xf32>
      %add3A_1361 = arith.constant 2.000000e+00 : f32
      %add3A_1362 = vector.broadcast %add3A_1361 : f32 to vector<16xf32>
      %add3A_1363 = arith.addf %max3A_1360, %add3A_1362 : vector<16xf32>
      %mul3A_1364 = arith.mulf %max3A_1360, %add3A_1363 : vector<16xf32>
      %add3A_1365 = arith.constant 1.000000e+00 : f32
      %add3A_1366 = vector.broadcast %add3A_1365 : f32 to vector<16xf32>
      %add3A_1367 = arith.addf %add3A_1366, %max3A_1360 : vector<16xf32>
      %bitcast_convert_type3A_1368 = tpu.bitcast %mul3A_1364 : vector<16xf32> -> vector<16xi32>
      %shift_right_logical3A_1369 = arith.constant 1 : i32
      %shift_right_logical3A_1370 = vector.broadcast %shift_right_logical3A_1369 : i32 to vector<16xi32>
      %shift_right_logical3A_1371 = arith.shrui %bitcast_convert_type3A_1368, %shift_right_logical3A_1370 : vector<16xi32>
      %sub3A_1372 = arith.constant 1597463007 : i32
      %sub3A_1373 = vector.broadcast %sub3A_1372 : i32 to vector<16xi32>
      %sub3A_1374 = arith.subi %sub3A_1373, %shift_right_logical3A_1371 : vector<16xi32>
      %bitcast_convert_type3A_1375 = tpu.bitcast %sub3A_1374 : vector<16xi32> -> vector<16xf32>
      %mul3A_1376 = arith.constant 5.000000e-01 : f32
      %mul3A_1377 = vector.broadcast %mul3A_1376 : f32 to vector<16xf32>
      %mul3A_1378 = arith.mulf %mul3A_1377, %mul3A_1364 : vector<16xf32>
      %mul3A_1379 = arith.mulf %mul3A_1378, %bitcast_convert_type3A_1375 : vector<16xf32>
      %mul3A_1380 = arith.mulf %mul3A_1379, %bitcast_convert_type3A_1375 : vector<16xf32>
      %sub3A_1381 = arith.constant 1.500000e+00 : f32
      %sub3A_1382 = vector.broadcast %sub3A_1381 : f32 to vector<16xf32>
      %sub3A_1383 = arith.subf %sub3A_1382, %mul3A_1380 : vector<16xf32>
      %mul3A_1384 = arith.mulf %bitcast_convert_type3A_1375, %sub3A_1383 : vector<16xf32>
      %mul3A_1385 = arith.constant 5.000000e-01 : f32
      %mul3A_1386 = vector.broadcast %mul3A_1385 : f32 to vector<16xf32>
      %mul3A_1387 = arith.mulf %mul3A_1386, %mul3A_1364 : vector<16xf32>
      %mul3A_1388 = arith.mulf %mul3A_1387, %mul3A_1384 : vector<16xf32>
      %mul3A_1389 = arith.mulf %mul3A_1388, %mul3A_1384 : vector<16xf32>
      %sub3A_1390 = arith.constant 1.500000e+00 : f32
      %sub3A_1391 = vector.broadcast %sub3A_1390 : f32 to vector<16xf32>
      %sub3A_1392 = arith.subf %sub3A_1391, %mul3A_1389 : vector<16xf32>
      %mul3A_1393 = arith.mulf %mul3A_1384, %sub3A_1392 : vector<16xf32>
      %mul3A_1394 = arith.constant 5.000000e-01 : f32
      %mul3A_1395 = vector.broadcast %mul3A_1394 : f32 to vector<16xf32>
      %mul3A_1396 = arith.mulf %mul3A_1395, %mul3A_1364 : vector<16xf32>
      %mul3A_1397 = arith.mulf %mul3A_1396, %mul3A_1393 : vector<16xf32>
      %mul3A_1398 = arith.mulf %mul3A_1397, %mul3A_1393 : vector<16xf32>
      %sub3A_1399 = arith.constant 1.500000e+00 : f32
      %sub3A_1400 = vector.broadcast %sub3A_1399 : f32 to vector<16xf32>
      %sub3A_1401 = arith.subf %sub3A_1400, %mul3A_1398 : vector<16xf32>
      %mul3A_1402 = arith.mulf %mul3A_1393, %sub3A_1401 : vector<16xf32>
      %mul3A_1403 = arith.mulf %mul3A_1364, %mul3A_1402 : vector<16xf32>
      %sub3A_1404 = arith.subf %add3A_1367, %mul3A_1403 : vector<16xf32>
      %add3A_1405 = arith.addf %add3A_1129, %sub3A_1404 : vector<16xf32>
      %add3A_1406 = arith.addf %broadcast_in_dim3A_1271, %scan3A_1340#14 : vector<16xf32>
      %mul3A_1407 = arith.constant 2.000000e+00 : f32
      %mul3A_1408 = vector.broadcast %mul3A_1407 : f32 to vector<16xf32>
      %mul3A_1409 = arith.mulf %mul3A_1408, %scan3A_1340#1 : vector<16xf32>
      %sub3A_1410 = arith.subf %add3A_1406, %mul3A_1409 : vector<16xf32>
      %sub3A_1411 = arith.constant 1.000000e+00 : f32
      %sub3A_1412 = vector.broadcast %sub3A_1411 : f32 to vector<16xf32>
      %sub3A_1413 = arith.subf %sub3A_1412, %scan3A_1340#14 : vector<16xf32>
      %mul3A_1414 = arith.mulf %sub3A_1274, %sub3A_1413 : vector<16xf32>
      %add3A_1415 = arith.constant 9.99999974E-6 : f32
      %add3A_1416 = vector.broadcast %add3A_1415 : f32 to vector<16xf32>
      %add3A_1417 = arith.addf %mul3A_1414, %add3A_1416 : vector<16xf32>
      %mul3A_1418 = arith.constant 2.000000e+00 : f32
      %mul3A_1419 = vector.broadcast %mul3A_1418 : f32 to vector<16xf32>
      %mul3A_1420 = arith.mulf %mul3A_1419, %sub3A_1410 : vector<16xf32>
      %div3A_1421 = arith.divf %mul3A_1420, %add3A_1417 : vector<16xf32>
      %max3A_1422 = arith.constant 9.99999974E-6 : f32
      %max3A_1423 = vector.broadcast %max3A_1422 : f32 to vector<16xf32>
      %max3A_1424 = arith.maximumf %div3A_1421, %max3A_1423 : vector<16xf32>
      %add3A_1425 = arith.constant 2.000000e+00 : f32
      %add3A_1426 = vector.broadcast %add3A_1425 : f32 to vector<16xf32>
      %add3A_1427 = arith.addf %max3A_1424, %add3A_1426 : vector<16xf32>
      %mul3A_1428 = arith.mulf %max3A_1424, %add3A_1427 : vector<16xf32>
      %add3A_1429 = arith.constant 1.000000e+00 : f32
      %add3A_1430 = vector.broadcast %add3A_1429 : f32 to vector<16xf32>
      %add3A_1431 = arith.addf %add3A_1430, %max3A_1424 : vector<16xf32>
      %bitcast_convert_type3A_1432 = tpu.bitcast %mul3A_1428 : vector<16xf32> -> vector<16xi32>
      %shift_right_logical3A_1433 = arith.constant 1 : i32
      %shift_right_logical3A_1434 = vector.broadcast %shift_right_logical3A_1433 : i32 to vector<16xi32>
      %shift_right_logical3A_1435 = arith.shrui %bitcast_convert_type3A_1432, %shift_right_logical3A_1434 : vector<16xi32>
      %sub3A_1436 = arith.constant 1597463007 : i32
      %sub3A_1437 = vector.broadcast %sub3A_1436 : i32 to vector<16xi32>
      %sub3A_1438 = arith.subi %sub3A_1437, %shift_right_logical3A_1435 : vector<16xi32>
      %bitcast_convert_type3A_1439 = tpu.bitcast %sub3A_1438 : vector<16xi32> -> vector<16xf32>
      %mul3A_1440 = arith.constant 5.000000e-01 : f32
      %mul3A_1441 = vector.broadcast %mul3A_1440 : f32 to vector<16xf32>
      %mul3A_1442 = arith.mulf %mul3A_1441, %mul3A_1428 : vector<16xf32>
      %mul3A_1443 = arith.mulf %mul3A_1442, %bitcast_convert_type3A_1439 : vector<16xf32>
      %mul3A_1444 = arith.mulf %mul3A_1443, %bitcast_convert_type3A_1439 : vector<16xf32>
      %sub3A_1445 = arith.constant 1.500000e+00 : f32
      %sub3A_1446 = vector.broadcast %sub3A_1445 : f32 to vector<16xf32>
      %sub3A_1447 = arith.subf %sub3A_1446, %mul3A_1444 : vector<16xf32>
      %mul3A_1448 = arith.mulf %bitcast_convert_type3A_1439, %sub3A_1447 : vector<16xf32>
      %mul3A_1449 = arith.constant 5.000000e-01 : f32
      %mul3A_1450 = vector.broadcast %mul3A_1449 : f32 to vector<16xf32>
      %mul3A_1451 = arith.mulf %mul3A_1450, %mul3A_1428 : vector<16xf32>
      %mul3A_1452 = arith.mulf %mul3A_1451, %mul3A_1448 : vector<16xf32>
      %mul3A_1453 = arith.mulf %mul3A_1452, %mul3A_1448 : vector<16xf32>
      %sub3A_1454 = arith.constant 1.500000e+00 : f32
      %sub3A_1455 = vector.broadcast %sub3A_1454 : f32 to vector<16xf32>
      %sub3A_1456 = arith.subf %sub3A_1455, %mul3A_1453 : vector<16xf32>
      %mul3A_1457 = arith.mulf %mul3A_1448, %sub3A_1456 : vector<16xf32>
      %mul3A_1458 = arith.constant 5.000000e-01 : f32
      %mul3A_1459 = vector.broadcast %mul3A_1458 : f32 to vector<16xf32>
      %mul3A_1460 = arith.mulf %mul3A_1459, %mul3A_1428 : vector<16xf32>
      %mul3A_1461 = arith.mulf %mul3A_1460, %mul3A_1457 : vector<16xf32>
      %mul3A_1462 = arith.mulf %mul3A_1461, %mul3A_1457 : vector<16xf32>
      %sub3A_1463 = arith.constant 1.500000e+00 : f32
      %sub3A_1464 = vector.broadcast %sub3A_1463 : f32 to vector<16xf32>
      %sub3A_1465 = arith.subf %sub3A_1464, %mul3A_1462 : vector<16xf32>
      %mul3A_1466 = arith.mulf %mul3A_1457, %sub3A_1465 : vector<16xf32>
      %mul3A_1467 = arith.mulf %mul3A_1428, %mul3A_1466 : vector<16xf32>
      %sub3A_1468 = arith.subf %add3A_1431, %mul3A_1467 : vector<16xf32>
      %add3A_1469 = arith.addf %add3A_1405, %sub3A_1468 : vector<16xf32>
      %add3A_1470 = arith.addf %broadcast_in_dim3A_1271, %scan3A_1340#15 : vector<16xf32>
      %mul3A_1471 = arith.constant 2.000000e+00 : f32
      %mul3A_1472 = vector.broadcast %mul3A_1471 : f32 to vector<16xf32>
      %mul3A_1473 = arith.mulf %mul3A_1472, %scan3A_1340#2 : vector<16xf32>
      %sub3A_1474 = arith.subf %add3A_1470, %mul3A_1473 : vector<16xf32>
      %sub3A_1475 = arith.constant 1.000000e+00 : f32
      %sub3A_1476 = vector.broadcast %sub3A_1475 : f32 to vector<16xf32>
      %sub3A_1477 = arith.subf %sub3A_1476, %scan3A_1340#15 : vector<16xf32>
      %mul3A_1478 = arith.mulf %sub3A_1274, %sub3A_1477 : vector<16xf32>
      %add3A_1479 = arith.constant 9.99999974E-6 : f32
      %add3A_1480 = vector.broadcast %add3A_1479 : f32 to vector<16xf32>
      %add3A_1481 = arith.addf %mul3A_1478, %add3A_1480 : vector<16xf32>
      %mul3A_1482 = arith.constant 2.000000e+00 : f32
      %mul3A_1483 = vector.broadcast %mul3A_1482 : f32 to vector<16xf32>
      %mul3A_1484 = arith.mulf %mul3A_1483, %sub3A_1474 : vector<16xf32>
      %div3A_1485 = arith.divf %mul3A_1484, %add3A_1481 : vector<16xf32>
      %max3A_1486 = arith.constant 9.99999974E-6 : f32
      %max3A_1487 = vector.broadcast %max3A_1486 : f32 to vector<16xf32>
      %max3A_1488 = arith.maximumf %div3A_1485, %max3A_1487 : vector<16xf32>
      %add3A_1489 = arith.constant 2.000000e+00 : f32
      %add3A_1490 = vector.broadcast %add3A_1489 : f32 to vector<16xf32>
      %add3A_1491 = arith.addf %max3A_1488, %add3A_1490 : vector<16xf32>
      %mul3A_1492 = arith.mulf %max3A_1488, %add3A_1491 : vector<16xf32>
      %add3A_1493 = arith.constant 1.000000e+00 : f32
      %add3A_1494 = vector.broadcast %add3A_1493 : f32 to vector<16xf32>
      %add3A_1495 = arith.addf %add3A_1494, %max3A_1488 : vector<16xf32>
      %bitcast_convert_type3A_1496 = tpu.bitcast %mul3A_1492 : vector<16xf32> -> vector<16xi32>
      %shift_right_logical3A_1497 = arith.constant 1 : i32
      %shift_right_logical3A_1498 = vector.broadcast %shift_right_logical3A_1497 : i32 to vector<16xi32>
      %shift_right_logical3A_1499 = arith.shrui %bitcast_convert_type3A_1496, %shift_right_logical3A_1498 : vector<16xi32>
      %sub3A_1500 = arith.constant 1597463007 : i32
      %sub3A_1501 = vector.broadcast %sub3A_1500 : i32 to vector<16xi32>
      %sub3A_1502 = arith.subi %sub3A_1501, %shift_right_logical3A_1499 : vector<16xi32>
      %bitcast_convert_type3A_1503 = tpu.bitcast %sub3A_1502 : vector<16xi32> -> vector<16xf32>
      %mul3A_1504 = arith.constant 5.000000e-01 : f32
      %mul3A_1505 = vector.broadcast %mul3A_1504 : f32 to vector<16xf32>
      %mul3A_1506 = arith.mulf %mul3A_1505, %mul3A_1492 : vector<16xf32>
      %mul3A_1507 = arith.mulf %mul3A_1506, %bitcast_convert_type3A_1503 : vector<16xf32>
      %mul3A_1508 = arith.mulf %mul3A_1507, %bitcast_convert_type3A_1503 : vector<16xf32>
      %sub3A_1509 = arith.constant 1.500000e+00 : f32
      %sub3A_1510 = vector.broadcast %sub3A_1509 : f32 to vector<16xf32>
      %sub3A_1511 = arith.subf %sub3A_1510, %mul3A_1508 : vector<16xf32>
      %mul3A_1512 = arith.mulf %bitcast_convert_type3A_1503, %sub3A_1511 : vector<16xf32>
      %mul3A_1513 = arith.constant 5.000000e-01 : f32
      %mul3A_1514 = vector.broadcast %mul3A_1513 : f32 to vector<16xf32>
      %mul3A_1515 = arith.mulf %mul3A_1514, %mul3A_1492 : vector<16xf32>
      %mul3A_1516 = arith.mulf %mul3A_1515, %mul3A_1512 : vector<16xf32>
      %mul3A_1517 = arith.mulf %mul3A_1516, %mul3A_1512 : vector<16xf32>
      %sub3A_1518 = arith.constant 1.500000e+00 : f32
      %sub3A_1519 = vector.broadcast %sub3A_1518 : f32 to vector<16xf32>
      %sub3A_1520 = arith.subf %sub3A_1519, %mul3A_1517 : vector<16xf32>
      %mul3A_1521 = arith.mulf %mul3A_1512, %sub3A_1520 : vector<16xf32>
      %mul3A_1522 = arith.constant 5.000000e-01 : f32
      %mul3A_1523 = vector.broadcast %mul3A_1522 : f32 to vector<16xf32>
      %mul3A_1524 = arith.mulf %mul3A_1523, %mul3A_1492 : vector<16xf32>
      %mul3A_1525 = arith.mulf %mul3A_1524, %mul3A_1521 : vector<16xf32>
      %mul3A_1526 = arith.mulf %mul3A_1525, %mul3A_1521 : vector<16xf32>
      %sub3A_1527 = arith.constant 1.500000e+00 : f32
      %sub3A_1528 = vector.broadcast %sub3A_1527 : f32 to vector<16xf32>
      %sub3A_1529 = arith.subf %sub3A_1528, %mul3A_1526 : vector<16xf32>
      %mul3A_1530 = arith.mulf %mul3A_1521, %sub3A_1529 : vector<16xf32>
      %mul3A_1531 = arith.mulf %mul3A_1492, %mul3A_1530 : vector<16xf32>
      %sub3A_1532 = arith.subf %add3A_1495, %mul3A_1531 : vector<16xf32>
      %add3A_1533 = arith.addf %add3A_1469, %sub3A_1532 : vector<16xf32>
      %add3A_1534 = arith.addf %broadcast_in_dim3A_1271, %scan3A_1340#16 : vector<16xf32>
      %mul3A_1535 = arith.constant 2.000000e+00 : f32
      %mul3A_1536 = vector.broadcast %mul3A_1535 : f32 to vector<16xf32>
      %mul3A_1537 = arith.mulf %mul3A_1536, %scan3A_1340#3 : vector<16xf32>
      %sub3A_1538 = arith.subf %add3A_1534, %mul3A_1537 : vector<16xf32>
      %sub3A_1539 = arith.constant 1.000000e+00 : f32
      %sub3A_1540 = vector.broadcast %sub3A_1539 : f32 to vector<16xf32>
      %sub3A_1541 = arith.subf %sub3A_1540, %scan3A_1340#16 : vector<16xf32>
      %mul3A_1542 = arith.mulf %sub3A_1274, %sub3A_1541 : vector<16xf32>
      %add3A_1543 = arith.constant 9.99999974E-6 : f32
      %add3A_1544 = vector.broadcast %add3A_1543 : f32 to vector<16xf32>
      %add3A_1545 = arith.addf %mul3A_1542, %add3A_1544 : vector<16xf32>
      %mul3A_1546 = arith.constant 2.000000e+00 : f32
      %mul3A_1547 = vector.broadcast %mul3A_1546 : f32 to vector<16xf32>
      %mul3A_1548 = arith.mulf %mul3A_1547, %sub3A_1538 : vector<16xf32>
      %div3A_1549 = arith.divf %mul3A_1548, %add3A_1545 : vector<16xf32>
      %max3A_1550 = arith.constant 9.99999974E-6 : f32
      %max3A_1551 = vector.broadcast %max3A_1550 : f32 to vector<16xf32>
      %max3A_1552 = arith.maximumf %div3A_1549, %max3A_1551 : vector<16xf32>
      %add3A_1553 = arith.constant 2.000000e+00 : f32
      %add3A_1554 = vector.broadcast %add3A_1553 : f32 to vector<16xf32>
      %add3A_1555 = arith.addf %max3A_1552, %add3A_1554 : vector<16xf32>
      %mul3A_1556 = arith.mulf %max3A_1552, %add3A_1555 : vector<16xf32>
      %add3A_1557 = arith.constant 1.000000e+00 : f32
      %add3A_1558 = vector.broadcast %add3A_1557 : f32 to vector<16xf32>
      %add3A_1559 = arith.addf %add3A_1558, %max3A_1552 : vector<16xf32>
      %bitcast_convert_type3A_1560 = tpu.bitcast %mul3A_1556 : vector<16xf32> -> vector<16xi32>
      %shift_right_logical3A_1561 = arith.constant 1 : i32
      %shift_right_logical3A_1562 = vector.broadcast %shift_right_logical3A_1561 : i32 to vector<16xi32>
      %shift_right_logical3A_1563 = arith.shrui %bitcast_convert_type3A_1560, %shift_right_logical3A_1562 : vector<16xi32>
      %sub3A_1564 = arith.constant 1597463007 : i32
      %sub3A_1565 = vector.broadcast %sub3A_1564 : i32 to vector<16xi32>
      %sub3A_1566 = arith.subi %sub3A_1565, %shift_right_logical3A_1563 : vector<16xi32>
      %bitcast_convert_type3A_1567 = tpu.bitcast %sub3A_1566 : vector<16xi32> -> vector<16xf32>
      %mul3A_1568 = arith.constant 5.000000e-01 : f32
      %mul3A_1569 = vector.broadcast %mul3A_1568 : f32 to vector<16xf32>
      %mul3A_1570 = arith.mulf %mul3A_1569, %mul3A_1556 : vector<16xf32>
      %mul3A_1571 = arith.mulf %mul3A_1570, %bitcast_convert_type3A_1567 : vector<16xf32>
      %mul3A_1572 = arith.mulf %mul3A_1571, %bitcast_convert_type3A_1567 : vector<16xf32>
      %sub3A_1573 = arith.constant 1.500000e+00 : f32
      %sub3A_1574 = vector.broadcast %sub3A_1573 : f32 to vector<16xf32>
      %sub3A_1575 = arith.subf %sub3A_1574, %mul3A_1572 : vector<16xf32>
      %mul3A_1576 = arith.mulf %bitcast_convert_type3A_1567, %sub3A_1575 : vector<16xf32>
      %mul3A_1577 = arith.constant 5.000000e-01 : f32
      %mul3A_1578 = vector.broadcast %mul3A_1577 : f32 to vector<16xf32>
      %mul3A_1579 = arith.mulf %mul3A_1578, %mul3A_1556 : vector<16xf32>
      %mul3A_1580 = arith.mulf %mul3A_1579, %mul3A_1576 : vector<16xf32>
      %mul3A_1581 = arith.mulf %mul3A_1580, %mul3A_1576 : vector<16xf32>
      %sub3A_1582 = arith.constant 1.500000e+00 : f32
      %sub3A_1583 = vector.broadcast %sub3A_1582 : f32 to vector<16xf32>
      %sub3A_1584 = arith.subf %sub3A_1583, %mul3A_1581 : vector<16xf32>
      %mul3A_1585 = arith.mulf %mul3A_1576, %sub3A_1584 : vector<16xf32>
      %mul3A_1586 = arith.constant 5.000000e-01 : f32
      %mul3A_1587 = vector.broadcast %mul3A_1586 : f32 to vector<16xf32>
      %mul3A_1588 = arith.mulf %mul3A_1587, %mul3A_1556 : vector<16xf32>
      %mul3A_1589 = arith.mulf %mul3A_1588, %mul3A_1585 : vector<16xf32>
      %mul3A_1590 = arith.mulf %mul3A_1589, %mul3A_1585 : vector<16xf32>
      %sub3A_1591 = arith.constant 1.500000e+00 : f32
      %sub3A_1592 = vector.broadcast %sub3A_1591 : f32 to vector<16xf32>
      %sub3A_1593 = arith.subf %sub3A_1592, %mul3A_1590 : vector<16xf32>
      %mul3A_1594 = arith.mulf %mul3A_1585, %sub3A_1593 : vector<16xf32>
      %mul3A_1595 = arith.mulf %mul3A_1556, %mul3A_1594 : vector<16xf32>
      %sub3A_1596 = arith.subf %add3A_1559, %mul3A_1595 : vector<16xf32>
      %add3A_1597 = arith.addf %add3A_1533, %sub3A_1596 : vector<16xf32>
      %add3A_1598 = arith.addf %broadcast_in_dim3A_1271, %scan3A_1340#17 : vector<16xf32>
      %mul3A_1599 = arith.constant 2.000000e+00 : f32
      %mul3A_1600 = vector.broadcast %mul3A_1599 : f32 to vector<16xf32>
      %mul3A_1601 = arith.mulf %mul3A_1600, %scan3A_1340#4 : vector<16xf32>
      %sub3A_1602 = arith.subf %add3A_1598, %mul3A_1601 : vector<16xf32>
      %sub3A_1603 = arith.constant 1.000000e+00 : f32
      %sub3A_1604 = vector.broadcast %sub3A_1603 : f32 to vector<16xf32>
      %sub3A_1605 = arith.subf %sub3A_1604, %scan3A_1340#17 : vector<16xf32>
      %mul3A_1606 = arith.mulf %sub3A_1274, %sub3A_1605 : vector<16xf32>
      %add3A_1607 = arith.constant 9.99999974E-6 : f32
      %add3A_1608 = vector.broadcast %add3A_1607 : f32 to vector<16xf32>
      %add3A_1609 = arith.addf %mul3A_1606, %add3A_1608 : vector<16xf32>
      %mul3A_1610 = arith.constant 2.000000e+00 : f32
      %mul3A_1611 = vector.broadcast %mul3A_1610 : f32 to vector<16xf32>
      %mul3A_1612 = arith.mulf %mul3A_1611, %sub3A_1602 : vector<16xf32>
      %div3A_1613 = arith.divf %mul3A_1612, %add3A_1609 : vector<16xf32>
      %max3A_1614 = arith.constant 9.99999974E-6 : f32
      %max3A_1615 = vector.broadcast %max3A_1614 : f32 to vector<16xf32>
      %max3A_1616 = arith.maximumf %div3A_1613, %max3A_1615 : vector<16xf32>
      %add3A_1617 = arith.constant 2.000000e+00 : f32
      %add3A_1618 = vector.broadcast %add3A_1617 : f32 to vector<16xf32>
      %add3A_1619 = arith.addf %max3A_1616, %add3A_1618 : vector<16xf32>
      %mul3A_1620 = arith.mulf %max3A_1616, %add3A_1619 : vector<16xf32>
      %add3A_1621 = arith.constant 1.000000e+00 : f32
      %add3A_1622 = vector.broadcast %add3A_1621 : f32 to vector<16xf32>
      %add3A_1623 = arith.addf %add3A_1622, %max3A_1616 : vector<16xf32>
      %bitcast_convert_type3A_1624 = tpu.bitcast %mul3A_1620 : vector<16xf32> -> vector<16xi32>
      %shift_right_logical3A_1625 = arith.constant 1 : i32
      %shift_right_logical3A_1626 = vector.broadcast %shift_right_logical3A_1625 : i32 to vector<16xi32>
      %shift_right_logical3A_1627 = arith.shrui %bitcast_convert_type3A_1624, %shift_right_logical3A_1626 : vector<16xi32>
      %sub3A_1628 = arith.constant 1597463007 : i32
      %sub3A_1629 = vector.broadcast %sub3A_1628 : i32 to vector<16xi32>
      %sub3A_1630 = arith.subi %sub3A_1629, %shift_right_logical3A_1627 : vector<16xi32>
      %bitcast_convert_type3A_1631 = tpu.bitcast %sub3A_1630 : vector<16xi32> -> vector<16xf32>
      %mul3A_1632 = arith.constant 5.000000e-01 : f32
      %mul3A_1633 = vector.broadcast %mul3A_1632 : f32 to vector<16xf32>
      %mul3A_1634 = arith.mulf %mul3A_1633, %mul3A_1620 : vector<16xf32>
      %mul3A_1635 = arith.mulf %mul3A_1634, %bitcast_convert_type3A_1631 : vector<16xf32>
      %mul3A_1636 = arith.mulf %mul3A_1635, %bitcast_convert_type3A_1631 : vector<16xf32>
      %sub3A_1637 = arith.constant 1.500000e+00 : f32
      %sub3A_1638 = vector.broadcast %sub3A_1637 : f32 to vector<16xf32>
      %sub3A_1639 = arith.subf %sub3A_1638, %mul3A_1636 : vector<16xf32>
      %mul3A_1640 = arith.mulf %bitcast_convert_type3A_1631, %sub3A_1639 : vector<16xf32>
      %mul3A_1641 = arith.constant 5.000000e-01 : f32
      %mul3A_1642 = vector.broadcast %mul3A_1641 : f32 to vector<16xf32>
      %mul3A_1643 = arith.mulf %mul3A_1642, %mul3A_1620 : vector<16xf32>
      %mul3A_1644 = arith.mulf %mul3A_1643, %mul3A_1640 : vector<16xf32>
      %mul3A_1645 = arith.mulf %mul3A_1644, %mul3A_1640 : vector<16xf32>
      %sub3A_1646 = arith.constant 1.500000e+00 : f32
      %sub3A_1647 = vector.broadcast %sub3A_1646 : f32 to vector<16xf32>
      %sub3A_1648 = arith.subf %sub3A_1647, %mul3A_1645 : vector<16xf32>
      %mul3A_1649 = arith.mulf %mul3A_1640, %sub3A_1648 : vector<16xf32>
      %mul3A_1650 = arith.constant 5.000000e-01 : f32
      %mul3A_1651 = vector.broadcast %mul3A_1650 : f32 to vector<16xf32>
      %mul3A_1652 = arith.mulf %mul3A_1651, %mul3A_1620 : vector<16xf32>
      %mul3A_1653 = arith.mulf %mul3A_1652, %mul3A_1649 : vector<16xf32>
      %mul3A_1654 = arith.mulf %mul3A_1653, %mul3A_1649 : vector<16xf32>
      %sub3A_1655 = arith.constant 1.500000e+00 : f32
      %sub3A_1656 = vector.broadcast %sub3A_1655 : f32 to vector<16xf32>
      %sub3A_1657 = arith.subf %sub3A_1656, %mul3A_1654 : vector<16xf32>
      %mul3A_1658 = arith.mulf %mul3A_1649, %sub3A_1657 : vector<16xf32>
      %mul3A_1659 = arith.mulf %mul3A_1620, %mul3A_1658 : vector<16xf32>
      %sub3A_1660 = arith.subf %add3A_1623, %mul3A_1659 : vector<16xf32>
      %add3A_1661 = arith.addf %add3A_1597, %sub3A_1660 : vector<16xf32>
      %add3A_1662 = arith.addf %broadcast_in_dim3A_1271, %scan3A_1340#18 : vector<16xf32>
      %mul3A_1663 = arith.constant 2.000000e+00 : f32
      %mul3A_1664 = vector.broadcast %mul3A_1663 : f32 to vector<16xf32>
      %mul3A_1665 = arith.mulf %mul3A_1664, %scan3A_1340#5 : vector<16xf32>
      %sub3A_1666 = arith.subf %add3A_1662, %mul3A_1665 : vector<16xf32>
      %sub3A_1667 = arith.constant 1.000000e+00 : f32
      %sub3A_1668 = vector.broadcast %sub3A_1667 : f32 to vector<16xf32>
      %sub3A_1669 = arith.subf %sub3A_1668, %scan3A_1340#18 : vector<16xf32>
      %mul3A_1670 = arith.mulf %sub3A_1274, %sub3A_1669 : vector<16xf32>
      %add3A_1671 = arith.constant 9.99999974E-6 : f32
      %add3A_1672 = vector.broadcast %add3A_1671 : f32 to vector<16xf32>
      %add3A_1673 = arith.addf %mul3A_1670, %add3A_1672 : vector<16xf32>
      %mul3A_1674 = arith.constant 2.000000e+00 : f32
      %mul3A_1675 = vector.broadcast %mul3A_1674 : f32 to vector<16xf32>
      %mul3A_1676 = arith.mulf %mul3A_1675, %sub3A_1666 : vector<16xf32>
      %div3A_1677 = arith.divf %mul3A_1676, %add3A_1673 : vector<16xf32>
      %max3A_1678 = arith.constant 9.99999974E-6 : f32
      %max3A_1679 = vector.broadcast %max3A_1678 : f32 to vector<16xf32>
      %max3A_1680 = arith.maximumf %div3A_1677, %max3A_1679 : vector<16xf32>
      %add3A_1681 = arith.constant 2.000000e+00 : f32
      %add3A_1682 = vector.broadcast %add3A_1681 : f32 to vector<16xf32>
      %add3A_1683 = arith.addf %max3A_1680, %add3A_1682 : vector<16xf32>
      %mul3A_1684 = arith.mulf %max3A_1680, %add3A_1683 : vector<16xf32>
      %add3A_1685 = arith.constant 1.000000e+00 : f32
      %add3A_1686 = vector.broadcast %add3A_1685 : f32 to vector<16xf32>
      %add3A_1687 = arith.addf %add3A_1686, %max3A_1680 : vector<16xf32>
      %bitcast_convert_type3A_1688 = tpu.bitcast %mul3A_1684 : vector<16xf32> -> vector<16xi32>
      %shift_right_logical3A_1689 = arith.constant 1 : i32
      %shift_right_logical3A_1690 = vector.broadcast %shift_right_logical3A_1689 : i32 to vector<16xi32>
      %shift_right_logical3A_1691 = arith.shrui %bitcast_convert_type3A_1688, %shift_right_logical3A_1690 : vector<16xi32>
      %sub3A_1692 = arith.constant 1597463007 : i32
      %sub3A_1693 = vector.broadcast %sub3A_1692 : i32 to vector<16xi32>
      %sub3A_1694 = arith.subi %sub3A_1693, %shift_right_logical3A_1691 : vector<16xi32>
      %bitcast_convert_type3A_1695 = tpu.bitcast %sub3A_1694 : vector<16xi32> -> vector<16xf32>
      %mul3A_1696 = arith.constant 5.000000e-01 : f32
      %mul3A_1697 = vector.broadcast %mul3A_1696 : f32 to vector<16xf32>
      %mul3A_1698 = arith.mulf %mul3A_1697, %mul3A_1684 : vector<16xf32>
      %mul3A_1699 = arith.mulf %mul3A_1698, %bitcast_convert_type3A_1695 : vector<16xf32>
      %mul3A_1700 = arith.mulf %mul3A_1699, %bitcast_convert_type3A_1695 : vector<16xf32>
      %sub3A_1701 = arith.constant 1.500000e+00 : f32
      %sub3A_1702 = vector.broadcast %sub3A_1701 : f32 to vector<16xf32>
      %sub3A_1703 = arith.subf %sub3A_1702, %mul3A_1700 : vector<16xf32>
      %mul3A_1704 = arith.mulf %bitcast_convert_type3A_1695, %sub3A_1703 : vector<16xf32>
      %mul3A_1705 = arith.constant 5.000000e-01 : f32
      %mul3A_1706 = vector.broadcast %mul3A_1705 : f32 to vector<16xf32>
      %mul3A_1707 = arith.mulf %mul3A_1706, %mul3A_1684 : vector<16xf32>
      %mul3A_1708 = arith.mulf %mul3A_1707, %mul3A_1704 : vector<16xf32>
      %mul3A_1709 = arith.mulf %mul3A_1708, %mul3A_1704 : vector<16xf32>
      %sub3A_1710 = arith.constant 1.500000e+00 : f32
      %sub3A_1711 = vector.broadcast %sub3A_1710 : f32 to vector<16xf32>
      %sub3A_1712 = arith.subf %sub3A_1711, %mul3A_1709 : vector<16xf32>
      %mul3A_1713 = arith.mulf %mul3A_1704, %sub3A_1712 : vector<16xf32>
      %mul3A_1714 = arith.constant 5.000000e-01 : f32
      %mul3A_1715 = vector.broadcast %mul3A_1714 : f32 to vector<16xf32>
      %mul3A_1716 = arith.mulf %mul3A_1715, %mul3A_1684 : vector<16xf32>
      %mul3A_1717 = arith.mulf %mul3A_1716, %mul3A_1713 : vector<16xf32>
      %mul3A_1718 = arith.mulf %mul3A_1717, %mul3A_1713 : vector<16xf32>
      %sub3A_1719 = arith.constant 1.500000e+00 : f32
      %sub3A_1720 = vector.broadcast %sub3A_1719 : f32 to vector<16xf32>
      %sub3A_1721 = arith.subf %sub3A_1720, %mul3A_1718 : vector<16xf32>
      %mul3A_1722 = arith.mulf %mul3A_1713, %sub3A_1721 : vector<16xf32>
      %mul3A_1723 = arith.mulf %mul3A_1684, %mul3A_1722 : vector<16xf32>
      %sub3A_1724 = arith.subf %add3A_1687, %mul3A_1723 : vector<16xf32>
      %add3A_1725 = arith.addf %add3A_1661, %sub3A_1724 : vector<16xf32>
      %add3A_1726 = arith.addf %broadcast_in_dim3A_1271, %scan3A_1340#19 : vector<16xf32>
      %mul3A_1727 = arith.constant 2.000000e+00 : f32
      %mul3A_1728 = vector.broadcast %mul3A_1727 : f32 to vector<16xf32>
      %mul3A_1729 = arith.mulf %mul3A_1728, %scan3A_1340#6 : vector<16xf32>
      %sub3A_1730 = arith.subf %add3A_1726, %mul3A_1729 : vector<16xf32>
      %sub3A_1731 = arith.constant 1.000000e+00 : f32
      %sub3A_1732 = vector.broadcast %sub3A_1731 : f32 to vector<16xf32>
      %sub3A_1733 = arith.subf %sub3A_1732, %scan3A_1340#19 : vector<16xf32>
      %mul3A_1734 = arith.mulf %sub3A_1274, %sub3A_1733 : vector<16xf32>
      %add3A_1735 = arith.constant 9.99999974E-6 : f32
      %add3A_1736 = vector.broadcast %add3A_1735 : f32 to vector<16xf32>
      %add3A_1737 = arith.addf %mul3A_1734, %add3A_1736 : vector<16xf32>
      %mul3A_1738 = arith.constant 2.000000e+00 : f32
      %mul3A_1739 = vector.broadcast %mul3A_1738 : f32 to vector<16xf32>
      %mul3A_1740 = arith.mulf %mul3A_1739, %sub3A_1730 : vector<16xf32>
      %div3A_1741 = arith.divf %mul3A_1740, %add3A_1737 : vector<16xf32>
      %max3A_1742 = arith.constant 9.99999974E-6 : f32
      %max3A_1743 = vector.broadcast %max3A_1742 : f32 to vector<16xf32>
      %max3A_1744 = arith.maximumf %div3A_1741, %max3A_1743 : vector<16xf32>
      %add3A_1745 = arith.constant 2.000000e+00 : f32
      %add3A_1746 = vector.broadcast %add3A_1745 : f32 to vector<16xf32>
      %add3A_1747 = arith.addf %max3A_1744, %add3A_1746 : vector<16xf32>
      %mul3A_1748 = arith.mulf %max3A_1744, %add3A_1747 : vector<16xf32>
      %add3A_1749 = arith.constant 1.000000e+00 : f32
      %add3A_1750 = vector.broadcast %add3A_1749 : f32 to vector<16xf32>
      %add3A_1751 = arith.addf %add3A_1750, %max3A_1744 : vector<16xf32>
      %bitcast_convert_type3A_1752 = tpu.bitcast %mul3A_1748 : vector<16xf32> -> vector<16xi32>
      %shift_right_logical3A_1753 = arith.constant 1 : i32
      %shift_right_logical3A_1754 = vector.broadcast %shift_right_logical3A_1753 : i32 to vector<16xi32>
      %shift_right_logical3A_1755 = arith.shrui %bitcast_convert_type3A_1752, %shift_right_logical3A_1754 : vector<16xi32>
      %sub3A_1756 = arith.constant 1597463007 : i32
      %sub3A_1757 = vector.broadcast %sub3A_1756 : i32 to vector<16xi32>
      %sub3A_1758 = arith.subi %sub3A_1757, %shift_right_logical3A_1755 : vector<16xi32>
      %bitcast_convert_type3A_1759 = tpu.bitcast %sub3A_1758 : vector<16xi32> -> vector<16xf32>
      %mul3A_1760 = arith.constant 5.000000e-01 : f32
      %mul3A_1761 = vector.broadcast %mul3A_1760 : f32 to vector<16xf32>
      %mul3A_1762 = arith.mulf %mul3A_1761, %mul3A_1748 : vector<16xf32>
      %mul3A_1763 = arith.mulf %mul3A_1762, %bitcast_convert_type3A_1759 : vector<16xf32>
      %mul3A_1764 = arith.mulf %mul3A_1763, %bitcast_convert_type3A_1759 : vector<16xf32>
      %sub3A_1765 = arith.constant 1.500000e+00 : f32
      %sub3A_1766 = vector.broadcast %sub3A_1765 : f32 to vector<16xf32>
      %sub3A_1767 = arith.subf %sub3A_1766, %mul3A_1764 : vector<16xf32>
      %mul3A_1768 = arith.mulf %bitcast_convert_type3A_1759, %sub3A_1767 : vector<16xf32>
      %mul3A_1769 = arith.constant 5.000000e-01 : f32
      %mul3A_1770 = vector.broadcast %mul3A_1769 : f32 to vector<16xf32>
      %mul3A_1771 = arith.mulf %mul3A_1770, %mul3A_1748 : vector<16xf32>
      %mul3A_1772 = arith.mulf %mul3A_1771, %mul3A_1768 : vector<16xf32>
      %mul3A_1773 = arith.mulf %mul3A_1772, %mul3A_1768 : vector<16xf32>
      %sub3A_1774 = arith.constant 1.500000e+00 : f32
      %sub3A_1775 = vector.broadcast %sub3A_1774 : f32 to vector<16xf32>
      %sub3A_1776 = arith.subf %sub3A_1775, %mul3A_1773 : vector<16xf32>
      %mul3A_1777 = arith.mulf %mul3A_1768, %sub3A_1776 : vector<16xf32>
      %mul3A_1778 = arith.constant 5.000000e-01 : f32
      %mul3A_1779 = vector.broadcast %mul3A_1778 : f32 to vector<16xf32>
      %mul3A_1780 = arith.mulf %mul3A_1779, %mul3A_1748 : vector<16xf32>
      %mul3A_1781 = arith.mulf %mul3A_1780, %mul3A_1777 : vector<16xf32>
      %mul3A_1782 = arith.mulf %mul3A_1781, %mul3A_1777 : vector<16xf32>
      %sub3A_1783 = arith.constant 1.500000e+00 : f32
      %sub3A_1784 = vector.broadcast %sub3A_1783 : f32 to vector<16xf32>
      %sub3A_1785 = arith.subf %sub3A_1784, %mul3A_1782 : vector<16xf32>
      %mul3A_1786 = arith.mulf %mul3A_1777, %sub3A_1785 : vector<16xf32>
      %mul3A_1787 = arith.mulf %mul3A_1748, %mul3A_1786 : vector<16xf32>
      %sub3A_1788 = arith.subf %add3A_1751, %mul3A_1787 : vector<16xf32>
      %add3A_1789 = arith.addf %add3A_1725, %sub3A_1788 : vector<16xf32>
      %add3A_1790 = arith.addf %broadcast_in_dim3A_1271, %scan3A_1340#20 : vector<16xf32>
      %mul3A_1791 = arith.constant 2.000000e+00 : f32
      %mul3A_1792 = vector.broadcast %mul3A_1791 : f32 to vector<16xf32>
      %mul3A_1793 = arith.mulf %mul3A_1792, %scan3A_1340#7 : vector<16xf32>
      %sub3A_1794 = arith.subf %add3A_1790, %mul3A_1793 : vector<16xf32>
      %sub3A_1795 = arith.constant 1.000000e+00 : f32
      %sub3A_1796 = vector.broadcast %sub3A_1795 : f32 to vector<16xf32>
      %sub3A_1797 = arith.subf %sub3A_1796, %scan3A_1340#20 : vector<16xf32>
      %mul3A_1798 = arith.mulf %sub3A_1274, %sub3A_1797 : vector<16xf32>
      %add3A_1799 = arith.constant 9.99999974E-6 : f32
      %add3A_1800 = vector.broadcast %add3A_1799 : f32 to vector<16xf32>
      %add3A_1801 = arith.addf %mul3A_1798, %add3A_1800 : vector<16xf32>
      %mul3A_1802 = arith.constant 2.000000e+00 : f32
      %mul3A_1803 = vector.broadcast %mul3A_1802 : f32 to vector<16xf32>
      %mul3A_1804 = arith.mulf %mul3A_1803, %sub3A_1794 : vector<16xf32>
      %div3A_1805 = arith.divf %mul3A_1804, %add3A_1801 : vector<16xf32>
      %max3A_1806 = arith.constant 9.99999974E-6 : f32
      %max3A_1807 = vector.broadcast %max3A_1806 : f32 to vector<16xf32>
      %max3A_1808 = arith.maximumf %div3A_1805, %max3A_1807 : vector<16xf32>
      %add3A_1809 = arith.constant 2.000000e+00 : f32
      %add3A_1810 = vector.broadcast %add3A_1809 : f32 to vector<16xf32>
      %add3A_1811 = arith.addf %max3A_1808, %add3A_1810 : vector<16xf32>
      %mul3A_1812 = arith.mulf %max3A_1808, %add3A_1811 : vector<16xf32>
      %add3A_1813 = arith.constant 1.000000e+00 : f32
      %add3A_1814 = vector.broadcast %add3A_1813 : f32 to vector<16xf32>
      %add3A_1815 = arith.addf %add3A_1814, %max3A_1808 : vector<16xf32>
      %bitcast_convert_type3A_1816 = tpu.bitcast %mul3A_1812 : vector<16xf32> -> vector<16xi32>
      %shift_right_logical3A_1817 = arith.constant 1 : i32
      %shift_right_logical3A_1818 = vector.broadcast %shift_right_logical3A_1817 : i32 to vector<16xi32>
      %shift_right_logical3A_1819 = arith.shrui %bitcast_convert_type3A_1816, %shift_right_logical3A_1818 : vector<16xi32>
      %sub3A_1820 = arith.constant 1597463007 : i32
      %sub3A_1821 = vector.broadcast %sub3A_1820 : i32 to vector<16xi32>
      %sub3A_1822 = arith.subi %sub3A_1821, %shift_right_logical3A_1819 : vector<16xi32>
      %bitcast_convert_type3A_1823 = tpu.bitcast %sub3A_1822 : vector<16xi32> -> vector<16xf32>
      %mul3A_1824 = arith.constant 5.000000e-01 : f32
      %mul3A_1825 = vector.broadcast %mul3A_1824 : f32 to vector<16xf32>
      %mul3A_1826 = arith.mulf %mul3A_1825, %mul3A_1812 : vector<16xf32>
      %mul3A_1827 = arith.mulf %mul3A_1826, %bitcast_convert_type3A_1823 : vector<16xf32>
      %mul3A_1828 = arith.mulf %mul3A_1827, %bitcast_convert_type3A_1823 : vector<16xf32>
      %sub3A_1829 = arith.constant 1.500000e+00 : f32
      %sub3A_1830 = vector.broadcast %sub3A_1829 : f32 to vector<16xf32>
      %sub3A_1831 = arith.subf %sub3A_1830, %mul3A_1828 : vector<16xf32>
      %mul3A_1832 = arith.mulf %bitcast_convert_type3A_1823, %sub3A_1831 : vector<16xf32>
      %mul3A_1833 = arith.constant 5.000000e-01 : f32
      %mul3A_1834 = vector.broadcast %mul3A_1833 : f32 to vector<16xf32>
      %mul3A_1835 = arith.mulf %mul3A_1834, %mul3A_1812 : vector<16xf32>
      %mul3A_1836 = arith.mulf %mul3A_1835, %mul3A_1832 : vector<16xf32>
      %mul3A_1837 = arith.mulf %mul3A_1836, %mul3A_1832 : vector<16xf32>
      %sub3A_1838 = arith.constant 1.500000e+00 : f32
      %sub3A_1839 = vector.broadcast %sub3A_1838 : f32 to vector<16xf32>
      %sub3A_1840 = arith.subf %sub3A_1839, %mul3A_1837 : vector<16xf32>
      %mul3A_1841 = arith.mulf %mul3A_1832, %sub3A_1840 : vector<16xf32>
      %mul3A_1842 = arith.constant 5.000000e-01 : f32
      %mul3A_1843 = vector.broadcast %mul3A_1842 : f32 to vector<16xf32>
      %mul3A_1844 = arith.mulf %mul3A_1843, %mul3A_1812 : vector<16xf32>
      %mul3A_1845 = arith.mulf %mul3A_1844, %mul3A_1841 : vector<16xf32>
      %mul3A_1846 = arith.mulf %mul3A_1845, %mul3A_1841 : vector<16xf32>
      %sub3A_1847 = arith.constant 1.500000e+00 : f32
      %sub3A_1848 = vector.broadcast %sub3A_1847 : f32 to vector<16xf32>
      %sub3A_1849 = arith.subf %sub3A_1848, %mul3A_1846 : vector<16xf32>
      %mul3A_1850 = arith.mulf %mul3A_1841, %sub3A_1849 : vector<16xf32>
      %mul3A_1851 = arith.mulf %mul3A_1812, %mul3A_1850 : vector<16xf32>
      %sub3A_1852 = arith.subf %add3A_1815, %mul3A_1851 : vector<16xf32>
      %add3A_1853 = arith.addf %add3A_1789, %sub3A_1852 : vector<16xf32>
      %add3A_1854 = arith.addf %broadcast_in_dim3A_1271, %scan3A_1340#21 : vector<16xf32>
      %mul3A_1855 = arith.constant 2.000000e+00 : f32
      %mul3A_1856 = vector.broadcast %mul3A_1855 : f32 to vector<16xf32>
      %mul3A_1857 = arith.mulf %mul3A_1856, %scan3A_1340#8 : vector<16xf32>
      %sub3A_1858 = arith.subf %add3A_1854, %mul3A_1857 : vector<16xf32>
      %sub3A_1859 = arith.constant 1.000000e+00 : f32
      %sub3A_1860 = vector.broadcast %sub3A_1859 : f32 to vector<16xf32>
      %sub3A_1861 = arith.subf %sub3A_1860, %scan3A_1340#21 : vector<16xf32>
      %mul3A_1862 = arith.mulf %sub3A_1274, %sub3A_1861 : vector<16xf32>
      %add3A_1863 = arith.constant 9.99999974E-6 : f32
      %add3A_1864 = vector.broadcast %add3A_1863 : f32 to vector<16xf32>
      %add3A_1865 = arith.addf %mul3A_1862, %add3A_1864 : vector<16xf32>
      %mul3A_1866 = arith.constant 2.000000e+00 : f32
      %mul3A_1867 = vector.broadcast %mul3A_1866 : f32 to vector<16xf32>
      %mul3A_1868 = arith.mulf %mul3A_1867, %sub3A_1858 : vector<16xf32>
      %div3A_1869 = arith.divf %mul3A_1868, %add3A_1865 : vector<16xf32>
      %max3A_1870 = arith.constant 9.99999974E-6 : f32
      %max3A_1871 = vector.broadcast %max3A_1870 : f32 to vector<16xf32>
      %max3A_1872 = arith.maximumf %div3A_1869, %max3A_1871 : vector<16xf32>
      %add3A_1873 = arith.constant 2.000000e+00 : f32
      %add3A_1874 = vector.broadcast %add3A_1873 : f32 to vector<16xf32>
      %add3A_1875 = arith.addf %max3A_1872, %add3A_1874 : vector<16xf32>
      %mul3A_1876 = arith.mulf %max3A_1872, %add3A_1875 : vector<16xf32>
      %add3A_1877 = arith.constant 1.000000e+00 : f32
      %add3A_1878 = vector.broadcast %add3A_1877 : f32 to vector<16xf32>
      %add3A_1879 = arith.addf %add3A_1878, %max3A_1872 : vector<16xf32>
      %bitcast_convert_type3A_1880 = tpu.bitcast %mul3A_1876 : vector<16xf32> -> vector<16xi32>
      %shift_right_logical3A_1881 = arith.constant 1 : i32
      %shift_right_logical3A_1882 = vector.broadcast %shift_right_logical3A_1881 : i32 to vector<16xi32>
      %shift_right_logical3A_1883 = arith.shrui %bitcast_convert_type3A_1880, %shift_right_logical3A_1882 : vector<16xi32>
      %sub3A_1884 = arith.constant 1597463007 : i32
      %sub3A_1885 = vector.broadcast %sub3A_1884 : i32 to vector<16xi32>
      %sub3A_1886 = arith.subi %sub3A_1885, %shift_right_logical3A_1883 : vector<16xi32>
      %bitcast_convert_type3A_1887 = tpu.bitcast %sub3A_1886 : vector<16xi32> -> vector<16xf32>
      %mul3A_1888 = arith.constant 5.000000e-01 : f32
      %mul3A_1889 = vector.broadcast %mul3A_1888 : f32 to vector<16xf32>
      %mul3A_1890 = arith.mulf %mul3A_1889, %mul3A_1876 : vector<16xf32>
      %mul3A_1891 = arith.mulf %mul3A_1890, %bitcast_convert_type3A_1887 : vector<16xf32>
      %mul3A_1892 = arith.mulf %mul3A_1891, %bitcast_convert_type3A_1887 : vector<16xf32>
      %sub3A_1893 = arith.constant 1.500000e+00 : f32
      %sub3A_1894 = vector.broadcast %sub3A_1893 : f32 to vector<16xf32>
      %sub3A_1895 = arith.subf %sub3A_1894, %mul3A_1892 : vector<16xf32>
      %mul3A_1896 = arith.mulf %bitcast_convert_type3A_1887, %sub3A_1895 : vector<16xf32>
      %mul3A_1897 = arith.constant 5.000000e-01 : f32
      %mul3A_1898 = vector.broadcast %mul3A_1897 : f32 to vector<16xf32>
      %mul3A_1899 = arith.mulf %mul3A_1898, %mul3A_1876 : vector<16xf32>
      %mul3A_1900 = arith.mulf %mul3A_1899, %mul3A_1896 : vector<16xf32>
      %mul3A_1901 = arith.mulf %mul3A_1900, %mul3A_1896 : vector<16xf32>
      %sub3A_1902 = arith.constant 1.500000e+00 : f32
      %sub3A_1903 = vector.broadcast %sub3A_1902 : f32 to vector<16xf32>
      %sub3A_1904 = arith.subf %sub3A_1903, %mul3A_1901 : vector<16xf32>
      %mul3A_1905 = arith.mulf %mul3A_1896, %sub3A_1904 : vector<16xf32>
      %mul3A_1906 = arith.constant 5.000000e-01 : f32
      %mul3A_1907 = vector.broadcast %mul3A_1906 : f32 to vector<16xf32>
      %mul3A_1908 = arith.mulf %mul3A_1907, %mul3A_1876 : vector<16xf32>
      %mul3A_1909 = arith.mulf %mul3A_1908, %mul3A_1905 : vector<16xf32>
      %mul3A_1910 = arith.mulf %mul3A_1909, %mul3A_1905 : vector<16xf32>
      %sub3A_1911 = arith.constant 1.500000e+00 : f32
      %sub3A_1912 = vector.broadcast %sub3A_1911 : f32 to vector<16xf32>
      %sub3A_1913 = arith.subf %sub3A_1912, %mul3A_1910 : vector<16xf32>
      %mul3A_1914 = arith.mulf %mul3A_1905, %sub3A_1913 : vector<16xf32>
      %mul3A_1915 = arith.mulf %mul3A_1876, %mul3A_1914 : vector<16xf32>
      %sub3A_1916 = arith.subf %add3A_1879, %mul3A_1915 : vector<16xf32>
      %add3A_1917 = arith.addf %add3A_1853, %sub3A_1916 : vector<16xf32>
      %add3A_1918 = arith.addf %broadcast_in_dim3A_1271, %scan3A_1340#22 : vector<16xf32>
      %mul3A_1919 = arith.constant 2.000000e+00 : f32
      %mul3A_1920 = vector.broadcast %mul3A_1919 : f32 to vector<16xf32>
      %mul3A_1921 = arith.mulf %mul3A_1920, %scan3A_1340#9 : vector<16xf32>
      %sub3A_1922 = arith.subf %add3A_1918, %mul3A_1921 : vector<16xf32>
      %sub3A_1923 = arith.constant 1.000000e+00 : f32
      %sub3A_1924 = vector.broadcast %sub3A_1923 : f32 to vector<16xf32>
      %sub3A_1925 = arith.subf %sub3A_1924, %scan3A_1340#22 : vector<16xf32>
      %mul3A_1926 = arith.mulf %sub3A_1274, %sub3A_1925 : vector<16xf32>
      %add3A_1927 = arith.constant 9.99999974E-6 : f32
      %add3A_1928 = vector.broadcast %add3A_1927 : f32 to vector<16xf32>
      %add3A_1929 = arith.addf %mul3A_1926, %add3A_1928 : vector<16xf32>
      %mul3A_1930 = arith.constant 2.000000e+00 : f32
      %mul3A_1931 = vector.broadcast %mul3A_1930 : f32 to vector<16xf32>
      %mul3A_1932 = arith.mulf %mul3A_1931, %sub3A_1922 : vector<16xf32>
      %div3A_1933 = arith.divf %mul3A_1932, %add3A_1929 : vector<16xf32>
      %max3A_1934 = arith.constant 9.99999974E-6 : f32
      %max3A_1935 = vector.broadcast %max3A_1934 : f32 to vector<16xf32>
      %max3A_1936 = arith.maximumf %div3A_1933, %max3A_1935 : vector<16xf32>
      %add3A_1937 = arith.constant 2.000000e+00 : f32
      %add3A_1938 = vector.broadcast %add3A_1937 : f32 to vector<16xf32>
      %add3A_1939 = arith.addf %max3A_1936, %add3A_1938 : vector<16xf32>
      %mul3A_1940 = arith.mulf %max3A_1936, %add3A_1939 : vector<16xf32>
      %add3A_1941 = arith.constant 1.000000e+00 : f32
      %add3A_1942 = vector.broadcast %add3A_1941 : f32 to vector<16xf32>
      %add3A_1943 = arith.addf %add3A_1942, %max3A_1936 : vector<16xf32>
      %bitcast_convert_type3A_1944 = tpu.bitcast %mul3A_1940 : vector<16xf32> -> vector<16xi32>
      %shift_right_logical3A_1945 = arith.constant 1 : i32
      %shift_right_logical3A_1946 = vector.broadcast %shift_right_logical3A_1945 : i32 to vector<16xi32>
      %shift_right_logical3A_1947 = arith.shrui %bitcast_convert_type3A_1944, %shift_right_logical3A_1946 : vector<16xi32>
      %sub3A_1948 = arith.constant 1597463007 : i32
      %sub3A_1949 = vector.broadcast %sub3A_1948 : i32 to vector<16xi32>
      %sub3A_1950 = arith.subi %sub3A_1949, %shift_right_logical3A_1947 : vector<16xi32>
      %bitcast_convert_type3A_1951 = tpu.bitcast %sub3A_1950 : vector<16xi32> -> vector<16xf32>
      %mul3A_1952 = arith.constant 5.000000e-01 : f32
      %mul3A_1953 = vector.broadcast %mul3A_1952 : f32 to vector<16xf32>
      %mul3A_1954 = arith.mulf %mul3A_1953, %mul3A_1940 : vector<16xf32>
      %mul3A_1955 = arith.mulf %mul3A_1954, %bitcast_convert_type3A_1951 : vector<16xf32>
      %mul3A_1956 = arith.mulf %mul3A_1955, %bitcast_convert_type3A_1951 : vector<16xf32>
      %sub3A_1957 = arith.constant 1.500000e+00 : f32
      %sub3A_1958 = vector.broadcast %sub3A_1957 : f32 to vector<16xf32>
      %sub3A_1959 = arith.subf %sub3A_1958, %mul3A_1956 : vector<16xf32>
      %mul3A_1960 = arith.mulf %bitcast_convert_type3A_1951, %sub3A_1959 : vector<16xf32>
      %mul3A_1961 = arith.constant 5.000000e-01 : f32
      %mul3A_1962 = vector.broadcast %mul3A_1961 : f32 to vector<16xf32>
      %mul3A_1963 = arith.mulf %mul3A_1962, %mul3A_1940 : vector<16xf32>
      %mul3A_1964 = arith.mulf %mul3A_1963, %mul3A_1960 : vector<16xf32>
      %mul3A_1965 = arith.mulf %mul3A_1964, %mul3A_1960 : vector<16xf32>
      %sub3A_1966 = arith.constant 1.500000e+00 : f32
      %sub3A_1967 = vector.broadcast %sub3A_1966 : f32 to vector<16xf32>
      %sub3A_1968 = arith.subf %sub3A_1967, %mul3A_1965 : vector<16xf32>
      %mul3A_1969 = arith.mulf %mul3A_1960, %sub3A_1968 : vector<16xf32>
      %mul3A_1970 = arith.constant 5.000000e-01 : f32
      %mul3A_1971 = vector.broadcast %mul3A_1970 : f32 to vector<16xf32>
      %mul3A_1972 = arith.mulf %mul3A_1971, %mul3A_1940 : vector<16xf32>
      %mul3A_1973 = arith.mulf %mul3A_1972, %mul3A_1969 : vector<16xf32>
      %mul3A_1974 = arith.mulf %mul3A_1973, %mul3A_1969 : vector<16xf32>
      %sub3A_1975 = arith.constant 1.500000e+00 : f32
      %sub3A_1976 = vector.broadcast %sub3A_1975 : f32 to vector<16xf32>
      %sub3A_1977 = arith.subf %sub3A_1976, %mul3A_1974 : vector<16xf32>
      %mul3A_1978 = arith.mulf %mul3A_1969, %sub3A_1977 : vector<16xf32>
      %mul3A_1979 = arith.mulf %mul3A_1940, %mul3A_1978 : vector<16xf32>
      %sub3A_1980 = arith.subf %add3A_1943, %mul3A_1979 : vector<16xf32>
      %add3A_1981 = arith.addf %add3A_1917, %sub3A_1980 : vector<16xf32>
      %add3A_1982 = arith.addf %broadcast_in_dim3A_1271, %scan3A_1340#23 : vector<16xf32>
      %mul3A_1983 = arith.constant 2.000000e+00 : f32
      %mul3A_1984 = vector.broadcast %mul3A_1983 : f32 to vector<16xf32>
      %mul3A_1985 = arith.mulf %mul3A_1984, %scan3A_1340#10 : vector<16xf32>
      %sub3A_1986 = arith.subf %add3A_1982, %mul3A_1985 : vector<16xf32>
      %sub3A_1987 = arith.constant 1.000000e+00 : f32
      %sub3A_1988 = vector.broadcast %sub3A_1987 : f32 to vector<16xf32>
      %sub3A_1989 = arith.subf %sub3A_1988, %scan3A_1340#23 : vector<16xf32>
      %mul3A_1990 = arith.mulf %sub3A_1274, %sub3A_1989 : vector<16xf32>
      %add3A_1991 = arith.constant 9.99999974E-6 : f32
      %add3A_1992 = vector.broadcast %add3A_1991 : f32 to vector<16xf32>
      %add3A_1993 = arith.addf %mul3A_1990, %add3A_1992 : vector<16xf32>
      %mul3A_1994 = arith.constant 2.000000e+00 : f32
      %mul3A_1995 = vector.broadcast %mul3A_1994 : f32 to vector<16xf32>
      %mul3A_1996 = arith.mulf %mul3A_1995, %sub3A_1986 : vector<16xf32>
      %div3A_1997 = arith.divf %mul3A_1996, %add3A_1993 : vector<16xf32>
      %max3A_1998 = arith.constant 9.99999974E-6 : f32
      %max3A_1999 = vector.broadcast %max3A_1998 : f32 to vector<16xf32>
      %max3A_2000 = arith.maximumf %div3A_1997, %max3A_1999 : vector<16xf32>
      %add3A_2001 = arith.constant 2.000000e+00 : f32
      %add3A_2002 = vector.broadcast %add3A_2001 : f32 to vector<16xf32>
      %add3A_2003 = arith.addf %max3A_2000, %add3A_2002 : vector<16xf32>
      %mul3A_2004 = arith.mulf %max3A_2000, %add3A_2003 : vector<16xf32>
      %add3A_2005 = arith.constant 1.000000e+00 : f32
      %add3A_2006 = vector.broadcast %add3A_2005 : f32 to vector<16xf32>
      %add3A_2007 = arith.addf %add3A_2006, %max3A_2000 : vector<16xf32>
      %bitcast_convert_type3A_2008 = tpu.bitcast %mul3A_2004 : vector<16xf32> -> vector<16xi32>
      %shift_right_logical3A_2009 = arith.constant 1 : i32
      %shift_right_logical3A_2010 = vector.broadcast %shift_right_logical3A_2009 : i32 to vector<16xi32>
      %shift_right_logical3A_2011 = arith.shrui %bitcast_convert_type3A_2008, %shift_right_logical3A_2010 : vector<16xi32>
      %sub3A_2012 = arith.constant 1597463007 : i32
      %sub3A_2013 = vector.broadcast %sub3A_2012 : i32 to vector<16xi32>
      %sub3A_2014 = arith.subi %sub3A_2013, %shift_right_logical3A_2011 : vector<16xi32>
      %bitcast_convert_type3A_2015 = tpu.bitcast %sub3A_2014 : vector<16xi32> -> vector<16xf32>
      %mul3A_2016 = arith.constant 5.000000e-01 : f32
      %mul3A_2017 = vector.broadcast %mul3A_2016 : f32 to vector<16xf32>
      %mul3A_2018 = arith.mulf %mul3A_2017, %mul3A_2004 : vector<16xf32>
      %mul3A_2019 = arith.mulf %mul3A_2018, %bitcast_convert_type3A_2015 : vector<16xf32>
      %mul3A_2020 = arith.mulf %mul3A_2019, %bitcast_convert_type3A_2015 : vector<16xf32>
      %sub3A_2021 = arith.constant 1.500000e+00 : f32
      %sub3A_2022 = vector.broadcast %sub3A_2021 : f32 to vector<16xf32>
      %sub3A_2023 = arith.subf %sub3A_2022, %mul3A_2020 : vector<16xf32>
      %mul3A_2024 = arith.mulf %bitcast_convert_type3A_2015, %sub3A_2023 : vector<16xf32>
      %mul3A_2025 = arith.constant 5.000000e-01 : f32
      %mul3A_2026 = vector.broadcast %mul3A_2025 : f32 to vector<16xf32>
      %mul3A_2027 = arith.mulf %mul3A_2026, %mul3A_2004 : vector<16xf32>
      %mul3A_2028 = arith.mulf %mul3A_2027, %mul3A_2024 : vector<16xf32>
      %mul3A_2029 = arith.mulf %mul3A_2028, %mul3A_2024 : vector<16xf32>
      %sub3A_2030 = arith.constant 1.500000e+00 : f32
      %sub3A_2031 = vector.broadcast %sub3A_2030 : f32 to vector<16xf32>
      %sub3A_2032 = arith.subf %sub3A_2031, %mul3A_2029 : vector<16xf32>
      %mul3A_2033 = arith.mulf %mul3A_2024, %sub3A_2032 : vector<16xf32>
      %mul3A_2034 = arith.constant 5.000000e-01 : f32
      %mul3A_2035 = vector.broadcast %mul3A_2034 : f32 to vector<16xf32>
      %mul3A_2036 = arith.mulf %mul3A_2035, %mul3A_2004 : vector<16xf32>
      %mul3A_2037 = arith.mulf %mul3A_2036, %mul3A_2033 : vector<16xf32>
      %mul3A_2038 = arith.mulf %mul3A_2037, %mul3A_2033 : vector<16xf32>
      %sub3A_2039 = arith.constant 1.500000e+00 : f32
      %sub3A_2040 = vector.broadcast %sub3A_2039 : f32 to vector<16xf32>
      %sub3A_2041 = arith.subf %sub3A_2040, %mul3A_2038 : vector<16xf32>
      %mul3A_2042 = arith.mulf %mul3A_2033, %sub3A_2041 : vector<16xf32>
      %mul3A_2043 = arith.mulf %mul3A_2004, %mul3A_2042 : vector<16xf32>
      %sub3A_2044 = arith.subf %add3A_2007, %mul3A_2043 : vector<16xf32>
      %add3A_2045 = arith.addf %add3A_1981, %sub3A_2044 : vector<16xf32>
      %add3A_2046 = arith.addf %broadcast_in_dim3A_1271, %scan3A_1340#24 : vector<16xf32>
      %mul3A_2047 = arith.constant 2.000000e+00 : f32
      %mul3A_2048 = vector.broadcast %mul3A_2047 : f32 to vector<16xf32>
      %mul3A_2049 = arith.mulf %mul3A_2048, %scan3A_1340#11 : vector<16xf32>
      %sub3A_2050 = arith.subf %add3A_2046, %mul3A_2049 : vector<16xf32>
      %sub3A_2051 = arith.constant 1.000000e+00 : f32
      %sub3A_2052 = vector.broadcast %sub3A_2051 : f32 to vector<16xf32>
      %sub3A_2053 = arith.subf %sub3A_2052, %scan3A_1340#24 : vector<16xf32>
      %mul3A_2054 = arith.mulf %sub3A_1274, %sub3A_2053 : vector<16xf32>
      %add3A_2055 = arith.constant 9.99999974E-6 : f32
      %add3A_2056 = vector.broadcast %add3A_2055 : f32 to vector<16xf32>
      %add3A_2057 = arith.addf %mul3A_2054, %add3A_2056 : vector<16xf32>
      %mul3A_2058 = arith.constant 2.000000e+00 : f32
      %mul3A_2059 = vector.broadcast %mul3A_2058 : f32 to vector<16xf32>
      %mul3A_2060 = arith.mulf %mul3A_2059, %sub3A_2050 : vector<16xf32>
      %div3A_2061 = arith.divf %mul3A_2060, %add3A_2057 : vector<16xf32>
      %max3A_2062 = arith.constant 9.99999974E-6 : f32
      %max3A_2063 = vector.broadcast %max3A_2062 : f32 to vector<16xf32>
      %max3A_2064 = arith.maximumf %div3A_2061, %max3A_2063 : vector<16xf32>
      %add3A_2065 = arith.constant 2.000000e+00 : f32
      %add3A_2066 = vector.broadcast %add3A_2065 : f32 to vector<16xf32>
      %add3A_2067 = arith.addf %max3A_2064, %add3A_2066 : vector<16xf32>
      %mul3A_2068 = arith.mulf %max3A_2064, %add3A_2067 : vector<16xf32>
      %add3A_2069 = arith.constant 1.000000e+00 : f32
      %add3A_2070 = vector.broadcast %add3A_2069 : f32 to vector<16xf32>
      %add3A_2071 = arith.addf %add3A_2070, %max3A_2064 : vector<16xf32>
      %bitcast_convert_type3A_2072 = tpu.bitcast %mul3A_2068 : vector<16xf32> -> vector<16xi32>
      %shift_right_logical3A_2073 = arith.constant 1 : i32
      %shift_right_logical3A_2074 = vector.broadcast %shift_right_logical3A_2073 : i32 to vector<16xi32>
      %shift_right_logical3A_2075 = arith.shrui %bitcast_convert_type3A_2072, %shift_right_logical3A_2074 : vector<16xi32>
      %sub3A_2076 = arith.constant 1597463007 : i32
      %sub3A_2077 = vector.broadcast %sub3A_2076 : i32 to vector<16xi32>
      %sub3A_2078 = arith.subi %sub3A_2077, %shift_right_logical3A_2075 : vector<16xi32>
      %bitcast_convert_type3A_2079 = tpu.bitcast %sub3A_2078 : vector<16xi32> -> vector<16xf32>
      %mul3A_2080 = arith.constant 5.000000e-01 : f32
      %mul3A_2081 = vector.broadcast %mul3A_2080 : f32 to vector<16xf32>
      %mul3A_2082 = arith.mulf %mul3A_2081, %mul3A_2068 : vector<16xf32>
      %mul3A_2083 = arith.mulf %mul3A_2082, %bitcast_convert_type3A_2079 : vector<16xf32>
      %mul3A_2084 = arith.mulf %mul3A_2083, %bitcast_convert_type3A_2079 : vector<16xf32>
      %sub3A_2085 = arith.constant 1.500000e+00 : f32
      %sub3A_2086 = vector.broadcast %sub3A_2085 : f32 to vector<16xf32>
      %sub3A_2087 = arith.subf %sub3A_2086, %mul3A_2084 : vector<16xf32>
      %mul3A_2088 = arith.mulf %bitcast_convert_type3A_2079, %sub3A_2087 : vector<16xf32>
      %mul3A_2089 = arith.constant 5.000000e-01 : f32
      %mul3A_2090 = vector.broadcast %mul3A_2089 : f32 to vector<16xf32>
      %mul3A_2091 = arith.mulf %mul3A_2090, %mul3A_2068 : vector<16xf32>
      %mul3A_2092 = arith.mulf %mul3A_2091, %mul3A_2088 : vector<16xf32>
      %mul3A_2093 = arith.mulf %mul3A_2092, %mul3A_2088 : vector<16xf32>
      %sub3A_2094 = arith.constant 1.500000e+00 : f32
      %sub3A_2095 = vector.broadcast %sub3A_2094 : f32 to vector<16xf32>
      %sub3A_2096 = arith.subf %sub3A_2095, %mul3A_2093 : vector<16xf32>
      %mul3A_2097 = arith.mulf %mul3A_2088, %sub3A_2096 : vector<16xf32>
      %mul3A_2098 = arith.constant 5.000000e-01 : f32
      %mul3A_2099 = vector.broadcast %mul3A_2098 : f32 to vector<16xf32>
      %mul3A_2100 = arith.mulf %mul3A_2099, %mul3A_2068 : vector<16xf32>
      %mul3A_2101 = arith.mulf %mul3A_2100, %mul3A_2097 : vector<16xf32>
      %mul3A_2102 = arith.mulf %mul3A_2101, %mul3A_2097 : vector<16xf32>
      %sub3A_2103 = arith.constant 1.500000e+00 : f32
      %sub3A_2104 = vector.broadcast %sub3A_2103 : f32 to vector<16xf32>
      %sub3A_2105 = arith.subf %sub3A_2104, %mul3A_2102 : vector<16xf32>
      %mul3A_2106 = arith.mulf %mul3A_2097, %sub3A_2105 : vector<16xf32>
      %mul3A_2107 = arith.mulf %mul3A_2068, %mul3A_2106 : vector<16xf32>
      %sub3A_2108 = arith.subf %add3A_2071, %mul3A_2107 : vector<16xf32>
      %add3A_2109 = arith.addf %add3A_2045, %sub3A_2108 : vector<16xf32>
      %add3A_2110 = arith.addf %broadcast_in_dim3A_1271, %scan3A_1340#25 : vector<16xf32>
      %mul3A_2111 = arith.constant 2.000000e+00 : f32
      %mul3A_2112 = vector.broadcast %mul3A_2111 : f32 to vector<16xf32>
      %mul3A_2113 = arith.mulf %mul3A_2112, %scan3A_1340#12 : vector<16xf32>
      %sub3A_2114 = arith.subf %add3A_2110, %mul3A_2113 : vector<16xf32>
      %sub3A_2115 = arith.constant 1.000000e+00 : f32
      %sub3A_2116 = vector.broadcast %sub3A_2115 : f32 to vector<16xf32>
      %sub3A_2117 = arith.subf %sub3A_2116, %scan3A_1340#25 : vector<16xf32>
      %mul3A_2118 = arith.mulf %sub3A_1274, %sub3A_2117 : vector<16xf32>
      %add3A_2119 = arith.constant 9.99999974E-6 : f32
      %add3A_2120 = vector.broadcast %add3A_2119 : f32 to vector<16xf32>
      %add3A_2121 = arith.addf %mul3A_2118, %add3A_2120 : vector<16xf32>
      %mul3A_2122 = arith.constant 2.000000e+00 : f32
      %mul3A_2123 = vector.broadcast %mul3A_2122 : f32 to vector<16xf32>
      %mul3A_2124 = arith.mulf %mul3A_2123, %sub3A_2114 : vector<16xf32>
      %div3A_2125 = arith.divf %mul3A_2124, %add3A_2121 : vector<16xf32>
      %max3A_2126 = arith.constant 9.99999974E-6 : f32
      %max3A_2127 = vector.broadcast %max3A_2126 : f32 to vector<16xf32>
      %max3A_2128 = arith.maximumf %div3A_2125, %max3A_2127 : vector<16xf32>
      %add3A_2129 = arith.constant 2.000000e+00 : f32
      %add3A_2130 = vector.broadcast %add3A_2129 : f32 to vector<16xf32>
      %add3A_2131 = arith.addf %max3A_2128, %add3A_2130 : vector<16xf32>
      %mul3A_2132 = arith.mulf %max3A_2128, %add3A_2131 : vector<16xf32>
      %add3A_2133 = arith.constant 1.000000e+00 : f32
      %add3A_2134 = vector.broadcast %add3A_2133 : f32 to vector<16xf32>
      %add3A_2135 = arith.addf %add3A_2134, %max3A_2128 : vector<16xf32>
      %bitcast_convert_type3A_2136 = tpu.bitcast %mul3A_2132 : vector<16xf32> -> vector<16xi32>
      %shift_right_logical3A_2137 = arith.constant 1 : i32
      %shift_right_logical3A_2138 = vector.broadcast %shift_right_logical3A_2137 : i32 to vector<16xi32>
      %shift_right_logical3A_2139 = arith.shrui %bitcast_convert_type3A_2136, %shift_right_logical3A_2138 : vector<16xi32>
      %sub3A_2140 = arith.constant 1597463007 : i32
      %sub3A_2141 = vector.broadcast %sub3A_2140 : i32 to vector<16xi32>
      %sub3A_2142 = arith.subi %sub3A_2141, %shift_right_logical3A_2139 : vector<16xi32>
      %bitcast_convert_type3A_2143 = tpu.bitcast %sub3A_2142 : vector<16xi32> -> vector<16xf32>
      %mul3A_2144 = arith.constant 5.000000e-01 : f32
      %mul3A_2145 = vector.broadcast %mul3A_2144 : f32 to vector<16xf32>
      %mul3A_2146 = arith.mulf %mul3A_2145, %mul3A_2132 : vector<16xf32>
      %mul3A_2147 = arith.mulf %mul3A_2146, %bitcast_convert_type3A_2143 : vector<16xf32>
      %mul3A_2148 = arith.mulf %mul3A_2147, %bitcast_convert_type3A_2143 : vector<16xf32>
      %sub3A_2149 = arith.constant 1.500000e+00 : f32
      %sub3A_2150 = vector.broadcast %sub3A_2149 : f32 to vector<16xf32>
      %sub3A_2151 = arith.subf %sub3A_2150, %mul3A_2148 : vector<16xf32>
      %mul3A_2152 = arith.mulf %bitcast_convert_type3A_2143, %sub3A_2151 : vector<16xf32>
      %mul3A_2153 = arith.constant 5.000000e-01 : f32
      %mul3A_2154 = vector.broadcast %mul3A_2153 : f32 to vector<16xf32>
      %mul3A_2155 = arith.mulf %mul3A_2154, %mul3A_2132 : vector<16xf32>
      %mul3A_2156 = arith.mulf %mul3A_2155, %mul3A_2152 : vector<16xf32>
      %mul3A_2157 = arith.mulf %mul3A_2156, %mul3A_2152 : vector<16xf32>
      %sub3A_2158 = arith.constant 1.500000e+00 : f32
      %sub3A_2159 = vector.broadcast %sub3A_2158 : f32 to vector<16xf32>
      %sub3A_2160 = arith.subf %sub3A_2159, %mul3A_2157 : vector<16xf32>
      %mul3A_2161 = arith.mulf %mul3A_2152, %sub3A_2160 : vector<16xf32>
      %mul3A_2162 = arith.constant 5.000000e-01 : f32
      %mul3A_2163 = vector.broadcast %mul3A_2162 : f32 to vector<16xf32>
      %mul3A_2164 = arith.mulf %mul3A_2163, %mul3A_2132 : vector<16xf32>
      %mul3A_2165 = arith.mulf %mul3A_2164, %mul3A_2161 : vector<16xf32>
      %mul3A_2166 = arith.mulf %mul3A_2165, %mul3A_2161 : vector<16xf32>
      %sub3A_2167 = arith.constant 1.500000e+00 : f32
      %sub3A_2168 = vector.broadcast %sub3A_2167 : f32 to vector<16xf32>
      %sub3A_2169 = arith.subf %sub3A_2168, %mul3A_2166 : vector<16xf32>
      %mul3A_2170 = arith.mulf %mul3A_2161, %sub3A_2169 : vector<16xf32>
      %mul3A_2171 = arith.mulf %mul3A_2132, %mul3A_2170 : vector<16xf32>
      %sub3A_2172 = arith.subf %add3A_2135, %mul3A_2171 : vector<16xf32>
      %jit3A_2173 = arith.constant 0.000000e+00 : f32
      %broadcast_in_dim3A_2174 = vector.broadcast %jit3A_2173 : f32 to vector<16xf32>
      %select_n3A_2175 = arith.select %lt3A_6, %sub3A_2172, %broadcast_in_dim3A_2174 : vector<16xi1>, vector<16xf32>
      %add3A_2176 = arith.addf %add3A_2109, %select_n3A_2175 : vector<16xf32>
      %add3A_2177 = arith.constant 3 : i32
      %add3A_2178 = arith.addi %mul3A_99, %add3A_2177 : i32
      %lt3A_2179 = arith.constant 128 : i32
      %lt3A_2180 = arith.cmpi slt, %add3A_2178, %lt3A_2179 : i32
      %convert_element_type3A_2181 = arith.extui %lt3A_2180 : i1 to i32
      %cond3A_2182 = arith.constant 0 : i32
      %cond3A_2183 = arith.cmpi ne, %convert_element_type3A_2181, %cond3A_2182 : i32
      scf.if %cond3A_2183 {
        %add3A_2184 = arith.constant 3 : i32
        %add3A_2185 = arith.addi %mul3A_99, %add3A_2184 : i32
        %dma_start3A_2186 = arith.constant 0 : i32
        %dma_start3A_2187 = arith.constant 0 : i32
        %dma_start3A_2188 = arith.constant 0 : i32
        %dma_start3A_2189 = tpu.memref_slice %arg8[%dma_start3A_2187, %dma_start3A_2188] : memref<208x128xf32, #tpu.memory_space<vmem>> -> memref<104x128xf32, #tpu.memory_space<vmem>>
        %dma_start3A_2190 = arith.constant 0 : i32
        %dma_start3A_2191 = tpu.memref_slice %arg6[%add3A_2185, %dma_start3A_2186, %dma_start3A_2190] : memref<128x2x104xi32, #tpu.memory_space<vmem>> -> memref<1x1x104xi32, #tpu.memory_space<vmem>>
        %dma_start3A_2192 = tpu.memref_squeeze %dma_start3A_2191 : memref<1x1x104xi32, #tpu.memory_space<vmem>> -> memref<104xi32, #tpu.memory_space<vmem>>
        %dma_start3A_2193 = arith.constant 0 : i32
        %dma_start3A_2194 = arith.constant 0 : i32
        %dma_start3A_2195 = tpu.memref_slice %arg2[%dma_start3A_2193, %dma_start3A_2194] : memref<100000x128xf32, #tpu.memory_space<hbm>> -> memref<100000x128xf32, #tpu.memory_space<hbm>>
        tpu.enqueue_indirect_dma source(%dma_start3A_2195 : memref<100000x128xf32, #tpu.memory_space<hbm>>) target(%dma_start3A_2189 : memref<104x128xf32, #tpu.memory_space<vmem>>) offsets(%dma_start3A_2192 : memref<104xi32, #tpu.memory_space<vmem>>) semaphore(%arg12 : memref<!tpu.dma_semaphore, #tpu.memory_space<semaphore_mem>>)
        %dma_start3A_2196 = arith.constant 1 : i32
        %dma_start3A_2197 = arith.constant 104 : i32
        %dma_start3A_2198 = arith.constant 0 : i32
        %dma_start3A_2199 = tpu.memref_slice %arg8[%dma_start3A_2197, %dma_start3A_2198] : memref<208x128xf32, #tpu.memory_space<vmem>> -> memref<104x128xf32, #tpu.memory_space<vmem>>
        %dma_start3A_2200 = arith.constant 0 : i32
        %dma_start3A_2201 = tpu.memref_slice %arg6[%add3A_2185, %dma_start3A_2196, %dma_start3A_2200] : memref<128x2x104xi32, #tpu.memory_space<vmem>> -> memref<1x1x104xi32, #tpu.memory_space<vmem>>
        %dma_start3A_2202 = tpu.memref_squeeze %dma_start3A_2201 : memref<1x1x104xi32, #tpu.memory_space<vmem>> -> memref<104xi32, #tpu.memory_space<vmem>>
        %dma_start3A_2203 = arith.constant 0 : i32
        %dma_start3A_2204 = arith.constant 0 : i32
        %dma_start3A_2205 = tpu.memref_slice %arg2[%dma_start3A_2203, %dma_start3A_2204] : memref<100000x128xf32, #tpu.memory_space<hbm>> -> memref<100000x128xf32, #tpu.memory_space<hbm>>
        tpu.enqueue_indirect_dma source(%dma_start3A_2205 : memref<100000x128xf32, #tpu.memory_space<hbm>>) target(%dma_start3A_2199 : memref<104x128xf32, #tpu.memory_space<vmem>>) offsets(%dma_start3A_2202 : memref<104xi32, #tpu.memory_space<vmem>>) semaphore(%arg12 : memref<!tpu.dma_semaphore, #tpu.memory_space<semaphore_mem>>)
      } else {
      }
      scf.yield %add3A_2176 : vector<16xf32>
    }
    %scan3A_94 = arith.constant 64 : i32
    %swap3A = arith.constant 0 : index
    %swap3A_95 = tpu.vector_load %arg10[%swap3A] {strides = array<i32>} : memref<16xf32, #tpu.memory_space<vmem>>, vector<16xf32>,
    tpu.vector_store %arg10[%swap3A], %scan3A_93 {strides = array<i32>} : memref<16xf32, #tpu.memory_space<vmem>>, vector<16xf32>,
    "tpu.region"() ({
      %run_scoped3A = tpu.sem_alloc : memref<!tpu.dma_semaphore, #tpu.memory_space<semaphore_mem>>
      %dma_start3A_96 = tpu.memref_slice %arg4[%mul3A_2] : memref<4096xf32, #tpu.memory_space<hbm>> -> memref<128xf32, #tpu.memory_space<hbm>>
      %dma_start3A_97 = tpu.memref_slice %arg4[%mul3A_2] : memref<4096xf32, #tpu.memory_space<hbm>> -> memref<128xf32, #tpu.memory_space<hbm>>
      tpu.enqueue_dma source(%arg9 : memref<128xf32, #tpu.memory_space<vmem>>) target(%dma_start3A_97 : memref<128xf32, #tpu.memory_space<hbm>>) target_semaphore(%run_scoped3A : memref<!tpu.dma_semaphore, #tpu.memory_space<semaphore_mem>>)
      %dma_wait3A = tpu.memref_slice %arg4[%mul3A_2] : memref<4096xf32, #tpu.memory_space<hbm>> -> memref<128xf32, #tpu.memory_space<hbm>>
      %dma_wait3A_98 = tpu.memref_slice %arg4[%mul3A_2] : memref<4096xf32, #tpu.memory_space<hbm>> -> memref<128xf32, #tpu.memory_space<hbm>>
      tpu.wait_dma2 semaphore(%run_scoped3A : memref<!tpu.dma_semaphore, #tpu.memory_space<semaphore_mem>>) src(%arg9 : memref<128xf32, #tpu.memory_space<vmem>>) dst(%dma_wait3A_98 : memref<128xf32, #tpu.memory_space<hbm>>)
      tpu.yield
    }) : () -> ()
    "tpu.region"() ({
      %run_scoped3A = tpu.sem_alloc : memref<!tpu.dma_semaphore, #tpu.memory_space<semaphore_mem>>
      %dma_start3A_96 = arith.constant 0 : i32
      %dma_start3A_97 = tpu.memref_slice %arg5[%add3A, %dma_start3A_96] : memref<32x16xf32, #tpu.memory_space<hbm>> -> memref<1x16xf32, #tpu.memory_space<hbm>>
      %dma_start3A_98 = tpu.memref_squeeze %dma_start3A_97 : memref<1x16xf32, #tpu.memory_space<hbm>> -> memref<16xf32, #tpu.memory_space<hbm>>
      %dma_start3A_99 = arith.constant 0 : i32
      %dma_start3A_100 = tpu.memref_slice %arg5[%add3A, %dma_start3A_99] : memref<32x16xf32, #tpu.memory_space<hbm>> -> memref<1x16xf32, #tpu.memory_space<hbm>>
      %dma_start3A_101 = tpu.memref_squeeze %dma_start3A_100 : memref<1x16xf32, #tpu.memory_space<hbm>> -> memref<16xf32, #tpu.memory_space<hbm>>
      tpu.enqueue_dma source(%arg10 : memref<16xf32, #tpu.memory_space<vmem>>) target(%dma_start3A_101 : memref<16xf32, #tpu.memory_space<hbm>>) target_semaphore(%run_scoped3A : memref<!tpu.dma_semaphore, #tpu.memory_space<semaphore_mem>>)
      %dma_wait3A = arith.constant 0 : i32
      %dma_wait3A_102 = tpu.memref_slice %arg5[%add3A, %dma_wait3A] : memref<32x16xf32, #tpu.memory_space<hbm>> -> memref<1x16xf32, #tpu.memory_space<hbm>>
      %dma_wait3A_103 = tpu.memref_squeeze %dma_wait3A_102 : memref<1x16xf32, #tpu.memory_space<hbm>> -> memref<16xf32, #tpu.memory_space<hbm>>
      %dma_wait3A_104 = arith.constant 0 : i32
      %dma_wait3A_105 = tpu.memref_slice %arg5[%add3A, %dma_wait3A_104] : memref<32x16xf32, #tpu.memory_space<hbm>> -> memref<1x16xf32, #tpu.memory_space<hbm>>
      %dma_wait3A_106 = tpu.memref_squeeze %dma_wait3A_105 : memref<1x16xf32, #tpu.memory_space<hbm>> -> memref<16xf32, #tpu.memory_space<hbm>>
      tpu.wait_dma2 semaphore(%run_scoped3A : memref<!tpu.dma_semaphore, #tpu.memory_space<semaphore_mem>>) src(%arg10 : memref<16xf32, #tpu.memory_space<vmem>>) dst(%dma_wait3A_106 : memref<16xf32, #tpu.memory_space<hbm>>)
      tpu.yield
    }) : () -> ()
    return
  }
}

</mosaic_0001>

<sc_bundles>
// kernel: kernel.3.cloned.1.call-start
scs
__scs_entry_jumppad:
0x0: {  	(pc) =	sbr.rel $0x88, $3  }
0x1: {  	(tag) =	ssettag $0x0;
	lr =	simm.s32 $0x1  }
0x2: {  	[smem:$0x3F9D] =	sst lr;
	_ =	strace $0xD0000000  }
0x3: {  	_ = 	snop  }
0x4: {  	_ = 	snop  }
0x5: {  	_ = 	snop  }
0x6: {  	_ = 	snop  }
0x7: {  	_ = 	snop  }
__scs_overlays_trampoline_lowered:
0x8: {  	[smem:$0x3FAC] =	sst s0  }
0x9: {  	[smem:$0x3FAD] =	sst s1  }
0xa: {  	[smem:$0x3FAE] =	sst s2  }
0xb: {  	[smem:$0x3FAF] =	sst s3  }
0xc: {  	[smem:$0x3FB0] =	sst s4  }
0xd: {  	[smem:$0x3FB1] =	sst s5  }
0xe: {  	[smem:$0x3FB2] =	sst s6  }
0xf: {  	[smem:$0x3FB3] =	sst s7  }
0x10: {  	[smem:$0x3FB4] =	sst s8  }
0x11: {  	[smem:$0x3FB5] =	sst s9;
	s0 =	simm.s32 @!p0 $0x0  }
0x12: {  	s1 =	sld [smem:$0x3F9B];
	s0 =	simm.s32 @p0 $0x1  }
0x13: {  	[smem:$0x3FB6] =	sst s0;
	s0 =	simm.s32 @!p1 $0x0  }
0x14: {  	s2 =	sld [smem:$0x3F9A];
	s0 =	simm.s32 @p1 $0x1  }
0x15: {  	[smem:$0x3FB7] =	sst s0;
	s0 =	simm.s32 @!p2 $0x0  }
0x16: {  	s3 =	sld [smem:$0x3FDB];
	s0 =	simm.s32 @p2 $0x1  }
0x17: {  	s4 =	simm.s32 $0x1BF5;
	[smem:$0x3FB9] =	sst s0  }
0x18: {  	s0 =	sld [smem:$0x3F9C];
	_ =	swait.ge [sflag:s4], $0x0  }
0x19: {  	s7 =	sld [smem:$0x3F9D]  }
0x1a: {  	s8 =	sadd.s32 $0xFFFFE003, lr  }
0x1b: {  	s9 =	sadd.s32 $0xFFFFFEF7, lr;
	s5 =	simm.s32 $0xFFFFFFFF;
	p2 =	slt.u32 s8, $0xFFFFF086  }
0x1c: {  	p1 =	slt.u32 s9, $0xF7A;
	s5 =	simm.s32 @!p2 $0x0  }
0x1d: {  	s5 =	simm.s32 @p1 $0x1;
	p0 =	seq.s32 s7, s2  }
0x1e: {  	s7 =	smul.u32 @!p0 $0xF7A, s2;
	p2 =	seq.s32 @!p0 s5, $0x0  }
0x1f: {  	s9 =	smul.u32 $0xF7A, s1;
	s8 =	simm.s32 @!p0 $0x1BF5;
	p2 =	por !p2, p0  }
0x20: {  	[sflag:s8] =	ssyncset.s32 @!p0 $0xFFFFF086;
	s6 =	sadd.s32 @!p0 s3, s7;
	s7 =	simm.s32 @!p0 $0x108  }
0x21: {  	s3 =	sadd.s32 s3, s9;
	s6 =	sadd.s32 @!p0 $0x88, s6;
	s7 =	simm.s32 @p2 $0x1082  }
0x22: {  	[simem:s7], [sflag:s8] =	dma.local @!p0 [hbm:s6], $0xF7A  }
0x23: {  	s9 =	sor.u32 $0xD0000000, s2;
	s6 =	simm.s32 $0x108;
	_ =	swait.ge @!p0 [sflag:s8], $0x0  }
0x24: {  	s3 =	sadd.s32 $0x88, s3;
	s6 =	simm.s32 @!p1 $0x1082;
	[sflag:s4] =	ssyncset.s32 $0xFFFFF086  }
0x25: {  	[simem:s6], [sflag:s4] =	dma.local [hbm:s3], $0xF7A  }
0x26: {  	[smem:$0x3F9D] =	sst s1;
	(tag) =	ssettag s2;
	_ =	strace s9  }
0x27: {  	s1 =	sld [smem:$0x3FAD]  }
0x28: {  	s2 =	sld [smem:$0x3FAE]  }
0x29: {  	s4 =	sld [smem:$0x3FB0]  }
0x2a: {  	p0 =	seq.s32 s5, $0x0;
	s5 =	sld [smem:$0x3FB1]  }
0x2b: {  	s6 =	sld [smem:$0x3FB2]  }
0x2c: {  	s7 =	sld [smem:$0x3FB3]  }
0x2d: {  	s3 =	simm.s32 $0x108;
	s8 =	sld [smem:$0x3FB4]  }
0x2e: {  	s3 =	simm.s32 @!p0 $0x1082;
	s9 =	sld [smem:$0x3FB5]  }
0x2f: {  	lr =	sadd.s32 s0, s3;
	s0 =	sld [smem:$0x3FAC]  }
0x30: {  	s3 =	sld [smem:$0x3FAF]  }
0x31: {  	[smem:$0x3FB8] =	sst s10  }
0x32: {  	s10 =	sld [smem:$0x3FB6];
	_ =	sdelay $0x3  }
0x33: {  	p0 =	seq.s32 s10, $0x1;
	s10 =	sld [smem:$0x3FB8];
	_ =	sdelay $0x3  }
0x34: {  	[smem:$0x3FB8] =	sst s10  }
0x35: {  	s10 =	sld [smem:$0x3FB7];
	_ =	sdelay $0x3  }
0x36: {  	p1 =	seq.s32 s10, $0x1;
	s10 =	sld [smem:$0x3FB8];
	_ =	sdelay $0x3  }
0x37: {  	[smem:$0x3FB8] =	sst s10  }
0x38: {  	s10 =	sld [smem:$0x3FB9]  }
0x39: {  	_ = 	snop;
	(pc) =	sbr.ind lr, $3  }
0x3a: {  	_ = 	snop  }
0x3b: {  	_ = 	snop  }
0x3c: {  	p2 =	seq.s32 s10, $0x1;
	s10 =	sld [smem:$0x3FB8]  }
0x3d: {  	_ =	shalt  }
0x3e: {  	_ =	shalt  }
0x3f: {  	_ =	shalt  }
0x40: {  	_ =	shalt  }
0x41: {  	_ =	shalt  }
0x42: {  	_ =	shalt  }
0x43: {  	_ =	shalt  }
0x44: {  	_ =	shalt  }
0x45: {  	_ =	shalt  }
0x46: {  	_ =	shalt  }
0x47: {  	_ =	shalt  }
0x48: {  	_ =	shalt  }
0x49: {  	_ =	shalt  }
0x4a: {  	_ =	shalt  }
0x4b: {  	_ =	shalt  }
0x4c: {  	_ =	shalt  }
0x4d: {  	_ =	shalt  }
0x4e: {  	_ =	shalt  }
0x4f: {  	_ =	shalt  }
0x50: {  	_ =	shalt  }
0x51: {  	_ =	shalt  }
0x52: {  	_ =	shalt  }
0x53: {  	_ =	shalt  }
0x54: {  	_ =	shalt  }
0x55: {  	_ =	shalt  }
0x56: {  	_ =	shalt  }
0x57: {  	_ =	shalt  }
0x58: {  	_ =	shalt  }
0x59: {  	_ =	shalt  }
0x5a: {  	_ =	shalt  }
0x5b: {  	_ =	shalt  }
0x5c: {  	_ =	shalt  }
0x5d: {  	_ =	shalt  }
0x5e: {  	_ =	shalt  }
0x5f: {  	_ =	shalt  }
0x60: {  	_ =	shalt  }
0x61: {  	_ =	shalt  }
0x62: {  	_ =	shalt  }
0x63: {  	_ =	shalt  }
0x64: {  	_ =	shalt  }
0x65: {  	_ =	shalt  }
0x66: {  	_ =	shalt  }
0x67: {  	_ =	shalt  }
0x68: {  	_ =	shalt  }
0x69: {  	_ =	shalt  }
0x6a: {  	_ =	shalt  }
0x6b: {  	_ =	shalt  }
0x6c: {  	_ =	shalt  }
0x6d: {  	_ =	shalt  }
0x6e: {  	_ =	shalt  }
0x6f: {  	_ =	shalt  }
0x70: {  	_ =	shalt  }
0x71: {  	_ =	shalt  }
0x72: {  	_ =	shalt  }
0x73: {  	_ =	shalt  }
0x74: {  	_ =	shalt  }
0x75: {  	_ =	shalt  }
0x76: {  	_ =	shalt  }
0x77: {  	_ =	shalt  }
0x78: {  	_ =	shalt  }
0x79: {  	_ =	shalt  }
0x7a: {  	_ =	shalt  }
0x7b: {  	_ =	shalt  }
0x7c: {  	_ =	shalt  }
0x7d: {  	_ =	shalt  }
0x7e: {  	_ =	shalt  }
0x7f: {  	_ =	shalt  }
0x80: {  	_ =	shalt  }
0x81: {  	_ =	shalt  }
0x82: {  	_ =	shalt  }
0x83: {  	_ =	shalt  }
0x84: {  	_ =	shalt  }
0x85: {  	_ =	shalt  }
0x86: {  	_ =	shalt  }
0x87: {  	_ =	shalt  }
.Lfunc_end0:
.L_simem_size_0:
called_computation_lowered:
.L_overlay_start_0:
0x88: {  	s2 =	sld [smem:$0x3FD9]  }
0x89: {  	s3 =	sld [smem:$0x3FFE];
	_ =	sdelay $0x1  }
0x8a: {  	s1 =	srdreg.scid  }
0x8b: {  	s0 =	sand.u32 $0x1, s1  }
0x8c: {  	s17 =	sshll.u32 s0, $0xA;
	s2 =	sadd.s32 s3, s2  }
0x8d: {  	s2 =	sadd.s32 s2, s17  }
0x8e: {  	[smem:$0x3FC4] =	sst s2  }
0x8f: {  	_ = 	snop  }
0x90: {  	s2 =	sld [smem:$0x3FC9]  }
0x91: {  	s18 =	sld [smem:$0x3FD0];
	(tm) =	ssettm $0x1  }
0x92: {  	s4 =	sld [smem:$0x3FFB];
	_ =	sdelay $0x3  }
0x93: {  	_ =	strace s4  }
0x94: {  	s4 =	sld [smem:$0x3FFC];
	_ =	sdelay $0x3  }
0x95: {  	_ =	strace s4  }
0x96: {  	s4 =	sld [smem:$0x3FFD];
	_ =	sdelay $0x3  }
0x97: {  	_ =	strace s4  }
0x98: {  	_ =	strace $0x8FFFFFFF  }
0x99: {  	s19 =	sld [smem:$0x3FDB];
	_ =	sdelay $0x1  }
0x9a: {  	s5 =	simm.s32 $_scs_section_size  }
0x9b: {  	s6 =	simm.s32 $_size__tile_overlayer_lowered;
	s7 =	simm.s32 $_tile_overlayer_lowered  }
0x9c: {  	s22 =	simm.s32 $0x1BFF;
	s21 =	sshll.u32 s7, $0x1;
	s4 =	sadd.s32 s5, s19  }
0x9d: {  	s8 =	simm.s32 $0x0;
	s20 =	sshll.u32 s6, $0x1;
	s6 =	sadd.s32 s21, s4  }
0x9e: {  	[timem:s8], [sflag:s22] =	dma.local [hbm:s6], s20  }
0x9f: {  	_ =	swait.ge [sflag:s22], s20  }
0xa0: {  	s5 =	ssub.s32 $0x0, s20;
	[sflag:s22] =	ssyncset.done $0x0  }
0xa1: {  	[sflag:s22] =	ssyncadd.s32 s5;
	_ =	sdelay $0x1  }
0xa2: {  	s23 =	simm.s32 $0x1B8B  }
0xa3: {  	_ =	swait.ge [sflag:s23], $0x1  }
0xa4: {  	[sflag:s23] =	ssyncset.done $0x0  }
0xa5: {  	s25 =	simm.s32 $0x1B8E;
	s24 =	sld [smem:$0x3FFE];
	[sflag:s23] =	ssyncadd.s32 $0xFFFFFFFF  }
0xa6: {  	s26 =	simm.s32 $execute0_lowered;
	[smem:$0x3FD2] =	sst s25  }
0xa7: {  	s6 =	sshll.u32 s26, $0x1;
	_ =	strace $0x80000046;
	[dreg:$0x1] =	wrdreg $0xFFFFFFFF  }
0xa8: {  	s28 =	simm.s32 $_size_execute0_lowered;
	s4 =	sadd.s32 s4, s6;
	[dreg:$0x0] =	wrdreg $0x0  }
0xa9: {  	s6 =	sshll.u32 s28, $0x1;
	[dreg:$0x2] =	wrdreg s4  }
0xaa: {  	[dreg:$0x3] =	wrdreg s6  }
0xab: {  	[dreg:$0x4] =	wrdreg $0xC0  }
0xac: {  	_ =	task [dreg:s8], $0x5FFFF  }
0xad: {  	[dreg:$0x1] =	wrdreg $0xFFFFFFFF  }
0xae: {  	[dreg:$0x0] =	wrdreg $0x60  }
0xaf: {  	[dreg:$0x2] =	wrdreg s2  }
0xb0: {  	[dreg:$0x3] =	wrdreg s24  }
0xb1: {  	[dreg:$0x4] =	wrdreg s18  }
0xb2: {  	[dreg:$0x5] =	wrdreg $0x9  }
0xb3: {  	_ =	task.clear_ibuf [dreg:s8], $0x6FFFF;
	_ =	strace $0x90000046  }
0xb4: {  	s29 =	simm.s32 $0x9;
	_ =	strace $0x80000048  }
0xb5: {  	_ =	swait.ge [sflag:s29], $0x1  }
0xb6: {  	[sflag:s29] =	ssyncadd.s32 $0xFFFFFFFF  }
0xb7: {  	_ =	strace $0x90000048  }
0xb8: {  	_ =	sfence  }
0xb9: {  	s30 =	sld [smem:$0x0];
	_ =	sdelay $0x2  }
0xba: {  	s31 =	sshll.u32 s1, $0xD;
	s1 =	sshrl.u32 s1, $0x2  }
0xbb: {  	s3 =	sand.u32 $0x4000, s31;
	s1 =	sadd.s32 s1, s30  }
0xbc: {  	s0 =	sor.u32 s3, s0;
	s1 =	sshll.u32 s1, $0x11  }
0xbd: {  	s0 =	sor.u32 s1, s0  }
0xbe: {  	s0 =	sadd.s32 $0x8F2B, s0  }
0xbf: {  	[sflag:s0] =	ssyncadd.remote.s32 $0x1  }
0xc0: {  	_ =	sfence.sel $0xFFFF  }
0xc1: {  	[dreg:$0x0] =	wrdreg $0xFFFFFFFF;
	(pc) =	sbr.abs _section_cstart, $3  }
0xc2: {  	[dreg:$0x1] =	wrdreg $0xFFFFFFFF  }
0xc3: {  	_ =	task.clear_ibuf [dreg:s8], $0x2FFFF;
	_ =	strace $0x9FFFFFFF  }
0xc4: {  	(tm) =	ssettm $0x7FFFFFFF  }
0xc5: {  	_ =	shalt  }
tec
execute0_lowered:
.L_overlay_start_1:
0x0: {  	(tag) =	ssettag $0x1  }
0x1: {  	v0 =	vlaneseq.u32  }
0x2: {  	s1 =	rddreg [dreg:$0x0];
	v1 =	vor.u32 $0x6480, v0  }
0x3: {  	s4 =	rddreg [dreg:$0x1];
	v50 =	vor.u32 $0x6400, v0;
	[tilespmem:$0x1FE80] =	vst v1  }
0x4: {  	s5 =	rddreg [dreg:$0x2];
	s3 =	simm.s32 $0x0;
	v51 =	vor.u32 $0x6490, v0;
	[tilespmem:$0x1FE90] =	vst v50  }
0x5: {  	[smem:$0x7FF] =	sst s3;
	v52 =	vor.u32 $0x6410, v0;
	[tilespmem:$0x1FEA0] =	vst v51  }
0x6: {  	s0 =	rddreg [dreg:$0x3];
	v53 =	vor.u32 $0x64A0, v0;
	_ =	strace $0x80000047;
	[tilespmem:$0x1FEB0] =	vst v52  }
0x7: {  	v54 =	vor.u32 $0x6420, v0;
	[tilespmem:$0x1FEC0] =	vst v53  }
0x8: {  	v55 =	vor.u32 $0x64B0, v0;
	[tilespmem:$0x1FED0] =	vst v54  }
0x9: {  	v56 =	vor.u32 $0x6430, v0;
	[tilespmem:$0x1FEE0] =	vst v55  }
0xa: {  	v57 =	vor.u32 $0x64C0, v0;
	[tilespmem:$0x1FEF0] =	vst v56  }
0xb: {  	v58 =	vor.u32 $0x6440, v0;
	[tilespmem:$0x1FF00] =	vst v57  }
0xc: {  	v59 =	vor.u32 $0x64D0, v0;
	[tilespmem:$0x1FF10] =	vst v58  }
0xd: {  	v60 =	vor.u32 $0x6450, v0;
	[tilespmem:$0x1FF20] =	vst v59  }
0xe: {  	v61 =	vor.u32 $0x64E0, v0;
	[tilespmem:$0x1FF30] =	vst v60  }
0xf: {  	v62 =	vor.u32 $0x6460, v0;
	[tilespmem:$0x1FF40] =	vst v61  }
0x10: {  	s6 =	srdreg.scid;
	v63 =	vor.u32 $0x64F0, v0;
	[tilespmem:$0x1FF50] =	vst v62  }
0x11: {  	s2 =	stileid.u32;
	s11 =	simm.s32 $0x80;
	s12 =	simm.s32 $0xB400;
	v20 =	vmul.u32 $0x80, v0;
	v0 =	vor.u32 $0x6470, v0;
	[tilespmem:$0x1FF60] =	vst v63  }
0x12: {  	s13 =	simm.s32 $0x100;
	s14 =	simm.s32 $0xE800;
	s15 =	simm.s32 $0x180;
	[tilespmem:$0x1FF70] =	vst v0  }
0x13: {  	s16 =	simm.s32 $0x11C00;
	s17 =	simm.s32 $0x1;
	s18 =	simm.s32 $0x15000;
	v16 =	vor.u32 $0x4800, v20;
	[tilespmem:$0x1FFD0] =	vst v20  }
0x14: {  	s19 =	simm.s32 $0x2;
	s6 =	sand.u32 $0x1, s6;
	s7 =	sshll.u32 s2, $0x1;
	v17 =	vor.u32 $0x5000, v20;
	[tilespmem:$0x1FF80] =	vst v16  }
0x15: {  	s20 =	simm.s32 $0x15080;
	s21 =	simm.s32 $0x0;
	s7 =	sor.u32 s6, s7;
	v18 =	vor.u32 $0x5800, v20;
	[tilespmem:$0x1FF90] =	vst v17  }
.Ltmp0:
0x16: {  	s6 =	ssub.s32 $0x2, s6;
	s8 =	sshll.u32 s7, $0xC;
	v19 =	vor.u32 $0x6000, v20;
	[tilespmem:$0x1FFA0] =	vst v18;
	(pc) =	sbr.rel .LBB2_1-.Ltmp0, $4  }
0x17: {  	s7 =	sshll.u32 s7, $0x4;
	s9 =	sshrl.u32 s6, $0x1;
	v21 =	vor.u32 $0x800, v20;
	s8 =	sadd.s32 s8, s4;
	[tilespmem:$0x1FFB0] =	vst v19  }
0x18: {  	vm0 =	vmmov $0xff;
	v23 =	vor.u32 $0x1800, v20;
	s10 =	sadd.s32 s7, s4;
	s9 =	ssub.s32 s6, s9;
	s5 =	sadd.s32 s5, s7;
	[tilespmem:$0x1FFC0] =	vst v21  }
0x19: {  	v22 =	vor.u32 $0x1000, v20;
	v24 =	vor.u32 $0x2000, v20;
	v25 =	vor.u32 $0x2800, v20;
	[tilespmem:$0x1FFE0] =	vst v23;
	s4 =	sadd.s32 $0x400, s8;
	s6 =	sadd.s32 $0x20400, s10;
	s7 =	smax.u32 s9, $0x1  }
0x1a: {  	v26 =	vor.u32 $0x3000, v20;
	v27 =	vor.u32 $0x3800, v20;
	v28 =	vor.u32 $0x4000, v20;
	[tilespmem:$0x1FFF0] =	vst v22;
	s8 =	simm.s32 $0x3;
	s9 =	simm.s32 $0x68;
	s10 =	simm.s32 $0x8000  }
.LBB2_8:
0x1b: {  	[tilespmem:$0x15080] =	vst v0  }
0x1c: {  	[hbm4b:s5+s3] =	stream.linear.scatter [tilespmem:s18], [sflag:$0x3], $0x80, $0x38;
	[tilespmem:$0x15100] =	vst v63  }
0x1d: {  	_ =	swait.ge [sflag:s8], $0x80  }
0x1e: {  	s21 =	sadd.s32 $0x1, s21;
	[sflag:s8] =	ssyncset.done $0x0  }
0x1f: {  	p0 =	sne.s32 s21, s7;
	[sflag:s8] =	ssyncadd.s32 $0xFFFFFF80  }
0x20: {  	[hbm4b:s6+s3] =	stream.linear.scatter [tilespmem:s20], [sflag:$0x3], $0x80, $0x38;
	[tilespmem:$0x15100] =	vst v63  }
.Ltmp1:
0x21: {  	_ =	swait.ge [sflag:s8], $0x80;
	(pc) =	sbr.rel @!p0 .LBB2_9-.Ltmp1, $4  }
0x22: {  	v16 =	vld [tilespmem:$0x1FF80]  }
0x23: {  	v17 =	vld [tilespmem:$0x1FF90]  }
0x24: {  	[sflag:s8] =	ssyncset.done $0x0;
	v18 =	vld [tilespmem:$0x1FFA0]  }
0x25: {  	v19 =	vld [tilespmem:$0x1FFB0];
	[sflag:s8] =	ssyncadd.s32 $0xFFFFFF80  }
.LBB2_1:
0x26: {  	[tilespmem:s3], [sflag:$0x3] =	stream.linear.gather [hbm4b:s4+s3], $0x8000, $0x38;
	[tilespmem:$0x15100] =	vst v63  }
0x27: {  	_ =	swait.ge [sflag:s8], $0x8000  }
0x28: {  	[sflag:s8] =	ssyncset.done $0x0  }
0x29: {  	[sflag:s8] =	ssyncadd.s32 $0xFFFF8000  }
0x2a: {  	[tilespmem:s10], [sflag:$0x1] =	stream.indirect.gather [hbm4b:s1+s9], $0x80, s3, s9, $0xb8;
	[tilespmem:$0x15100] =	vst v63  }
0x2b: {  	_ = 	snop  }
0x2c: {  	[tilespmem:s12], [sflag:$0x1] =	stream.indirect.gather [hbm4b:s1+s9], $0x80, s11, s9, $0xb8;
	[tilespmem:$0x15100] =	vst v63  }
0x2d: {  	_ = 	snop  }
0x2e: {  	v0 =	vimm.f32 $0.0e+00;
	[tilespmem:s14], [sflag:$0x2] =	stream.indirect.gather [hbm4b:s1+s9], $0x80, s13, s9, $0xb8;
	[tilespmem:$0x15100] =	vst v63  }
0x2f: {  	s22 =	simm.s32 $0x0;
	[tilespmem:$0x1FE70] =	vst v0  }
0x30: {  	[tilespmem:s16], [sflag:$0x2] =	stream.indirect.gather [hbm4b:s1+s9], $0x80, s15, s9, $0xb8;
	[tilespmem:$0x15100] =	vst v63  }
.LBB2_2:
0x31: {  	_ =	swait.ge [sflag:s17], $0x3400  }
0x32: {  	[sflag:s17] =	ssyncset.done $0x0  }
0x33: {  	[sflag:s17] =	ssyncadd.s32 $0xFFFFCC00  }
0x34: {  	_ =	swait.ge [sflag:s17], $0x3400  }
0x35: {  	v0 =	vld [tilespmem:$0x1FE80]  }
0x36: {  	v1 =	vld [tilespmem:$0x1FE90]  }
0x37: {  	v2 =	vld [tilespmem:$0x1FEA0]  }
0x38: {  	v3 =	vld [tilespmem:$0x1FEB0]  }
0x39: {  	v4 =	vld [tilespmem:$0x1FEC0]  }
0x3a: {  	v5 =	vld [tilespmem:$0x1FED0]  }
0x3b: {  	v6 =	vld [tilespmem:$0x1FEE0]  }
0x3c: {  	[sflag:s17] =	ssyncset.done $0x0;
	v11 =	vld [tilespmem:$0x1FF10]  }
0x3d: {  	v9 =	vld [tilespmem:$0x1FEF0];
	[sflag:s17] =	ssyncadd.s32 $0xFFFFCC00  }
0x3e: {  	v0 =	vld.idx.msk [tilespmem:v0+s10+$0x0], $0xffff  }
0x3f: {  	v1 =	vld.idx.msk [tilespmem:v1+s10+$0x0], $0xffff  }
0x40: {  	v2 =	vld.idx.msk [tilespmem:v2+s10+$0x0], $0xffff  }
0x41: {  	v3 =	vld.idx.msk [tilespmem:v3+s10+$0x0], $0xffff  }
0x42: {  	v4 =	vld.idx.msk [tilespmem:v4+s10+$0x0], $0xffff  }
0x43: {  	v5 =	vld.idx.msk [tilespmem:v5+s10+$0x0], $0xffff  }
0x44: {  	v12 =	vld.idx.msk [tilespmem:v11+s10+$0x0], $0xffff  }
0x45: {  	v11 =	vld [tilespmem:$0x1FF30];
	_ =	sdelay $0x2  }
0x46: {  	v10 =	vld [tilespmem:$0x1FF00];
	v7 =	vsub.f32 v0, v1;
	v8 =	vsub.f32 v2, v3  }
0x47: {  	v6 =	vld.idx.msk [tilespmem:v6+s10+$0x0], $0xffff;
	v1 =	vmul.f32 v1, v1;
	v3 =	vmul.f32 v3, v3  }
0x48: {  	v9 =	vld.idx.msk [tilespmem:v9+s10+$0x0], $0xffff;
	v13 =	vsub.f32 v4, v5;
	v7 =	vmul.f32 v7, v7;
	v8 =	vmul.f32 v8, v8  }
0x49: {  	v1 =	vadd.f32 v3, v1;
	v3 =	vmul.f32 v4, v4;
	v4 =	vmul.f32 v5, v5;
	v5 =	vld [tilespmem:$0x1FF40]  }
0x4a: {  	v0 =	vmul.f32 v0, v0;
	v2 =	vmul.f32 v2, v2;
	v7 =	vadd.f32 v8, v7;
	v8 =	vld [tilespmem:$0x1FF20]  }
0x4b: {  	v14 =	vld.idx.msk [tilespmem:v11+s10+$0x0], $0xffff  }
0x4c: {  	v0 =	vadd.f32 v2, v0;
	v11 =	vld [tilespmem:$0x1FF50]  }
0x4d: {  	v2 =	vmul.f32 v13, v13;
	v13 =	vsub.f32 v6, v9;
	v1 =	vadd.f32 v4, v1;
	v4 =	vld [tilespmem:$0x1FF60]  }
0x4e: {  	v0 =	vadd.f32 v3, v0;
	v3 =	vmul.f32 v6, v6;
	v6 =	vmul.f32 v9, v9;
	v9 =	vld [tilespmem:$0x1FF70];
	_ =	sdelay $0x1  }
0x4f: {  	v10 =	vld.idx.msk [tilespmem:v10+s10+$0x0], $0xffff;
	_ =	sdelay $0x1  }
0x50: {  	v8 =	vld.idx.msk [tilespmem:v8+s10+$0x0], $0xffff  }
0x51: {  	v5 =	vld.idx.msk [tilespmem:v5+s10+$0x0], $0xffff  }
0x52: {  	v15 =	vld.idx.msk [tilespmem:v11+s10+$0x0], $0xffff  }
0x53: {  	v2 =	vadd.f32 v2, v7;
	v7 =	vmul.f32 v13, v13;
	v13 =	vsub.f32 v10, v12;
	v4 =	vld.idx.msk [tilespmem:v4+s10+$0x0], $0xffff  }
0x54: {  	v0 =	vadd.f32 v3, v0;
	v3 =	vmul.f32 v10, v10;
	v9 =	vld.idx.msk [tilespmem:v9+s10+$0x0], $0xffff  }
0x55: {  	v2 =	vadd.f32 v7, v2;
	v7 =	vmul.f32 v13, v13;
	v10 =	vsub.f32 v8, v14  }
0x56: {  	v1 =	vadd.f32 v6, v1;
	v6 =	vmul.f32 v12, v12;
	v0 =	vadd.f32 v3, v0  }
0x57: {  	v2 =	vadd.f32 v7, v2;
	v7 =	vsub.f32 v5, v15;
	v3 =	vmul.f32 v10, v10  }
0x58: {  	v1 =	vadd.f32 v6, v1;
	v6 =	vmul.f32 v8, v8;
	v8 =	vmul.f32 v14, v14  }
0x59: {  	v2 =	vadd.f32 v3, v2;
	v3 =	vmul.f32 v7, v7;
	v7 =	vsub.f32 v4, v9  }
0x5a: {  	v5 =	vmul.f32 v5, v5;
	v0 =	vadd.f32 v6, v0;
	v1 =	vadd.f32 v8, v1  }
0x5b: {  	v2 =	vadd.f32 v3, v2;
	v3 =	vmul.f32 v15, v15;
	v6 =	vmul.f32 v7, v7  }
0x5c: {  	v0 =	vadd.f32 v5, v0;
	v4 =	vmul.f32 v4, v4  }
0x5d: {  	v1 =	vadd.f32 v3, v1;
	v2 =	vadd.f32 v6, v2;
	v3 =	vmul.f32 v9, v9  }
0x5e: {  	v0 =	vadd.f32 v4, v0  }
0x5f: {  	v1 =	vadd.f32 v3, v1;
	(xrf2) =	vadd.scan.msk.f32 $0xffff, v2  }
0x60: {  	(xrf2) =	vadd.scan.msk.f32 $0xffff, v0  }
0x61: {  	(xrf2) =	vadd.scan.msk.f32 $0xffff, v1;
	_ =	sdelay $0x7  }
0x62: {  	v0, _, _ =	vpop (xrf2)  }
0x63: {  	v1, _, _ =	vpop (xrf2)  }
0x64: {  	v2, _, _ =	vpop (xrf2)  }
0x65: {  	v3 =	vbroadcast v1, $0xF;
	v1 =	vsub.f32 $1.000000000e+00, v2;
	_ =	sdelay $0x1  }
0x66: {  	v2 =	vsub.f32 $1.000000000e+00, v3;
	v1 =	vbroadcast v1, $0xF;
	_ =	sdelay $0x1  }
0x67: {  	v1 =	vmul.f32 v1, v2;
	_ =	sdelay $0x1  }
0x68: {  	v1 =	vadd.f32 $9.999999740e-06, v1;
	_ =	sdelay $0x1  }
0x69: {  	(erf) = vrcp.f32 v1;
	_ =	sdelay $0x5  }
0x6a: {  	v0 =	vadd.f32 v0, v0;
	_ =	sdelay $0x1  }
0x6b: {  	v0 =	vbroadcast v0, $0xF  }
0x6c: {  	v1 =	vpop (erf)  }
0x6d: {  	v0 =	vmul.f32 v1, v0;
	_ =	sdelay $0x1  }
0x6e: {  	v0 =	vmax.f32 v0, $9.999999740e-06  }
0x6f: {  	v1 =	vadd.f32 $2.000000000e+00, v0;
	_ =	sdelay $0x1  }
0x70: {  	v1 =	vmul.f32 v1, v0  }
0x71: {  	[tilespmem:$0x1FE50] =	vst v3  }
0x72: {  	[tilespmem:$0x1FE60] =	vst v2;
	v2 =	vshrl.u32 v1, $0x1;
	v3 =	vmul.f32 $5.000000000e-01, v1  }
0x73: {  	v2 =	vsub.s32 $0x5F3759DF, v2  }
0x74: {  	v4 =	vmul.f32 v2, v3;
	_ =	sdelay $0x1  }
0x75: {  	v4 =	vmul.f32 v2, v4;
	_ =	sdelay $0x1  }
0x76: {  	v4 =	vsub.f32 $1.500000000e+00, v4;
	_ =	sdelay $0x1  }
0x77: {  	v2 =	vmul.f32 v2, v4;
	_ =	sdelay $0x1  }
0x78: {  	v4 =	vmul.f32 v2, v3;
	_ =	sdelay $0x1  }
0x79: {  	v4 =	vmul.f32 v4, v2;
	_ =	sdelay $0x1  }
0x7a: {  	v4 =	vsub.f32 $1.500000000e+00, v4;
	_ =	sdelay $0x1  }
0x7b: {  	v2 =	vmul.f32 v4, v2;
	_ =	sdelay $0x1  }
0x7c: {  	v3 =	vmul.f32 v2, v3;
	_ =	sdelay $0x1  }
0x7d: {  	v3 =	vmul.f32 v3, v2;
	_ =	sdelay $0x1  }
0x7e: {  	s24 =	simm.s32 $0x0;
	v3 =	vsub.f32 $1.500000000e+00, v3  }
0x7f: {  	s23 =	sshll.u32 s22, $0x1;
	v4 =	vmov s24  }
0x80: {  	v4 =	vand.u32 $0x7F, v4;
	v2 =	vmul.f32 v3, v2;
	v3 =	vmov s23  }
0x81: {  	v4 =	vbroadcast v4, $0x0;
	v3 =	vbroadcast v3, $0x0;
	_ =	sdelay $0x1  }
0x82: {  	v0 =	vadd.f32 $1.000000000e+00, v0;
	v1 =	vmul.f32 v2, v1;
	v2 =	vor.u32 v21, v4  }
0x83: {  	v5 =	vor.u32 $0x6480, v4  }
0x84: {  	v8 =	vor.u32 v17, v4;
	v0 =	vsub.f32 v0, v1  }
0x85: {  	v15 =	vor.u32 v28, v4  }
0x86: {  	v1 =	vor.u32 v20, v4;
	[tilespmem:v3+s18+$0x0] =	vst.idx.msk $0x1, v0  }
0x87: {  	v6 =	vor.u32 v22, v4;
	v2 =	vld.idx.msk [tilespmem:v2+s10+$0x0], $0xffff  }
0x88: {  	v0 =	vor.u32 v23, v4;
	v5 =	vld.idx.msk [tilespmem:v5+s10+$0x0], $0xffff  }
0x89: {  	v3 =	vor.u32 v19, v4;
	v8 =	vld.idx.msk [tilespmem:v8+s10+$0x0], $0xffff  }
0x8a: {  	v15 =	vld.idx.msk [tilespmem:v15+s10+$0x0], $0xffff  }
0x8b: {  	v1 =	vld.idx.msk [tilespmem:v1+s10+$0x0], $0xffff  }
0x8c: {  	v11 =	vimm.f32 $0.0e+00;
	v7 =	vor.u32 v27, v4;
	v6 =	vld.idx.msk [tilespmem:v6+s10+$0x0], $0xffff  }
0x8d: {  	v9 =	vor.u32 v24, v4;
	v10 =	vor.u32 v25, v4;
	v12 =	vor.u32 v18, v4;
	v0 =	vld.idx.msk [tilespmem:v0+s10+$0x0], $0xffff  }
0x8e: {  	v14 =	vor.u32 v26, v4;
	v3 =	vld.idx.msk [tilespmem:v3+s10+$0x0], $0xffff;
	v13 =	vmul.f32 v2, v2;
	v2 =	vmul.f32 v2, v5  }
0x8f: {  	v4 =	vor.u32 v16, v4;
	v37 =	vmul.f32 v8, v8;
	v62 =	vmul.f32 v15, v5  }
0x90: {  	v33 =	vmul.f32 v1, v1;
	v1 =	vmul.f32 v1, v5;
	v50 =	vadd.f32 v13, v11  }
0x91: {  	v7 =	vld.idx.msk [tilespmem:v7+s10+$0x0], $0xffff;
	v51 =	vadd.f32 v2, v11;
	v2 =	vmul.f32 v6, v6;
	v37 =	vadd.f32 v37, v11  }
0x92: {  	v6 =	vmul.f32 v6, v5;
	v57 =	vadd.f32 v33, v11;
	v56 =	vadd.f32 v1, v11  }
0x93: {  	s31 =	simm.s32 $0x1;
	v12 =	vld.idx.msk [tilespmem:v12+s10+$0x0], $0xffff;
	v13 =	vmul.f32 v0, v5;
	v63 =	vmul.f32 v3, v5;
	v44 =	vadd.f32 v2, v11  }
0x94: {  	v42 =	vld.idx.msk [tilespmem:v10+s10+$0x0], $0xffff;
	v0 =	vmul.f32 v0, v0;
	v2 =	vmul.f32 v3, v3;
	v3 =	vmov s31  }
0x95: {  	v34 =	vadd.f32 v6, v11;
	v6 =	vld.idx.msk [tilespmem:v14+s10+$0x0], $0xffff;
	v14 =	vmul.f32 v8, v5;
	v1 =	vand.u32 $0x7F, v3  }
0x96: {  	v4 =	vld.idx.msk [tilespmem:v4+s10+$0x0], $0xffff;
	v3 =	vmul.f32 v7, v5;
	v7 =	vmul.f32 v7, v7;
	v35 =	vadd.f32 v63, v11  }
0x97: {  	v1 =	vbroadcast v1, $0x0;
	v47 =	vadd.f32 v13, v11;
	v49 =	vadd.f32 v2, v11  }
0x98: {  	v33 =	vld.idx.msk [tilespmem:v9+s10+$0x0], $0xffff;
	v13 =	vmul.f32 v12, v5;
	v53 =	vadd.f32 v14, v11;
	v46 =	vadd.f32 v0, v11  }
0x99: {  	v0 =	vmul.f32 v42, v5;
	v36 =	vadd.f32 v3, v11;
	v3 =	vor.u32 $0x6480, v1  }
0x9a: {  	v54 =	vadd.f32 v7, v11;
	v7 =	vmul.f32 v12, v12;
	v9 =	vor.u32 v21, v1  }
0x9b: {  	v12 =	vmul.f32 v15, v15;
	v15 =	vmul.f32 v4, v5;
	v8 =	vor.u32 v20, v1  }
0x9c: {  	v41 =	vor.u32 v22, v1;
	v2 =	vor.u32 v23, v1;
	v55 =	vor.u32 v24, v1  }
0x9d: {  	v58 =	vor.u32 v25, v1;
	v60 =	vor.u32 v26, v1;
	v14 =	vmul.f32 v33, v5  }
0x9e: {  	v38 =	vor.u32 v28, v1;
	v59 =	vor.u32 v18, v1;
	v43 =	vor.u32 v19, v1;
	v39 =	vld.idx.msk [tilespmem:v3+s10+$0x0], $0xffff  }
0x9f: {  	v61 =	vor.u32 v27, v1;
	v10 =	vmul.f32 v6, v6;
	v52 =	vadd.f32 v14, v11;
	v14 =	vld.idx.msk [tilespmem:v9+s10+$0x0], $0xffff  }
0xa0: {  	v40 =	vor.u32 v16, v1;
	v45 =	vadd.f32 v7, v11;
	v7 =	vmul.f32 v33, v33;
	v8 =	vld.idx.msk [tilespmem:v8+s10+$0x0], $0xffff  }
0xa1: {  	v33 =	vadd.f32 v13, v11;
	v48 =	vadd.f32 v10, v11;
	v10 =	vmul.f32 v6, v5;
	v3 =	vld.idx.msk [tilespmem:v2+s10+$0x0], $0xffff  }
0xa2: {  	v9 =	vor.u32 v17, v1;
	v1 =	vmul.f32 v42, v42;
	v42 =	vadd.f32 v0, v11;
	v6 =	vld.idx.msk [tilespmem:v41+s10+$0x0], $0xffff  }
0xa3: {  	v5 =	vld.idx.msk [tilespmem:v43+s10+$0x0], $0xffff;
	v41 =	vadd.f32 v62, v11;
	v62 =	vimm.f32 $0.0e+00;
	v2 =	vimm.f32 $0.0e+00  }
0xa4: {  	v23 =	vmovc v16;
	v20 =	vmovc v17;
	v63 =	vld.idx.msk [tilespmem:v61+s10+$0x0], $0xffff;
	v0 =	vimm.f32 $0.0e+00;
	v61 =	vimm.f32 $0.0e+00;
	v43 =	vadd.f32 v1, v11  }
0xa5: {  	s24 =	simm.s32 $0x2;
	v21 =	vmovc v18;
	v22 =	vmovc v19;
	v55 =	vld.idx.msk [tilespmem:v55+s10+$0x0], $0xffff;
	v1 =	vimm.f32 $0.0e+00;
	v13 =	vmul.f32 v14, v39;
	v14 =	vmul.f32 v14, v14  }
.LBB2_3:
0xa6: {  	v62 =	vadd.f32 v10, v62  }
0xa7: {  	v9 =	vld.idx.msk [tilespmem:v9+s10+$0x0], $0xffff;
	v1 =	vadd.f32 v15, v1;
	v50 =	vadd.f32 v14, v50  }
0xa8: {  	v4 =	vmul.f32 v4, v4;
	v2 =	vadd.f32 v12, v2;
	v51 =	vadd.f32 v13, v51  }
0xa9: {  	v61 =	vadd.f32 v7, v61;
	v10 =	vmul.f32 v8, v8;
	v8 =	vmul.f32 v8, v39  }
0xaa: {  	v16 =	vmovc v39;
	v0 =	vadd.f32 v4, v0;
	v4 =	vmul.f32 v6, v6;
	v13 =	vmul.f32 v3, v39  }
0xab: {  	v14 =	vld.idx.msk [tilespmem:v60+s10+$0x0], $0xffff;
	v57 =	vadd.f32 v10, v57;
	v6 =	vmul.f32 v6, v39;
	v7 =	vmul.f32 v5, v39  }
0xac: {  	s25 =	smov.u32 s24;
	v15 =	vld.idx.msk [tilespmem:v59+s10+$0x0], $0xffff;
	v3 =	vmul.f32 v3, v3;
	v56 =	vadd.f32 v8, v56;
	v8 =	vmul.f32 v9, v16  }
0xad: {  	v10 =	vld [tilespmem:$0x1FFC0];
	v44 =	vadd.f32 v4, v44;
	v4 =	vmul.f32 v5, v5;
	v5 =	vmov s25  }
0xae: {  	v11 =	vld [tilespmem:$0x1FFF0];
	v29 =	vmul.f32 v9, v9;
	v34 =	vadd.f32 v6, v34;
	v5 =	vand.u32 $0x7F, v5  }
0xaf: {  	v6 =	vmul.f32 v63, v16;
	v35 =	vadd.f32 v7, v35;
	v7 =	vld [tilespmem:$0x1FFD0];
	v5 =	vbroadcast v5, $0x0  }
0xb0: {  	v9 =	vmul.f32 v63, v63;
	v47 =	vadd.f32 v13, v47;
	v49 =	vadd.f32 v4, v49;
	v4 =	vld [tilespmem:$0x1FFE0]  }
0xb1: {  	v12 =	vld.idx.msk [tilespmem:v58+s10+$0x0], $0xffff;
	v13 =	vmul.f32 v15, v16;
	v36 =	vadd.f32 v6, v36;
	v6 =	vor.u32 $0x6480, v5  }
0xb2: {  	v32 =	vmul.f32 v14, v14;
	v46 =	vadd.f32 v3, v46;
	v10 =	vor.u32 v10, v5  }
0xb3: {  	v53 =	vadd.f32 v8, v53;
	v8 =	vmul.f32 v55, v16;
	v63 =	vor.u32 v11, v5  }
0xb4: {  	v54 =	vadd.f32 v9, v54;
	v37 =	vadd.f32 v29, v37;
	v11 =	vld.idx.msk [tilespmem:v38+s10+$0x0], $0xffff;
	v17 =	vor.u32 v22, v5  }
0xb5: {  	v48 =	vadd.f32 v32, v48;
	v7 =	vor.u32 v7, v5;
	v30 =	vor.u32 v4, v5;
	v4 =	vld.idx.msk [tilespmem:v40+s10+$0x0], $0xffff  }
0xb6: {  	v32 =	vmul.f32 v12, v16;
	v12 =	vmul.f32 v12, v12;
	v19 =	vor.u32 v27, v5;
	v39 =	vld.idx.msk [tilespmem:v6+s10+$0x0], $0xffff  }
0xb7: {  	v33 =	vadd.f32 v13, v33;
	v52 =	vadd.f32 v8, v52;
	v31 =	vor.u32 v24, v5;
	v18 =	vld.idx.msk [tilespmem:v10+s10+$0x0], $0xffff  }
0xb8: {  	p0 =	sne.s32 s24, $0x7F;
	v58 =	vor.u32 v25, v5;
	v60 =	vor.u32 v26, v5;
	v38 =	vor.u32 v28, v5;
	v6 =	vld.idx.msk [tilespmem:v63+s10+$0x0], $0xffff  }
.Ltmp2:
0xb9: {  	v59 =	vor.u32 v21, v5;
	v9 =	vor.u32 v20, v5;
	v40 =	vor.u32 v23, v5;
	v5 =	vld.idx.msk [tilespmem:v17+s10+$0x0], $0xffff;
	(pc) =	sbr.rel @p0 .LBB2_3-.Ltmp2, $4  }
0xba: {  	v42 =	vadd.f32 v32, v42;
	v10 =	vmul.f32 v14, v16;
	v8 =	vld.idx.msk [tilespmem:v7+s10+$0x0], $0xffff;
	v7 =	vmul.f32 v15, v15  }
0xbb: {  	v43 =	vadd.f32 v12, v43;
	v29 =	vmul.f32 v11, v16;
	v63 =	vld.idx.msk [tilespmem:v19+s10+$0x0], $0xffff;
	v12 =	vmul.f32 v11, v11  }
0xbc: {  	v3 =	vld.idx.msk [tilespmem:v30+s10+$0x0], $0xffff;
	v45 =	vadd.f32 v7, v45;
	v7 =	vmul.f32 v55, v55;
	v15 =	vmul.f32 v4, v16  }
0xbd: {  	s24 =	sadd.s32 $0x1, s24;
	v41 =	vadd.f32 v29, v41;
	v55 =	vld.idx.msk [tilespmem:v31+s10+$0x0], $0xffff;
	v13 =	vmul.f32 v18, v39;
	v14 =	vmul.f32 v18, v18  }
0xbe: {  	_ = 	snop  }
0xbf: {  	v11 =	vmul.f32 v8, v8;
	_ =	sdelay $0x1  }
0xc0: {  	v11 =	vadd.f32 v11, v57;
	v57 =	vld [tilespmem:$0x1FE60];
	_ =	sdelay $0x2  }
0xc1: {  	v16 =	vsub.f32 $1.000000000e+00, v11;
	_ =	sdelay $0x1  }
0xc2: {  	v16 =	vmul.f32 v16, v57;
	_ =	sdelay $0x1  }
0xc3: {  	v16 =	vadd.f32 $9.999999740e-06, v16  }
0xc4: {  	v10 =	vadd.f32 v10, v62;
	v1 =	vadd.f32 v15, v1;
	v62 =	vld [tilespmem:$0x1FE50]  }
0xc5: {  	v8 =	vmul.f32 v8, v39;
	v14 =	vadd.f32 v14, v50;
	(erf) = vrcp.f32 v16  }
0xc6: {  	v4 =	vmul.f32 v4, v4;
	v2 =	vadd.f32 v12, v2;
	v7 =	vadd.f32 v7, v61  }
0xc7: {  	v8 =	vadd.f32 v8, v56;
	v15 =	vsub.f32 $1.000000000e+00, v14  }
0xc8: {  	v12 =	vadd.f32 v13, v51;
	v0 =	vadd.f32 v4, v0;
	v13 =	vmul.f32 v3, v39  }
0xc9: {  	v4 =	vld.idx.msk [tilespmem:v9+s10+$0x0], $0xffff;
	v9 =	vadd.f32 v11, v62;
	v8 =	vadd.f32 v8, v8;
	v15 =	vmul.f32 v15, v57  }
0xca: {  	v3 =	vmul.f32 v3, v3;
	v12 =	vadd.f32 v12, v12;
	v11 =	vmul.f32 v6, v6  }
0xcb: {  	v6 =	vmul.f32 v6, v39;
	v8 =	vsub.f32 v9, v8;
	v15 =	vadd.f32 $9.999999740e-06, v15  }
0xcc: {  	v14 =	vadd.f32 v14, v62;
	v3 =	vadd.f32 v3, v46;
	v9 =	vmul.f32 v5, v39  }
0xcd: {  	v11 =	vadd.f32 v11, v44;
	v8 =	vadd.f32 v8, v8;
	(erf) = vrcp.f32 v15  }
0xce: {  	v17 =	vmul.f32 v63, v39;
	v6 =	vadd.f32 v6, v34;
	v34 =	vadd.f32 v9, v35;
	v19 =	vpop (erf)  }
0xcf: {  	v9 =	vadd.f32 v13, v47;
	v13 =	vsub.f32 $1.000000000e+00, v11;
	v8 =	vmul.f32 v19, v8  }
0xd0: {  	v5 =	vmul.f32 v5, v5;
	v18 =	vmul.f32 v4, v39;
	v44 =	vadd.f32 v17, v36  }
0xd1: {  	v12 =	vsub.f32 v14, v12;
	v13 =	vmul.f32 v13, v57;
	v8 =	vmax.f32 v8, $9.999999740e-06  }
0xd2: {  	v4 =	vmul.f32 v4, v4;
	v35 =	vadd.f32 v5, v49;
	v5 =	vadd.f32 $2.000000000e+00, v8  }
0xd3: {  	v36 =	vadd.f32 v18, v53;
	v18 =	vmul.f32 v55, v39;
	v16 =	vld.idx.msk [tilespmem:v60+s10+$0x0], $0xffff;
	v13 =	vadd.f32 $9.999999740e-06, v13  }
0xd4: {  	v12 =	vadd.f32 v12, v12;
	v15 =	vmul.f32 v63, v63;
	v5 =	vmul.f32 v5, v8  }
0xd5: {  	v50 =	vld.idx.msk [tilespmem:v59+s10+$0x0], $0xffff;
	v11 =	vadd.f32 v11, v62;
	v6 =	vadd.f32 v6, v6;
	(erf) = vrcp.f32 v13  }
0xd6: {  	v17 =	vld.idx.msk [tilespmem:v58+s10+$0x0], $0xffff;
	v47 =	vadd.f32 v15, v54;
	v31 =	vpop (erf);
	v15 =	vshrl.u32 v5, $0x1;
	v29 =	vmul.f32 $5.000000000e-01, v5  }
0xd7: {  	v14 =	vadd.f32 v18, v52;
	v12 =	vmul.f32 v31, v12;
	v15 =	vsub.s32 $0x5F3759DF, v15  }
0xd8: {  	v6 =	vsub.f32 v11, v6;
	v19 =	vmul.f32 v16, v16;
	v30 =	vmul.f32 v15, v29  }
0xd9: {  	v9 =	vadd.f32 v9, v9;
	v46 =	vmax.f32 v12, $9.999999740e-06;
	v12 =	vsub.f32 $1.000000000e+00, v3  }
0xda: {  	v48 =	vadd.f32 v19, v48;
	v19 =	vmul.f32 v50, v50;
	v30 =	vmul.f32 v15, v30  }
0xdb: {  	v18 =	vmul.f32 v17, v39;
	v6 =	vadd.f32 v6, v6;
	v11 =	vmul.f32 v12, v57  }
0xdc: {  	v17 =	vmul.f32 v17, v17;
	v32 =	vadd.f32 $2.000000000e+00, v46;
	v30 =	vsub.f32 $1.500000000e+00, v30  }
0xdd: {  	v13 =	vld.idx.msk [tilespmem:v38+s10+$0x0], $0xffff;
	v38 =	vadd.f32 v4, v37;
	v12 =	vmul.f32 v55, v55;
	v11 =	vadd.f32 $9.999999740e-06, v11  }
0xde: {  	v37 =	vadd.f32 v19, v45;
	v52 =	vmul.f32 v32, v46;
	v19 =	vpop (erf);
	v4 =	vmul.f32 v15, v30  }
0xdf: {  	v18 =	vadd.f32 v18, v42;
	v6 =	vmul.f32 v19, v6;
	(erf) = vrcp.f32 v11  }
0xe0: {  	v32 =	vmul.f32 $5.000000000e-01, v52;
	v30 =	vshrl.u32 v52, $0x1;
	v15 =	vmul.f32 v4, v29  }
0xe1: {  	v3 =	vadd.f32 v3, v62;
	v7 =	vadd.f32 v12, v7;
	v30 =	vsub.s32 $0x5F3759DF, v30  }
0xe2: {  	v42 =	vmax.f32 v6, $9.999999740e-06;
	v11 =	vmul.f32 v15, v4;
	v15 =	vmul.f32 v30, v32  }
0xe3: {  	v16 =	vmul.f32 v16, v39;
	v6 =	vadd.f32 v17, v43;
	v17 =	vadd.f32 $2.000000000e+00, v42  }
0xe4: {  	v31 =	vmul.f32 v13, v39;
	v12 =	vmul.f32 v30, v15  }
0xe5: {  	v3 =	vsub.f32 v3, v9;
	v43 =	vmul.f32 v17, v42;
	v17 =	vsub.f32 $1.000000000e+00, v7  }
0xe6: {  	v13 =	vmul.f32 v13, v13;
	v19 =	vld.idx.msk [tilespmem:v40+s10+$0x0], $0xffff;
	v12 =	vsub.f32 $1.500000000e+00, v12  }
0xe7: {  	v10 =	vadd.f32 v16, v10;
	v3 =	vadd.f32 v3, v3;
	v17 =	vmul.f32 v17, v57  }
0xe8: {  	v49 =	vadd.f32 v31, v41;
	v31 =	vpop (erf);
	v11 =	vsub.f32 $1.500000000e+00, v11;
	v9 =	vmul.f32 v30, v12  }
0xe9: {  	v59 =	vmul.f32 $5.000000000e-01, v43;
	v17 =	vadd.f32 $9.999999740e-06, v17;
	v3 =	vmul.f32 v31, v3  }
0xea: {  	v61 =	vadd.f32 v13, v2;
	v4 =	vmul.f32 v11, v4;
	v11 =	vmul.f32 v9, v32  }
0xeb: {  	v58 =	vshrl.u32 v43, $0x1;
	(erf) = vrcp.f32 v17;
	v15 =	vmul.f32 v19, v39  }
0xec: {  	v60 =	vmax.f32 v3, $9.999999740e-06;
	v3 =	vmul.f32 v19, v19;
	v11 =	vmul.f32 v11, v9  }
0xed: {  	v2 =	vadd.f32 $2.000000000e+00, v60;
	v40 =	vadd.f32 v15, v1;
	v12 =	vsub.s32 $0x5F3759DF, v58  }
0xee: {  	v41 =	vadd.f32 v3, v0;
	v30 =	vmul.f32 v12, v59;
	v11 =	vsub.f32 $1.500000000e+00, v11  }
0xef: {  	v63 =	vmul.f32 v2, v60;
	v2 =	vadd.f32 v7, v62;
	v1 =	vmul.f32 v4, v29  }
0xf0: {  	v7 =	vadd.f32 v14, v14;
	v16 =	vmul.f32 v12, v30;
	v0 =	vmul.f32 v11, v9  }
0xf1: {  	v1 =	vmul.f32 v1, v4  }
0xf2: {  	v2 =	vsub.f32 v2, v7;
	v15 =	vsub.f32 $1.500000000e+00, v16;
	v7 =	vmul.f32 v0, v32  }
0xf3: {  	v1 =	vsub.f32 $1.500000000e+00, v1;
	v9 =	vshrl.u32 v63, $0x1;
	v11 =	vmul.f32 $5.000000000e-01, v63  }
0xf4: {  	v12 =	vmul.f32 v12, v15;
	v9 =	vsub.s32 $0x5F3759DF, v9  }
0xf5: {  	v2 =	vadd.f32 v2, v2;
	v1 =	vmul.f32 v1, v4;
	v13 =	vmul.f32 v9, v11  }
0xf6: {  	v8 =	vadd.f32 $1.000000000e+00, v8;
	v3 =	vmul.f32 v12, v59;
	v4 =	vmul.f32 v7, v0;
	v7 =	vpop (erf)  }
0xf7: {  	v14 =	vsub.f32 $1.000000000e+00, v41;
	v13 =	vmul.f32 v9, v13;
	v2 =	vmul.f32 v7, v2  }
0xf8: {  	v1 =	vmul.f32 v1, v5;
	v5 =	vsub.f32 $1.000000000e+00, v6;
	v4 =	vsub.f32 $1.500000000e+00, v4  }
0xf9: {  	v3 =	vmul.f32 v3, v12;
	v7 =	vsub.f32 $1.500000000e+00, v13;
	v45 =	vmax.f32 v2, $9.999999740e-06  }
0xfa: {  	v0 =	vmul.f32 v4, v0;
	v4 =	vmul.f32 v5, v57;
	v2 =	vadd.f32 $2.000000000e+00, v45  }
0xfb: {  	v6 =	vadd.f32 v6, v62;
	v3 =	vsub.f32 $1.500000000e+00, v3;
	v7 =	vmul.f32 v9, v7  }
0xfc: {  	v9 =	vadd.f32 v18, v18;
	v17 =	vmul.f32 v2, v45;
	v2 =	vadd.f32 $9.999999740e-06, v4  }
0xfd: {  	v14 =	vmul.f32 v14, v57;
	v3 =	vmul.f32 v3, v12;
	v4 =	vsub.f32 $1.000000000e+00, v48  }
0xfe: {  	v6 =	vsub.f32 v6, v9;
	v9 =	vsub.f32 $1.000000000e+00, v47;
	(erf) = vrcp.f32 v2  }
0xff: {  	v16 =	vsub.f32 $1.000000000e+00, v35;
	v15 =	vsub.f32 $1.000000000e+00, v37;
	v2 =	vmul.f32 v4, v57  }
0x100: {  	v1 =	vsub.f32 v8, v1;
	v5 =	vmul.f32 v3, v59;
	v9 =	vmul.f32 v9, v57  }
0x101: {  	v13 =	vsub.f32 $1.000000000e+00, v61;
	v8 =	vmul.f32 v7, v11;
	v2 =	vadd.f32 $9.999999740e-06, v2  }
0x102: {  	v5 =	vmul.f32 v5, v3;
	v12 =	vshrl.u32 v17, $0x1;
	v9 =	vadd.f32 $9.999999740e-06, v9  }
0x103: {  	(erf) = vrcp.f32 v2;
	v2 =	vmul.f32 v13, v57;
	v13 =	vsub.f32 $1.000000000e+00, v38  }
0x104: {  	v6 =	vadd.f32 v6, v6;
	v4 =	vsub.s32 $0x5F3759DF, v12;
	v12 =	vmul.f32 $5.000000000e-01, v17  }
0x105: {  	(erf) = vrcp.f32 v9;
	v2 =	vadd.f32 $9.999999740e-06, v2;
	v13 =	vmul.f32 v13, v57  }
0x106: {  	v9 =	vadd.f32 $9.999999740e-06, v14;
	v14 =	vmul.f32 v15, v57;
	v15 =	vmul.f32 v4, v12  }
0x107: {  	(erf) = vrcp.f32 v2;
	v2 =	vadd.f32 $9.999999740e-06, v13;
	v13 =	vmul.f32 v16, v57;
	v16 =	vpop (erf)  }
0x108: {  	(erf) = vrcp.f32 v9;
	v9 =	vadd.f32 $9.999999740e-06, v14;
	v6 =	vmul.f32 v16, v6  }
0x109: {  	v14 =	vmul.f32 v4, v15;
	(erf) = vrcp.f32 v2;
	v2 =	vadd.f32 $9.999999740e-06, v13  }
0x10a: {  	v8 =	vmul.f32 v8, v7;
	(erf) = vrcp.f32 v9;
	v9 =	vld [tilespmem:$0x1FE70];
	v32 =	vmax.f32 v6, $9.999999740e-06  }
0x10b: {  	(erf) = vrcp.f32 v2;
	v2 =	vsub.f32 $1.500000000e+00, v14;
	v6 =	vadd.f32 $2.000000000e+00, v32  }
0x10c: {  	v0 =	vmul.f32 v0, v52;
	v5 =	vsub.f32 $1.500000000e+00, v5;
	v8 =	vsub.f32 $1.500000000e+00, v8  }
0x10d: {  	v13 =	vadd.f32 $1.000000000e+00, v46;
	v2 =	vmul.f32 v4, v2;
	v30 =	vmul.f32 v6, v32  }
0x10e: {  	v6 =	vmul.f32 v8, v7;
	v7 =	vadd.f32 v48, v62;
	v8 =	vadd.f32 v10, v10  }
0x10f: {  	p0 =	seq.s32 s22, $0x3F;
	v3 =	vmul.f32 v5, v3;
	v15 =	vadd.f32 v44, v44;
	v1 =	vadd.f32 v1, v9;
	v9 =	vpop (erf)  }
0x110: {  	s24 =	sshll.u32 @!p0 s22, $0x9;
	v0 =	vsub.f32 v13, v0;
	v10 =	vmul.f32 v2, v12;
	v4 =	vpop (erf);
	v7 =	vsub.f32 v7, v8  }
0x111: {  	s24 =	sand.u32 @!p0 $0x3FFFFE00, s24;
	v48 =	vmul.f32 v50, v39;
	v13 =	vshrl.u32 v30, $0x1;
	v56 =	vmul.f32 $5.000000000e-01, v30;
	v55 =	vpop (erf)  }
0x112: {  	s26 =	simm.s32 @!p0 $0x68;
	s28 =	simm.s32 @!p0 $0x8000;
	s25 =	sadd.s32 @!p0 $0x200, s24;
	v13 =	vsub.s32 $0x5F3759DF, v13;
	v10 =	vmul.f32 v10, v2;
	v52 =	vpop (erf);
	v7 =	vadd.f32 v7, v7  }
0x113: {  	[tilespmem:s28], [sflag:$0x1] =	stream.indirect.gather @!p0 [hbm4b:s1+s26], $0x80, s25, s26, $0xb8;
	v11 =	vmul.f32 v6, v11;
	v8 =	vadd.f32 $1.000000000e+00, v42;
	v14 =	vmul.f32 v13, v56;
	v46 =	vpop (erf);
	[tilespmem:$0x15100] =	vst v63  }
0x114: {  	s24 =	sadd.s32 @!p0 $0x280, s24;
	s25 =	simm.s32 @!p0 $0xB400;
	v10 =	vsub.f32 $1.500000000e+00, v10;
	v42 =	vpop (erf);
	v7 =	vmul.f32 v9, v7;
	v9 =	vadd.f32 v47, v62  }
0x115: {  	[tilespmem:s25], [sflag:$0x1] =	stream.indirect.gather @!p0 [hbm4b:s1+s26], $0x80, s24, s26, $0xb8;
	v11 =	vmul.f32 v11, v6;
	v14 =	vmul.f32 v13, v14;
	v39 =	vpop (erf);
	[tilespmem:$0x15100] =	vst v63  }
0x116: {  	v2 =	vmul.f32 v10, v2;
	_ =	swait.ge [sflag:s19], $0x3400;
	v47 =	vmax.f32 v7, $9.999999740e-06;
	v7 =	vsub.f32 v9, v15  }
0x117: {  	v5 =	vsub.f32 $1.500000000e+00, v11;
	v10 =	vsub.f32 $1.500000000e+00, v14;
	[sflag:s19] =	ssyncset.done $0x0  }
0x118: {  	v3 =	vmul.f32 v3, v43;
	v9 =	vmul.f32 v2, v12;
	[sflag:s19] =	ssyncadd.s32 $0xFFFFCC00;
	v7 =	vadd.f32 v7, v7  }
0x119: {  	v5 =	vmul.f32 v5, v6;
	v11 =	vadd.f32 $2.000000000e+00, v47;
	v6 =	vmul.f32 v13, v10;
	_ =	swait.ge [sflag:s19], $0x3400  }
0x11a: {  	v0 =	vadd.f32 v0, v1;
	v1 =	vmul.f32 v9, v2;
	v4 =	vmul.f32 v4, v7;
	v7 =	vld [tilespmem:$0x1FE80]  }
0x11b: {  	v3 =	vsub.f32 v8, v3;
	v44 =	vmul.f32 v11, v47;
	v8 =	vmul.f32 v6, v56;
	v11 =	vld [tilespmem:$0x1FE90]  }
0x11c: {  	v15 =	vld [tilespmem:$0x1FEB0]  }
0x11d: {  	v1 =	vsub.f32 $1.500000000e+00, v1;
	v8 =	vmul.f32 v8, v6;
	v43 =	vmax.f32 v4, $9.999999740e-06;
	v4 =	vld [tilespmem:$0x1FEA0]  }
0x11e: {  	v18 =	vld [tilespmem:$0x1FEF0];
	v14 =	vadd.f32 $2.000000000e+00, v43  }
0x11f: {  	v1 =	vmul.f32 v1, v2;
	v2 =	vsub.f32 $1.500000000e+00, v8;
	v8 =	vld [tilespmem:$0x1FEC0]  }
0x120: {  	[sflag:s19] =	ssyncset.done $0x0;
	v50 =	vmul.f32 v14, v43;
	v14 =	vld [tilespmem:$0x1FEE0]  }
0x121: {  	[sflag:s19] =	ssyncadd.s32 $0xFFFFCC00;
	v2 =	vmul.f32 v2, v6;
	v6 =	vld [tilespmem:$0x1FED0]  }
0x122: {  	v7 =	vld.idx.msk [tilespmem:v7+s14+$0x0], $0xffff  }
0x123: {  	v11 =	vld.idx.msk [tilespmem:v11+s14+$0x0], $0xffff  }
0x124: {  	v15 =	vld.idx.msk [tilespmem:v15+s14+$0x0], $0xffff  }
0x125: {  	v4 =	vld.idx.msk [tilespmem:v4+s14+$0x0], $0xffff;
	_ =	sdelay $0x1  }
0x126: {  	v29 =	vld [tilespmem:$0x1FF00]  }
0x127: {  	v57 =	vld [tilespmem:$0x1FF10]  }
0x128: {  	v12 =	vadd.f32 $1.000000000e+00, v60;
	v60 =	vld [tilespmem:$0x1FF30]  }
0x129: {  	v1 =	vmul.f32 v1, v17;
	v8 =	vld.idx.msk [tilespmem:v8+s14+$0x0], $0xffff;
	v16 =	vsub.f32 v7, v11;
	v17 =	vsub.f32 v4, v15  }
0x12a: {  	v6 =	vld.idx.msk [tilespmem:v6+s14+$0x0], $0xffff  }
0x12b: {  	v18 =	vld.idx.msk [tilespmem:v18+s14+$0x0], $0xffff;
	v16 =	vmul.f32 v16, v16;
	v17 =	vmul.f32 v17, v17  }
0x12c: {  	v5 =	vmul.f32 v5, v63;
	v10 =	vmul.f32 $5.000000000e-01, v44;
	v14 =	vld.idx.msk [tilespmem:v14+s14+$0x0], $0xffff  }
0x12d: {  	v11 =	vmul.f32 v11, v11;
	v15 =	vmul.f32 v15, v15;
	v16 =	vadd.f32 v17, v16;
	v17 =	vld [tilespmem:$0x1FF20]  }
0x12e: {  	v63 =	vld [tilespmem:$0x1FF50];
	v9 =	vshrl.u32 v44, $0x1;
	v7 =	vmul.f32 v7, v7;
	v4 =	vmul.f32 v4, v4  }
0x12f: {  	v11 =	vadd.f32 v15, v11;
	v15 =	vld [tilespmem:$0x1FF40];
	v58 =	vsub.f32 v8, v6;
	v6 =	vmul.f32 v6, v6  }
0x130: {  	v9 =	vsub.s32 $0x5F3759DF, v9;
	v29 =	vld.idx.msk [tilespmem:v29+s14+$0x0], $0xffff;
	v4 =	vadd.f32 v4, v7;
	v8 =	vmul.f32 v8, v8  }
0x131: {  	v13 =	vmul.f32 v9, v10;
	v59 =	vsub.f32 v14, v18;
	v6 =	vadd.f32 v6, v11;
	v11 =	vld [tilespmem:$0x1FF60]  }
0x132: {  	v4 =	vadd.f32 v8, v4;
	v8 =	vmul.f32 v14, v14;
	v14 =	vmul.f32 v18, v18;
	v18 =	vld [tilespmem:$0x1FF70]  }
0x133: {  	v31 =	vadd.f32 v49, v49;
	v0 =	vadd.f32 v3, v0;
	v3 =	vmul.f32 v9, v13;
	v49 =	vld.idx.msk [tilespmem:v57+s14+$0x0], $0xffff  }
0x134: {  	v5 =	vsub.f32 v12, v5;
	v53 =	vld.idx.msk [tilespmem:v60+s14+$0x0], $0xffff  }
0x135: {  	v3 =	vsub.f32 $1.500000000e+00, v3;
	v12 =	vshrl.u32 v50, $0x1;
	v13 =	vmul.f32 $5.000000000e-01, v50;
	v17 =	vld.idx.msk [tilespmem:v17+s14+$0x0], $0xffff  }
0x136: {  	v19 =	vadd.f32 v61, v62;
	v12 =	vsub.s32 $0x5F3759DF, v12;
	v54 =	vld.idx.msk [tilespmem:v63+s14+$0x0], $0xffff;
	v7 =	vmul.f32 v58, v58  }
0x137: {  	v0 =	vadd.f32 v5, v0;
	v3 =	vmul.f32 v9, v3;
	v9 =	vmul.f32 v12, v13;
	v15 =	vld.idx.msk [tilespmem:v15+s14+$0x0], $0xffff  }
0x138: {  	v61 =	vsub.f32 v29, v49;
	v7 =	vadd.f32 v7, v16;
	v16 =	vmul.f32 v59, v59  }
0x139: {  	v9 =	vmul.f32 v12, v9;
	v4 =	vadd.f32 v8, v4;
	v8 =	vmul.f32 v29, v29;
	v11 =	vld.idx.msk [tilespmem:v11+s14+$0x0], $0xffff  }
0x13a: {  	v7 =	vadd.f32 v16, v7;
	v16 =	vmul.f32 v61, v61;
	v18 =	vld.idx.msk [tilespmem:v18+s14+$0x0], $0xffff;
	v29 =	vsub.f32 v17, v53  }
0x13b: {  	v6 =	vadd.f32 v14, v6;
	v14 =	vmul.f32 v49, v49;
	v4 =	vadd.f32 v8, v4  }
0x13c: {  	v7 =	vadd.f32 v16, v7;
	v16 =	vsub.f32 v15, v54;
	v8 =	vmul.f32 v29, v29  }
0x13d: {  	v5 =	vsub.f32 $1.500000000e+00, v9;
	v6 =	vadd.f32 v14, v6;
	v14 =	vmul.f32 v17, v17  }
0x13e: {  	v17 =	vmul.f32 v53, v53;
	v7 =	vadd.f32 v8, v7;
	v8 =	vmul.f32 v16, v16  }
0x13f: {  	v4 =	vadd.f32 v14, v4;
	v14 =	vmul.f32 v15, v15;
	v16 =	vsub.f32 v11, v18  }
0x140: {  	v6 =	vadd.f32 v17, v6;
	v7 =	vadd.f32 v8, v7;
	v8 =	vmul.f32 v54, v54  }
0x141: {  	v4 =	vadd.f32 v14, v4;
	v15 =	vmul.f32 v16, v16;
	v16 =	vsub.f32 v19, v31  }
0x142: {  	v11 =	vmul.f32 v11, v11;
	v6 =	vadd.f32 v8, v6;
	v8 =	vmul.f32 v18, v18  }
0x143: {  	v14 =	vmul.f32 v3, v10;
	v7 =	vadd.f32 v15, v7;
	v15 =	vadd.f32 v16, v16  }
0x144: {  	v4 =	vadd.f32 v11, v4;
	v11 =	vmul.f32 v2, v56;
	v6 =	vadd.f32 v8, v6  }
0x145: {  	(xrf2) =	vadd.scan.msk.f32 $0xffff, v7;
	v7 =	vadd.f32 $1.000000000e+00, v45;
	v8 =	vmul.f32 v14, v3;
	v14 =	vmul.f32 v55, v15  }
0x146: {  	v9 =	vadd.f32 $1.000000000e+00, v32;
	v5 =	vmul.f32 v12, v5;
	(xrf2) =	vadd.scan.msk.f32 $0xffff, v4;
	v4 =	vmul.f32 v11, v2  }
0x147: {  	(xrf2) =	vadd.scan.msk.f32 $0xffff, v6;
	v1 =	vsub.f32 v7, v1;
	v6 =	vsub.f32 $1.500000000e+00, v8;
	v49 =	vmax.f32 v14, $9.999999740e-06  }
0x148: {  	v11 =	vmul.f32 v5, v13;
	v4 =	vsub.f32 $1.500000000e+00, v4;
	v7 =	vadd.f32 $2.000000000e+00, v49  }
0x149: {  	v8 =	vadd.f32 v40, v40;
	v3 =	vmul.f32 v6, v3;
	v6 =	vadd.f32 v41, v62  }
0x14a: {  	v0 =	vadd.f32 v1, v0;
	v7 =	vmul.f32 v7, v49;
	v2 =	vmul.f32 v4, v2  }
0x14b: {  	v4 =	vmul.f32 v3, v10;
	v6 =	vsub.f32 v6, v8;
	v8 =	vmul.f32 v11, v5  }
0x14c: {  	v10 =	vshrl.u32 v7, $0x1;
	v11 =	vmul.f32 $5.000000000e-01, v7;
	v2 =	vmul.f32 v2, v30  }
0x14d: {  	v10 =	vsub.s32 $0x5F3759DF, v10;
	v6 =	vadd.f32 v6, v6;
	v8 =	vsub.f32 $1.500000000e+00, v8  }
0x14e: {  	v4 =	vmul.f32 v4, v3;
	v14 =	vmul.f32 v10, v11;
	v1 =	vsub.f32 v9, v2  }
0x14f: {  	v12, _, _ =	vpop (xrf2);
	v2 =	vmul.f32 v52, v6;
	v5 =	vmul.f32 v8, v5  }
0x150: {  	v4 =	vsub.f32 $1.500000000e+00, v4;
	v15, _, _ =	vpop (xrf2);
	v6 =	vmul.f32 v10, v14;
	v0 =	vadd.f32 v1, v0  }
0x151: {  	v8, _, _ =	vpop (xrf2);
	v2 =	vmax.f32 v2, $9.999999740e-06;
	v14 =	vbroadcast v15, $0xF;
	v9 =	vmul.f32 v5, v13  }
0x152: {  	v3 =	vmul.f32 v4, v3;
	v8 =	vsub.f32 $1.000000000e+00, v8;
	v4 =	vsub.f32 $1.500000000e+00, v6  }
0x153: {  	v6 =	vadd.f32 $2.000000000e+00, v2;
	v32 =	vsub.f32 $1.000000000e+00, v14;
	v9 =	vmul.f32 v9, v5  }
0x154: {  	[tilespmem:$0x1FE30] =	vst v14;
	v14 =	vadd.f32 v36, v36;
	v8 =	vbroadcast v8, $0xF;
	v4 =	vmul.f32 v10, v4  }
0x155: {  	v3 =	vmul.f32 v3, v44;
	v6 =	vmul.f32 v6, v2;
	v10 =	vadd.f32 v38, v62  }
0x156: {  	v9 =	vsub.f32 $1.500000000e+00, v9;
	v8 =	vmul.f32 v8, v32;
	v15 =	vmul.f32 v4, v11  }
0x157: {  	v16 =	vshrl.u32 v6, $0x1;
	v17 =	vmul.f32 $5.000000000e-01, v6;
	v10 =	vsub.f32 v10, v14  }
0x158: {  	v8 =	vadd.f32 $9.999999740e-06, v8;
	v14 =	vmul.f32 v15, v4;
	v15 =	vsub.s32 $0x5F3759DF, v16  }
0x159: {  	v13 =	vadd.f32 $1.000000000e+00, v47;
	v5 =	vmul.f32 v9, v5;
	v16 =	vmul.f32 v15, v17  }
0x15a: {  	v9 =	vadd.f32 v48, v33;
	v10 =	vadd.f32 v10, v10;
	(erf) = vrcp.f32 v8  }
0x15b: {  	v1 =	vsub.f32 v13, v3;
	v8 =	vsub.f32 $1.500000000e+00, v14;
	v14 =	vmul.f32 v15, v16  }
0x15c: {  	v13 =	vadd.f32 v37, v62;
	v9 =	vadd.f32 v9, v9;
	v10 =	vmul.f32 v46, v10  }
0x15d: {  	v3 =	vmul.f32 v8, v4;
	v4 =	vmul.f32 v5, v50;
	v5 =	vsub.f32 $1.500000000e+00, v14  }
0x15e: {  	v12 =	vadd.f32 v12, v12;
	v9 =	vsub.f32 v13, v9  }
0x15f: {  	v8 =	vmax.f32 v10, $9.999999740e-06;
	v5 =	vmul.f32 v15, v5;
	v15 =	vadd.f32 v34, v34  }
0x160: {  	v9 =	vadd.f32 v9, v9;
	v10 =	vmul.f32 v3, v11;
	v11 =	vadd.f32 $2.000000000e+00, v8  }
0x161: {  	v12 =	vbroadcast v12, $0xF;
	v14 =	vadd.f32 v35, v62  }
0x162: {  	v9 =	vmul.f32 v42, v9;
	v11 =	vmul.f32 v11, v8  }
0x163: {  	v10 =	vmul.f32 v10, v3;
	v13 =	vmul.f32 v5, v17;
	v14 =	vsub.f32 v14, v15;
	v15 =	vpop (erf)  }
0x164: {  	v16 =	vshrl.u32 v11, $0x1;
	v18 =	vmul.f32 $5.000000000e-01, v11;
	v12 =	vmul.f32 v15, v12  }
0x165: {  	v9 =	vmax.f32 v9, $9.999999740e-06;
	v14 =	vadd.f32 v14, v14;
	v15 =	vsub.s32 $0x5F3759DF, v16  }
0x166: {  	v10 =	vsub.f32 $1.500000000e+00, v10;
	v16 =	vmul.f32 v15, v18;
	v12 =	vmax.f32 v12, $9.999999740e-06  }
0x167: {  	v13 =	vmul.f32 v13, v5;
	v14 =	vmul.f32 v39, v14;
	v19 =	vadd.f32 $2.000000000e+00, v12  }
0x168: {  	v29 =	vadd.f32 $2.000000000e+00, v9;
	v3 =	vmul.f32 v10, v3;
	v16 =	vmul.f32 v15, v16  }
0x169: {  	v13 =	vsub.f32 $1.500000000e+00, v13;
	v14 =	vmax.f32 v14, $9.999999740e-06;
	v19 =	vmul.f32 v19, v12  }
0x16a: {  	v29 =	vmul.f32 v29, v9;
	v10 =	vsub.f32 $1.500000000e+00, v16;
	v16 =	vadd.f32 $2.000000000e+00, v14  }
0x16b: {  	v5 =	vmul.f32 v13, v5;
	v31 =	vshrl.u32 v19, $0x1;
	v51 =	vmul.f32 $5.000000000e-01, v19  }
0x16c: {  	v13 =	vmul.f32 v16, v14;
	v10 =	vmul.f32 v15, v10;
	v15 =	vshrl.u32 v29, $0x1  }
0x16d: {  	v52 =	vmul.f32 $5.000000000e-01, v29;
	v16 =	vsub.s32 $0x5F3759DF, v31;
	v15 =	vsub.s32 $0x5F3759DF, v15  }
0x16e: {  	v31 =	vmul.f32 v16, v51;
	v53 =	vshrl.u32 v13, $0x1;
	v54 =	vmul.f32 $5.000000000e-01, v13  }
0x16f: {  	v55 =	vadd.f32 $1.000000000e+00, v43;
	v56 =	vmul.f32 v15, v52;
	v35 =	vsub.s32 $0x5F3759DF, v53  }
0x170: {  	v0 =	vadd.f32 v1, v0;
	v31 =	vmul.f32 v16, v31;
	v57 =	vmul.f32 v35, v54  }
0x171: {  	v4 =	vsub.f32 v55, v4;
	v58 =	vmul.f32 v10, v18;
	v1 =	vmul.f32 v15, v56  }
0x172: {  	v17 =	vmul.f32 v5, v17;
	v31 =	vsub.f32 $1.500000000e+00, v31;
	v59 =	vmul.f32 v35, v57  }
0x173: {  	v3 =	vmul.f32 v3, v7;
	v60 =	vmul.f32 v58, v10;
	v1 =	vsub.f32 $1.500000000e+00, v1  }
0x174: {  	v17 =	vmul.f32 v17, v5;
	v16 =	vmul.f32 v16, v31;
	v7 =	vsub.f32 $1.500000000e+00, v59  }
0x175: {  	v0 =	vadd.f32 v4, v0;
	v31 =	vsub.f32 $1.500000000e+00, v60;
	v1 =	vmul.f32 v15, v1  }
0x176: {  	v61 =	vmul.f32 v16, v51;
	v4 =	vmul.f32 v35, v7;
	v7 =	vsub.f32 $1.500000000e+00, v17  }
0x177: {  	v10 =	vmul.f32 v31, v10;
	v17 =	vadd.f32 $1.000000000e+00, v49;
	v31 =	vmul.f32 v1, v52  }
0x178: {  	v15 =	vmul.f32 v61, v16;
	v35 =	vmul.f32 v4, v54  }
0x179: {  	v5 =	vmul.f32 v7, v5;
	v3 =	vsub.f32 v17, v3;
	v17 =	vmul.f32 v31, v1  }
0x17a: {  	v2 =	vadd.f32 $1.000000000e+00, v2;
	v7 =	vmul.f32 v10, v18;
	v15 =	vsub.f32 $1.500000000e+00, v15  }
0x17b: {  	v18 =	vmul.f32 v35, v4;
	v5 =	vmul.f32 v5, v6;
	v6 =	vsub.f32 $1.500000000e+00, v17  }
0x17c: {  	v7 =	vmul.f32 v7, v10;
	v0 =	vadd.f32 v3, v0;
	v15 =	vmul.f32 v15, v16  }
0x17d: {  	v16 =	vsub.f32 $1.500000000e+00, v18;
	v2 =	vsub.f32 v2, v5;
	v1 =	vmul.f32 v6, v1  }
0x17e: {  	v3 =	vsub.f32 $1.500000000e+00, v7;
	v7 =	vmul.f32 v15, v51  }
0x17f: {  	v4 =	vmul.f32 v16, v4;
	v0 =	vadd.f32 v2, v0;
	v2 =	vmul.f32 v1, v52  }
0x180: {  	v3 =	vmul.f32 v3, v10;
	v5 =	vmul.f32 v7, v15  }
0x181: {  	s30 =	simm.s32 $0x0;
	v8 =	vadd.f32 $1.000000000e+00, v8;
	v18 =	vld [tilespmem:$0x1FFC0];
	v6 =	vmul.f32 v4, v54;
	v2 =	vmul.f32 v2, v1  }
0x182: {  	v3 =	vmul.f32 v3, v11;
	v7 =	vmov s30;
	v5 =	vsub.f32 $1.500000000e+00, v5  }
0x183: {  	s23 =	sor.u32 $0x1, s23;
	v30 =	vld [tilespmem:$0x1FFF0];
	v7 =	vand.u32 $0x7F, v7;
	v6 =	vmul.f32 v6, v4;
	v2 =	vsub.f32 $1.500000000e+00, v2  }
0x184: {  	v10 =	vmov s23;
	v7 =	vbroadcast v7, $0x0;
	v5 =	vmul.f32 v5, v15  }
0x185: {  	v11 =	vadd.f32 $1.000000000e+00, v12;
	v6 =	vsub.f32 $1.500000000e+00, v6;
	v1 =	vmul.f32 v2, v1  }
0x186: {  	v3 =	vsub.f32 v8, v3;
	v2 =	vor.u32 v18, v7;
	v5 =	vmul.f32 v5, v19;
	v19 =	vld [tilespmem:$0x1FFD0]  }
0x187: {  	v12 =	vor.u32 $0x6480, v7;
	v4 =	vmul.f32 v6, v4;
	v1 =	vmul.f32 v1, v29;
	v29 =	vld [tilespmem:$0x1FFE0]  }
0x188: {  	v8 =	vadd.f32 $1.000000000e+00, v9;
	v9 =	vor.u32 v30, v7;
	v5 =	vsub.f32 v11, v5  }
0x189: {  	v4 =	vmul.f32 v4, v13  }
0x18a: {  	v11 =	vadd.f32 $1.000000000e+00, v14;
	v1 =	vsub.f32 v8, v1;
	v8 =	vor.u32 v20, v7;
	[tilespmem:v10+s18+$0x0] =	vst.idx.msk $0x1, v5  }
0x18b: {  	v0 =	vadd.f32 v3, v0;
	v6 =	vor.u32 v19, v7;
	v2 =	vld.idx.msk [tilespmem:v2+s14+$0x0], $0xffff  }
0x18c: {  	v4 =	vsub.f32 v11, v4;
	v5 =	vor.u32 v29, v7;
	v13 =	vld.idx.msk [tilespmem:v12+s14+$0x0], $0xffff  }
0x18d: {  	v0 =	vadd.f32 v1, v0;
	v10 =	vor.u32 v21, v7;
	v9 =	vld.idx.msk [tilespmem:v9+s14+$0x0], $0xffff  }
0x18e: {  	v12 =	vor.u32 v28, v7;
	v4 =	vnsel vm0, $0x0, v4  }
0x18f: {  	v3 =	vor.u32 v22, v7;
	v1 =	vor.u32 v27, v7;
	v0 =	vadd.f32 v4, v0;
	v8 =	vld.idx.msk [tilespmem:v8+s14+$0x0], $0xffff  }
0x190: {  	v11 =	vor.u32 v26, v7;
	v4 =	vor.u32 v24, v7;
	v6 =	vld.idx.msk [tilespmem:v6+s14+$0x0], $0xffff;
	v14 =	vmul.f32 v2, v2  }
0x191: {  	v33 =	vimm.f32 $0.0e+00;
	[tilespmem:$0x1FE40] =	vst v0;
	v0 =	vld.idx.msk [tilespmem:v5+s14+$0x0], $0xffff;
	v5 =	vor.u32 v25, v7;
	v7 =	vor.u32 v23, v7  }
0x192: {  	v10 =	vld.idx.msk [tilespmem:v10+s14+$0x0], $0xffff;
	v2 =	vmul.f32 v2, v13;
	v56 =	vadd.f32 v14, v33;
	v14 =	vmul.f32 v9, v9  }
0x193: {  	v61 =	vimm.f32 $0.0e+00;
	v12 =	vld.idx.msk [tilespmem:v12+s14+$0x0], $0xffff;
	v9 =	vmul.f32 v9, v13  }
0x194: {  	v3 =	vld.idx.msk [tilespmem:v3+s14+$0x0], $0xffff;
	v39 =	vadd.f32 v2, v33;
	v17 =	vmul.f32 v8, v8;
	v46 =	vadd.f32 v14, v33  }
0x195: {  	s31 =	simm.s32 $0x1;
	v1 =	vld.idx.msk [tilespmem:v1+s14+$0x0], $0xffff;
	v53 =	vadd.f32 v9, v33;
	v9 =	vmul.f32 v8, v13;
	v15 =	vmul.f32 v6, v6  }
0x196: {  	v16 =	vld.idx.msk [tilespmem:v4+s14+$0x0], $0xffff;
	v14 =	vmov s31;
	v6 =	vmul.f32 v6, v13;
	v2 =	vmul.f32 v0, v13  }
0x197: {  	v44 =	vadd.f32 v17, v33;
	v0 =	vmul.f32 v0, v0;
	v4 =	vld.idx.msk [tilespmem:v7+s14+$0x0], $0xffff;
	v7 =	vmul.f32 v10, v10  }
0x198: {  	v17 =	vmul.f32 v12, v13;
	v12 =	vmul.f32 v12, v12;
	v57 =	vadd.f32 v15, v33  }
0x199: {  	v11 =	vld.idx.msk [tilespmem:v11+s14+$0x0], $0xffff;
	v15 =	vmul.f32 v3, v13;
	v58 =	vadd.f32 v6, v33;
	v6 =	vand.u32 $0x7F, v14  }
0x19a: {  	v47 =	vadd.f32 v9, v33;
	v3 =	vmul.f32 v3, v3;
	v6 =	vbroadcast v6, $0x0  }
0x19b: {  	v14 =	vmul.f32 v1, v13;
	v49 =	vadd.f32 v2, v33;
	v2 =	vmul.f32 v10, v13  }
0x19c: {  	v1 =	vmul.f32 v1, v1;
	v9 =	vmul.f32 v16, v13;
	v8 =	vor.u32 $0x6480, v6  }
0x19d: {  	v45 =	vadd.f32 v0, v33;
	v52 =	vadd.f32 v15, v33;
	v15 =	vor.u32 v18, v6  }
0x19e: {  	v10 =	vmul.f32 v11, v13;
	v34 =	vadd.f32 v14, v33;
	v14 =	vor.u32 v19, v6  }
0x19f: {  	v5 =	vld.idx.msk [tilespmem:v5+s14+$0x0], $0xffff;
	v43 =	vadd.f32 v7, v33;
	v35 =	vadd.f32 v3, v33;
	v3 =	vor.u32 v29, v6  }
0x1a0: {  	v40 =	vadd.f32 v17, v33;
	v54 =	vadd.f32 v1, v33;
	v18 =	vor.u32 v30, v6  }
0x1a1: {  	v51 =	vadd.f32 v9, v33;
	v38 =	vadd.f32 v2, v33;
	v62 =	vor.u32 v22, v6;
	v50 =	vld.idx.msk [tilespmem:v8+s14+$0x0], $0xffff  }
0x1a2: {  	v19 =	vor.u32 v24, v6;
	v29 =	vmul.f32 v11, v11;
	v59 =	vor.u32 v25, v6;
	v1 =	vld.idx.msk [tilespmem:v15+s14+$0x0], $0xffff  }
0x1a3: {  	v60 =	vor.u32 v26, v6;
	v37 =	vor.u32 v28, v6;
	v15 =	vor.u32 v27, v6;
	v9 =	vld.idx.msk [tilespmem:v14+s14+$0x0], $0xffff  }
0x1a4: {  	v63 =	vor.u32 v21, v6;
	v0 =	vmul.f32 v5, v13;
	v11 =	vmul.f32 v5, v5;
	v3 =	vld.idx.msk [tilespmem:v3+s14+$0x0], $0xffff  }
0x1a5: {  	v36 =	vor.u32 v23, v6;
	v48 =	vadd.f32 v29, v33;
	v8 =	vor.u32 v20, v6;
	v6 =	vld.idx.msk [tilespmem:v18+s14+$0x0], $0xffff  }
0x1a6: {  	v7 =	vmul.f32 v16, v16;
	v42 =	vadd.f32 v0, v33;
	v41 =	vadd.f32 v11, v33;
	v5 =	vld.idx.msk [tilespmem:v62+s14+$0x0], $0xffff  }
0x1a7: {  	v0 =	vimm.f32 $0.0e+00;
	v14 =	vmul.f32 v4, v13;
	v55 =	vld.idx.msk [tilespmem:v19+s14+$0x0], $0xffff;
	v62 =	vimm.f32 $0.0e+00  }
0x1a8: {  	s23 =	simm.s32 $0x2;
	v13 =	vmul.f32 v1, v50;
	v2 =	vld.idx.msk [tilespmem:v15+s14+$0x0], $0xffff;
	v15 =	vmul.f32 v1, v1;
	v1 =	vimm.f32 $0.0e+00  }
.LBB2_5:
0x1a9: {  	v33 =	vadd.f32 v10, v33  }
0x1aa: {  	v8 =	vld.idx.msk [tilespmem:v8+s14+$0x0], $0xffff;
	v4 =	vmul.f32 v4, v4;
	v0 =	vadd.f32 v14, v0;
	v56 =	vadd.f32 v15, v56  }
0x1ab: {  	v11 =	vld.idx.msk [tilespmem:v60+s14+$0x0], $0xffff;
	v1 =	vadd.f32 v12, v1;
	v39 =	vadd.f32 v13, v39;
	v10 =	vmul.f32 v9, v9  }
0x1ac: {  	v29 =	vld.idx.msk [tilespmem:v37+s14+$0x0], $0xffff;
	v61 =	vadd.f32 v7, v61;
	v9 =	vmul.f32 v9, v50;
	v13 =	vmul.f32 v3, v50  }
0x1ad: {  	v12 =	vld.idx.msk [tilespmem:v59+s14+$0x0], $0xffff;
	v62 =	vadd.f32 v4, v62;
	v3 =	vmul.f32 v3, v3;
	v4 =	vmul.f32 v6, v6  }
0x1ae: {  	v15 =	vmovc v50;
	v57 =	vadd.f32 v10, v57;
	v6 =	vmul.f32 v6, v50;
	v7 =	vmul.f32 v5, v50  }
0x1af: {  	s24 =	smov.u32 s23;
	v14 =	vld.idx.msk [tilespmem:v63+s14+$0x0], $0xffff;
	v58 =	vadd.f32 v9, v58;
	v9 =	vmul.f32 v8, v15;
	v16 =	vmul.f32 v8, v8  }
0x1b0: {  	v8 =	vld [tilespmem:$0x1FFC0];
	v46 =	vadd.f32 v4, v46;
	v4 =	vmul.f32 v5, v5;
	v5 =	vmov s24  }
0x1b1: {  	v49 =	vadd.f32 v13, v49;
	v10 =	vld [tilespmem:$0x1FFF0];
	v53 =	vadd.f32 v6, v53;
	v5 =	vand.u32 $0x7F, v5  }
0x1b2: {  	v6 =	vmul.f32 v2, v15;
	v52 =	vadd.f32 v7, v52;
	v7 =	vld [tilespmem:$0x1FFD0];
	v5 =	vbroadcast v5, $0x0  }
0x1b3: {  	v45 =	vadd.f32 v3, v45;
	v35 =	vadd.f32 v4, v35;
	v4 =	vld [tilespmem:$0x1FFE0]  }
0x1b4: {  	v19 =	vmul.f32 v11, v11;
	v34 =	vadd.f32 v6, v34;
	v6 =	vor.u32 $0x6480, v5  }
0x1b5: {  	v13 =	vmul.f32 v14, v15;
	v2 =	vmul.f32 v2, v2;
	v8 =	vor.u32 v8, v5  }
0x1b6: {  	v47 =	vadd.f32 v9, v47;
	v9 =	vmul.f32 v55, v15;
	v17 =	vor.u32 v10, v5  }
0x1b7: {  	v48 =	vadd.f32 v19, v48;
	v19 =	vmul.f32 v12, v15;
	v7 =	vor.u32 v7, v5  }
0x1b8: {  	v44 =	vadd.f32 v16, v44;
	v16 =	vmul.f32 v29, v15;
	v10 =	vor.u32 v4, v5;
	v4 =	vld.idx.msk [tilespmem:v36+s14+$0x0], $0xffff  }
0x1b9: {  	v54 =	vadd.f32 v2, v54;
	v38 =	vadd.f32 v13, v38;
	v31 =	vor.u32 v22, v5;
	v50 =	vld.idx.msk [tilespmem:v6+s14+$0x0], $0xffff  }
0x1ba: {  	v51 =	vadd.f32 v9, v51;
	v42 =	vadd.f32 v19, v42;
	v2 =	vor.u32 v27, v5;
	v30 =	vld.idx.msk [tilespmem:v8+s14+$0x0], $0xffff  }
0x1bb: {  	p1 =	sne.s32 s23, $0x7F;
	v18 =	vor.u32 v24, v5;
	v59 =	vor.u32 v25, v5;
	v60 =	vor.u32 v26, v5;
	v6 =	vld.idx.msk [tilespmem:v17+s14+$0x0], $0xffff  }
.Ltmp3:
0x1bc: {  	v37 =	vor.u32 v28, v5;
	v63 =	vor.u32 v21, v5;
	v9 =	vld.idx.msk [tilespmem:v7+s14+$0x0], $0xffff;
	v7 =	vmul.f32 v14, v14;
	(pc) =	sbr.rel @p1 .LBB2_5-.Ltmp3, $4  }
0x1bd: {  	v36 =	vor.u32 v23, v5;
	v8 =	vor.u32 v20, v5;
	v3 =	vld.idx.msk [tilespmem:v10+s14+$0x0], $0xffff;
	v10 =	vmul.f32 v11, v15  }
0x1be: {  	v5 =	vld.idx.msk [tilespmem:v31+s14+$0x0], $0xffff;
	v11 =	vmul.f32 v12, v12;
	v43 =	vadd.f32 v7, v43;
	v7 =	vmul.f32 v55, v55  }
0x1bf: {  	v40 =	vadd.f32 v16, v40;
	v2 =	vld.idx.msk [tilespmem:v2+s14+$0x0], $0xffff;
	v12 =	vmul.f32 v29, v29;
	v14 =	vmul.f32 v4, v15  }
0x1c0: {  	s23 =	sadd.s32 $0x1, s23;
	v55 =	vld.idx.msk [tilespmem:v18+s14+$0x0], $0xffff;
	v41 =	vadd.f32 v11, v41;
	v13 =	vmul.f32 v30, v50;
	v15 =	vmul.f32 v30, v30  }
0x1c1: {  	v11 =	vmul.f32 v9, v9;
	_ =	sdelay $0x1  }
0x1c2: {  	v11 =	vadd.f32 v11, v57;
	v57 =	vmul.f32 v9, v50;
	_ =	sdelay $0x1  }
0x1c3: {  	v16 =	vsub.f32 $1.000000000e+00, v11;
	v9 =	vadd.f32 v57, v58;
	v57 =	vld [tilespmem:$0x1FE30]  }
0x1c4: {  	v10 =	vadd.f32 v10, v33  }
0x1c5: {  	v0 =	vadd.f32 v14, v0;
	v15 =	vadd.f32 v15, v56;
	v16 =	vmul.f32 v16, v32  }
0x1c6: {  	v56 =	vadd.f32 v12, v1;
	v1 =	vmul.f32 v4, v4;
	v4 =	vadd.f32 v7, v61  }
0x1c7: {  	v58 =	vsub.f32 $1.000000000e+00, v15;
	v16 =	vadd.f32 $9.999999740e-06, v16  }
0x1c8: {  	v61 =	vmul.f32 v2, v50;
	v9 =	vadd.f32 v9, v9;
	v11 =	vadd.f32 v11, v57  }
0x1c9: {  	v15 =	vadd.f32 v15, v57;
	(erf) = vrcp.f32 v16;
	v16 =	vmul.f32 v58, v32  }
0x1ca: {  	v58 =	vmul.f32 v6, v6;
	v9 =	vsub.f32 v11, v9;
	v11 =	vadd.f32 v13, v39  }
0x1cb: {  	v13 =	vmul.f32 v3, v50;
	v39 =	vadd.f32 v1, v62;
	v33 =	vadd.f32 $9.999999740e-06, v16  }
0x1cc: {  	v30 =	vld.idx.msk [tilespmem:v59+s14+$0x0], $0xffff;
	v3 =	vmul.f32 v3, v3;
	v12 =	vadd.f32 v58, v46;
	v46 =	vadd.f32 v61, v34  }
0x1cd: {  	v2 =	vmul.f32 v2, v2;
	v17 =	vadd.f32 v9, v9;
	v11 =	vadd.f32 v11, v11  }
0x1ce: {  	v9 =	vld.idx.msk [tilespmem:v63+s14+$0x0], $0xffff;
	v13 =	vadd.f32 v13, v49;
	v3 =	vadd.f32 v3, v45;
	(erf) = vrcp.f32 v33  }
0x1cf: {  	v33 =	vmul.f32 v5, v50;
	v29 =	vsub.f32 $1.000000000e+00, v12;
	v12 =	vadd.f32 v12, v57  }
0x1d0: {  	v5 =	vmul.f32 v5, v5;
	v11 =	vsub.f32 v15, v11;
	v45 =	vsub.f32 $1.000000000e+00, v3  }
0x1d1: {  	v8 =	vld.idx.msk [tilespmem:v8+s14+$0x0], $0xffff;
	v59 =	vmul.f32 v30, v30;
	v3 =	vadd.f32 v3, v57;
	v13 =	vadd.f32 v13, v13  }
0x1d2: {  	v33 =	vadd.f32 v33, v52;
	v34 =	vadd.f32 v5, v35;
	v52 =	vmul.f32 v29, v32  }
0x1d3: {  	v61 =	vmul.f32 v45, v32;
	v3 =	vsub.f32 v3, v13;
	v14 =	vmul.f32 v9, v50;
	v16 =	vpop (erf)  }
0x1d4: {  	v19 =	vld.idx.msk [tilespmem:v60+s14+$0x0], $0xffff;
	v11 =	vadd.f32 v11, v11;
	v1 =	vmul.f32 v16, v17;
	v17 =	vmul.f32 v6, v50  }
0x1d5: {  	v9 =	vmul.f32 v9, v9;
	v3 =	vadd.f32 v3, v3;
	v38 =	vadd.f32 v14, v38  }
0x1d6: {  	v1 =	vmax.f32 v1, $9.999999740e-06;
	v6 =	vadd.f32 v17, v53;
	v17 =	vmul.f32 v8, v50  }
0x1d7: {  	v8 =	vmul.f32 v8, v8;
	v53 =	vmul.f32 v55, v50;
	v58 =	vadd.f32 $2.000000000e+00, v1;
	v31 =	vpop (erf)  }
0x1d8: {  	v49 =	vmul.f32 v31, v11;
	v35 =	vadd.f32 v17, v47;
	v47 =	vadd.f32 v2, v54  }
0x1d9: {  	v11 =	vadd.f32 $9.999999740e-06, v52;
	v54 =	vmul.f32 v19, v19;
	v17 =	vadd.f32 v53, v51  }
0x1da: {  	v16 =	vld.idx.msk [tilespmem:v37+s14+$0x0], $0xffff;
	v31 =	vmul.f32 v30, v50;
	v19 =	vmul.f32 v19, v50;
	v6 =	vadd.f32 v6, v6  }
0x1db: {  	v37 =	vadd.f32 v8, v44;
	v44 =	vld.idx.msk [tilespmem:v36+s14+$0x0], $0xffff;
	v36 =	vadd.f32 v9, v43;
	v7 =	vmul.f32 v58, v1  }
0x1dc: {  	v51 =	vmul.f32 v55, v55;
	v8 =	vadd.f32 v59, v41;
	v1 =	vadd.f32 $1.000000000e+00, v1  }
0x1dd: {  	v5 =	vmax.f32 v49, $9.999999740e-06;
	v62 =	vshrl.u32 v7, $0x1;
	v18 =	vmul.f32 $5.000000000e-01, v7  }
0x1de: {  	(erf) = vrcp.f32 v11;
	v48 =	vadd.f32 v54, v48;
	v15 =	vsub.s32 $0x5F3759DF, v62  }
0x1df: {  	v6 =	vsub.f32 v12, v6;
	v12 =	vadd.f32 $9.999999740e-06, v61;
	v63 =	vmul.f32 v15, v18  }
0x1e0: {  	v31 =	vadd.f32 v31, v42;
	v29 =	vadd.f32 $2.000000000e+00, v5  }
0x1e1: {  	v4 =	vadd.f32 v51, v4;
	v10 =	vadd.f32 v19, v10;
	v2 =	vmul.f32 v15, v63  }
0x1e2: {  	v43 =	vsub.f32 $1.000000000e+00, v8;
	v45 =	vadd.f32 v17, v17;
	v11 =	vmul.f32 v29, v5  }
0x1e3: {  	v8 =	vadd.f32 v8, v57;
	v62 =	vmul.f32 v16, v50;
	v2 =	vsub.f32 $1.500000000e+00, v2  }
0x1e4: {  	v6 =	vadd.f32 v6, v6;
	v58 =	vshrl.u32 v11, $0x1;
	v29 =	vmul.f32 $5.000000000e-01, v11  }
0x1e5: {  	(erf) = vrcp.f32 v12;
	v2 =	vmul.f32 v15, v2;
	v15 =	vsub.s32 $0x5F3759DF, v58  }
0x1e6: {  	v12 =	vmul.f32 v43, v32;
	v58 =	vsub.f32 $1.000000000e+00, v4;
	v30 =	vmul.f32 v15, v29  }
0x1e7: {  	v10 =	vadd.f32 v10, v10;
	v5 =	vadd.f32 $1.000000000e+00, v5;
	v60 =	vmul.f32 v2, v18  }
0x1e8: {  	v41 =	vadd.f32 v62, v40;
	v52 =	vpop (erf);
	v13 =	vmul.f32 v58, v32;
	v63 =	vmul.f32 v15, v30  }
0x1e9: {  	v12 =	vadd.f32 $9.999999740e-06, v12;
	v6 =	vmul.f32 v52, v6;
	v30 =	vmul.f32 v60, v2  }
0x1ea: {  	v53 =	vmul.f32 v44, v50;
	v13 =	vadd.f32 $9.999999740e-06, v13;
	v9 =	vsub.f32 $1.500000000e+00, v63  }
0x1eb: {  	v4 =	vadd.f32 v4, v57;
	v6 =	vmax.f32 v6, $9.999999740e-06;
	v30 =	vsub.f32 $1.500000000e+00, v30  }
0x1ec: {  	v55 =	vadd.f32 $2.000000000e+00, v6;
	(erf) = vrcp.f32 v13;
	v9 =	vmul.f32 v15, v9  }
0x1ed: {  	v40 =	vadd.f32 v53, v0;
	v13 =	vmul.f32 v16, v16;
	v2 =	vmul.f32 v30, v2  }
0x1ee: {  	v4 =	vsub.f32 v4, v45;
	v60 =	vpop (erf);
	v15 =	vmul.f32 v55, v6;
	v54 =	vmul.f32 v9, v29  }
0x1ef: {  	v40 =	vadd.f32 v40, v40;
	v3 =	vmul.f32 v60, v3;
	v18 =	vmul.f32 v2, v18  }
0x1f0: {  	v4 =	vadd.f32 v4, v4;
	(erf) = vrcp.f32 v12;
	v14 =	vmul.f32 v54, v9  }
0x1f1: {  	v30 =	vshrl.u32 v15, $0x1;
	v59 =	vmul.f32 $5.000000000e-01, v15;
	v18 =	vmul.f32 v18, v2  }
0x1f2: {  	v3 =	vmax.f32 v3, $9.999999740e-06;
	v30 =	vsub.s32 $0x5F3759DF, v30;
	v14 =	vsub.f32 $1.500000000e+00, v14  }
0x1f3: {  	v19 =	vmul.f32 v30, v59;
	v54 =	vadd.f32 v31, v31;
	v18 =	vsub.f32 $1.500000000e+00, v18  }
0x1f4: {  	v55 =	vsub.f32 $1.000000000e+00, v48;
	v62 =	vadd.f32 $2.000000000e+00, v3;
	v9 =	vmul.f32 v14, v9  }
0x1f5: {  	v8 =	vsub.f32 v8, v54;
	v0 =	vmul.f32 v18, v2;
	v2 =	vmul.f32 v30, v19  }
0x1f6: {  	v6 =	vadd.f32 $1.000000000e+00, v6;
	v60 =	vmul.f32 v55, v32;
	v61 =	vmul.f32 v9, v29  }
0x1f7: {  	v14 =	vmul.f32 v62, v3;
	v53 =	vpop (erf);
	v8 =	vadd.f32 v8, v8;
	v2 =	vsub.f32 $1.500000000e+00, v2  }
0x1f8: {  	v3 =	vadd.f32 $1.000000000e+00, v3;
	v4 =	vmul.f32 v53, v4;
	v63 =	vmul.f32 v61, v9  }
0x1f9: {  	v51 =	vld [tilespmem:$0x1FE40];
	v18 =	vshrl.u32 v14, $0x1;
	v19 =	vmul.f32 $5.000000000e-01, v14;
	v2 =	vmul.f32 v30, v2  }
0x1fa: {  	v0 =	vmul.f32 v0, v7;
	v18 =	vsub.s32 $0x5F3759DF, v18;
	v7 =	vsub.f32 $1.500000000e+00, v63  }
0x1fb: {  	v4 =	vmax.f32 v4, $9.999999740e-06;
	v50 =	vmul.f32 v18, v19;
	v49 =	vmul.f32 v2, v59  }
0x1fc: {  	v58 =	vadd.f32 $2.000000000e+00, v4;
	v0 =	vsub.f32 v1, v0;
	v7 =	vmul.f32 v7, v9  }
0x1fd: {  	v52 =	vmul.f32 v18, v50;
	v50 =	vadd.f32 v48, v57;
	v1 =	vmul.f32 v49, v2  }
0x1fe: {  	v0 =	vadd.f32 v0, v51;
	v7 =	vmul.f32 v7, v11;
	v11 =	vmul.f32 v58, v4  }
0x1ff: {  	v9 =	vadd.f32 $9.999999740e-06, v60;
	v58 =	vmul.f32 v44, v44;
	v1 =	vsub.f32 $1.500000000e+00, v1  }
0x200: {  	v4 =	vadd.f32 $1.000000000e+00, v4;
	v5 =	vsub.f32 v5, v7;
	v63 =	vshrl.u32 v11, $0x1  }
0x201: {  	v17 =	vmul.f32 $5.000000000e-01, v11;
	v1 =	vmul.f32 v1, v2;
	v2 =	vsub.f32 $1.500000000e+00, v52  }
0x202: {  	v16 =	vsub.s32 $0x5F3759DF, v63;
	v52 =	vsub.f32 $1.000000000e+00, v47;
	v63 =	vadd.f32 v46, v46  }
0x203: {  	v42 =	vmul.f32 v16, v17;
	v0 =	vadd.f32 v5, v0;
	v2 =	vmul.f32 v18, v2  }
0x204: {  	v5 =	vsub.f32 v50, v10;
	v59 =	vmul.f32 v1, v59;
	v18 =	vpop (erf);
	(erf) = vrcp.f32 v9  }
0x205: {  	v50 =	vadd.f32 v41, v41;
	v10 =	vmul.f32 v52, v32;
	v61 =	vmul.f32 v2, v19  }
0x206: {  	v9 =	vadd.f32 v13, v56;
	v8 =	vmul.f32 v18, v8;
	v5 =	vadd.f32 v5, v5  }
0x207: {  	v62 =	vmul.f32 v59, v1;
	v10 =	vadd.f32 $9.999999740e-06, v10;
	v7 =	vmul.f32 v61, v2  }
0x208: {  	v45 =	vmul.f32 v16, v42;
	v42 =	vsub.f32 $1.000000000e+00, v9;
	v9 =	vadd.f32 v9, v57  }
0x209: {  	v12 =	vsub.f32 $1.500000000e+00, v62;
	v43 =	vsub.f32 $1.500000000e+00, v7;
	v7 =	vmax.f32 v8, $9.999999740e-06  }
0x20a: {  	(erf) = vrcp.f32 v10;
	v8 =	vsub.f32 $1.500000000e+00, v45;
	v49 =	vadd.f32 $2.000000000e+00, v7  }
0x20b: {  	v62 =	vadd.f32 v47, v57;
	v1 =	vmul.f32 v12, v1;
	v2 =	vmul.f32 v43, v2  }
0x20c: {  	v52 =	vsub.f32 v9, v50;
	v8 =	vmul.f32 v16, v8;
	v12 =	vmul.f32 v49, v7  }
0x20d: {  	v50 =	vadd.f32 v35, v35;
	v1 =	vmul.f32 v1, v15;
	v51 =	vmul.f32 v2, v19  }
0x20e: {  	v19 =	vpop (erf);
	v29 =	vmul.f32 v8, v17;
	v53 =	vshrl.u32 v12, $0x1;
	v54 =	vmul.f32 $5.000000000e-01, v12  }
0x20f: {  	v1 =	vsub.f32 v6, v1;
	v5 =	vmul.f32 v19, v5;
	v15 =	vsub.s32 $0x5F3759DF, v53  }
0x210: {  	v7 =	vadd.f32 $1.000000000e+00, v7;
	v13 =	vmul.f32 v51, v2;
	v18 =	vmul.f32 v15, v54  }
0x211: {  	v0 =	vadd.f32 v1, v0;
	v31 =	vmax.f32 v5, $9.999999740e-06;
	v5 =	vadd.f32 v58, v39  }
0x212: {  	v55 =	vsub.f32 $1.500000000e+00, v13;
	v60 =	vadd.f32 $2.000000000e+00, v31;
	v56 =	vmul.f32 v15, v18  }
0x213: {  	v43 =	vmul.f32 v42, v32;
	v13 =	vsub.f32 v62, v63;
	v62 =	vsub.f32 $1.000000000e+00, v37  }
0x214: {  	v18 =	vmul.f32 v29, v8;
	v1 =	vmul.f32 v55, v2;
	v59 =	vsub.f32 $1.500000000e+00, v56  }
0x215: {  	v10 =	vmul.f32 v60, v31;
	v13 =	vadd.f32 v13, v13;
	v55 =	vsub.f32 $1.000000000e+00, v5  }
0x216: {  	v5 =	vadd.f32 v5, v57;
	v2 =	vsub.f32 $1.500000000e+00, v18;
	v61 =	vmul.f32 v15, v59  }
0x217: {  	v46 =	vpop (erf);
	v1 =	vmul.f32 v1, v14;
	v19 =	vshrl.u32 v10, $0x1;
	v29 =	vmul.f32 $5.000000000e-01, v10  }
0x218: {  	v13 =	vmul.f32 v46, v13;
	v19 =	vsub.s32 $0x5F3759DF, v19;
	v18 =	vmul.f32 v61, v54  }
0x219: {  	v14 =	vadd.f32 $9.999999740e-06, v43;
	v2 =	vmul.f32 v2, v8;
	v44 =	vmul.f32 v19, v29  }
0x21a: {  	v1 =	vsub.f32 v3, v1;
	v39 =	vmax.f32 v13, $9.999999740e-06;
	v45 =	vmul.f32 v18, v61  }
0x21b: {  	(erf) = vrcp.f32 v14;
	v3 =	vmul.f32 v2, v17;
	v48 =	vadd.f32 $2.000000000e+00, v39  }
0x21c: {  	v5 =	vsub.f32 v5, v40;
	v8 =	vmul.f32 v19, v44;
	v15 =	vsub.f32 $1.500000000e+00, v45  }
0x21d: {  	v43 =	vsub.f32 $1.000000000e+00, v36;
	v3 =	vmul.f32 v3, v2;
	v41 =	vmul.f32 v48, v39  }
0x21e: {  	v5 =	vadd.f32 v5, v5;
	v0 =	vadd.f32 v1, v0;
	v1 =	vmul.f32 v15, v61  }
0x21f: {  	v8 =	vsub.f32 $1.500000000e+00, v8;
	v3 =	vsub.f32 $1.500000000e+00, v3;
	v14 =	vmul.f32 $5.000000000e-01, v41  }
0x220: {  	v44 =	vsub.f32 $1.000000000e+00, v34;
	v45 =	vmul.f32 v43, v32;
	v49 =	vmul.f32 v1, v54  }
0x221: {  	v47 =	vmul.f32 v19, v8;
	v8 =	vadd.f32 v52, v52;
	v2 =	vmul.f32 v3, v2  }
0x222: {  	v52 =	vadd.f32 v36, v57;
	v15 =	vmul.f32 v55, v32;
	v3 =	vmul.f32 v49, v1  }
0x223: {  	v55 =	vadd.f32 v33, v33;
	v51 =	vmul.f32 v47, v29;
	v54 =	vshrl.u32 v41, $0x1  }
0x224: {  	v2 =	vmul.f32 v2, v11;
	v58 =	vpop (erf);
	v60 =	vadd.f32 $9.999999740e-06, v15;
	v3 =	vsub.f32 $1.500000000e+00, v3  }
0x225: {  	v53 =	vmul.f32 v51, v47;
	v13 =	vsub.s32 $0x5F3759DF, v54;
	v8 =	vmul.f32 v58, v8  }
0x226: {  	v54 =	vadd.f32 v34, v57;
	v56 =	vmul.f32 v13, v14;
	v1 =	vmul.f32 v3, v1  }
0x227: {  	v2 =	vsub.f32 v4, v2;
	(erf) = vrcp.f32 v60;
	v49 =	vadd.f32 v37, v57  }
0x228: {  	v9 =	vsub.f32 $1.500000000e+00, v53;
	v42 =	vmax.f32 v8, $9.999999740e-06;
	v1 =	vmul.f32 v1, v12  }
0x229: {  	v53 =	vadd.f32 v38, v38;
	v8 =	vadd.f32 $2.000000000e+00, v42;
	v3 =	vmul.f32 v13, v56  }
0x22a: {  	v2 =	vadd.f32 v2, v0;
	v1 =	vsub.f32 v7, v1;
	v7 =	vmul.f32 v62, v32  }
0x22b: {  	v59 =	vmul.f32 v9, v47;
	v0 =	vmul.f32 v8, v42;
	v3 =	vsub.f32 $1.500000000e+00, v3  }
0x22c: {  	v46 =	vmul.f32 v44, v32;
	v47 =	vadd.f32 $9.999999740e-06, v45;
	v7 =	vadd.f32 $9.999999740e-06, v7  }
0x22d: {  	v9 =	vmul.f32 v59, v29;
	v17 =	vshrl.u32 v0, $0x1;
	v3 =	vmul.f32 v13, v3  }
0x22e: {  	v12 =	vadd.f32 $9.999999740e-06, v46;
	v13 =	vmul.f32 $5.000000000e-01, v0;
	(erf) = vrcp.f32 v7  }
0x22f: {  	v61 =	vmul.f32 v9, v59;
	v9 =	vsub.s32 $0x5F3759DF, v17;
	v63 =	vmul.f32 v3, v14  }
0x230: {  	v48 =	vpop (erf);
	v1 =	vadd.f32 v1, v2;
	v2 =	vmul.f32 v9, v13;
	(erf) = vrcp.f32 v47  }
0x231: {  	v58 =	vsub.f32 v54, v55;
	v5 =	vmul.f32 v48, v5;
	(erf) = vrcp.f32 v12  }
0x232: {  	v56 =	vsub.f32 v52, v53;
	v6 =	vsub.f32 $1.500000000e+00, v61  }
0x233: {  	v8 =	vmul.f32 v63, v3;
	v2 =	vmul.f32 v9, v2;
	v5 =	vmax.f32 v5, $9.999999740e-06  }
0x234: {  	v4 =	vmul.f32 v6, v59;
	v7 =	vsub.f32 v49, v50;
	v51 =	vadd.f32 $2.000000000e+00, v5  }
0x235: {  	v8 =	vsub.f32 $1.500000000e+00, v8;
	v2 =	vsub.f32 $1.500000000e+00, v2  }
0x236: {  	v4 =	vmul.f32 v4, v10;
	v7 =	vadd.f32 v7, v7;
	v6 =	vmul.f32 v51, v5  }
0x237: {  	v3 =	vmul.f32 v8, v3;
	v2 =	vmul.f32 v9, v2;
	v57 =	vpop (erf)  }
0x238: {  	v8 =	vadd.f32 v56, v56;
	v9 =	vadd.f32 v58, v58;
	v7 =	vmul.f32 v57, v7  }
0x239: {  	v62 =	vshrl.u32 v6, $0x1;
	v63 =	vmul.f32 $5.000000000e-01, v6;
	v59 =	vmul.f32 v3, v14;
	v60 =	vpop (erf)  }
0x23a: {  	v61 =	vmul.f32 v2, v13;
	v8 =	vmul.f32 v60, v8;
	v34 =	vpop (erf);
	v7 =	vmax.f32 v7, $9.999999740e-06  }
0x23b: {  	v14 =	vsub.s32 $0x5F3759DF, v62;
	v9 =	vmul.f32 v34, v9;
	v35 =	vadd.f32 $2.000000000e+00, v7  }
0x23c: {  	v37 =	vmul.f32 v14, v63;
	v36 =	vmul.f32 v61, v2;
	v8 =	vmax.f32 v8, $9.999999740e-06  }
0x23d: {  	v38 =	vadd.f32 $2.000000000e+00, v8;
	v9 =	vmax.f32 v9, $9.999999740e-06;
	v16 =	vmul.f32 v35, v7  }
0x23e: {  	v12 =	vmul.f32 v14, v37;
	v11 =	vsub.f32 $1.500000000e+00, v36;
	v18 =	vadd.f32 $2.000000000e+00, v9  }
0x23f: {  	v17 =	vmul.f32 v38, v8;
	v19 =	vshrl.u32 v16, $0x1;
	v29 =	vmul.f32 $5.000000000e-01, v16  }
0x240: {  	v12 =	vsub.f32 $1.500000000e+00, v12;
	v18 =	vmul.f32 v18, v9;
	v19 =	vsub.s32 $0x5F3759DF, v19  }
0x241: {  	v40 =	vshrl.u32 v17, $0x1;
	v43 =	vmul.f32 $5.000000000e-01, v17;
	v30 =	vmul.f32 v19, v29  }
0x242: {  	v32 =	vsub.s32 $0x5F3759DF, v40;
	v44 =	vshrl.u32 v18, $0x1;
	v45 =	vmul.f32 $5.000000000e-01, v18  }
0x243: {  	v46 =	vmul.f32 v32, v43;
	v34 =	vsub.s32 $0x5F3759DF, v44;
	v30 =	vmul.f32 v19, v30  }
0x244: {  	v31 =	vadd.f32 $1.000000000e+00, v31;
	v12 =	vmul.f32 v14, v12;
	v47 =	vmul.f32 v34, v45  }
0x245: {  	v2 =	vmul.f32 v11, v2;
	v48 =	vsub.f32 $1.500000000e+00, v30;
	v30 =	vmul.f32 v32, v46  }
0x246: {  	v4 =	vsub.f32 v31, v4;
	v31 =	vmul.f32 v12, v63;
	v14 =	vmul.f32 v34, v47  }
0x247: {  	v10 =	vmul.f32 v59, v3;
	v11 =	vmul.f32 v19, v48;
	v19 =	vsub.f32 $1.500000000e+00, v30  }
0x248: {  	v13 =	vmul.f32 v2, v13;
	v30 =	vmul.f32 v31, v12;
	v14 =	vsub.f32 $1.500000000e+00, v14  }
0x249: {  	v1 =	vadd.f32 v4, v1;
	v49 =	vmul.f32 v11, v29;
	v19 =	vmul.f32 v32, v19  }
0x24a: {  	v13 =	vmul.f32 v13, v2;
	v30 =	vsub.f32 $1.500000000e+00, v30;
	v14 =	vmul.f32 v34, v14  }
0x24b: {  	v10 =	vsub.f32 $1.500000000e+00, v10;
	v4 =	vmul.f32 v49, v11;
	v31 =	vmul.f32 v19, v43  }
0x24c: {  	v50 =	vadd.f32 $1.000000000e+00, v39;
	v12 =	vmul.f32 v30, v12;
	v30 =	vmul.f32 v14, v45  }
0x24d: {  	v3 =	vmul.f32 v10, v3;
	v4 =	vsub.f32 $1.500000000e+00, v4;
	v51 =	vmul.f32 v31, v19  }
0x24e: {  	v13 =	vsub.f32 $1.500000000e+00, v13;
	v15 =	vmul.f32 v12, v63;
	v30 =	vmul.f32 v30, v14  }
0x24f: {  	v3 =	vmul.f32 v3, v41;
	v4 =	vmul.f32 v4, v11;
	v10 =	vsub.f32 $1.500000000e+00, v51  }
0x250: {  	v2 =	vmul.f32 v13, v2;
	v52 =	vmul.f32 v15, v12;
	v53 =	vsub.f32 $1.500000000e+00, v30  }
0x251: {  	v3 =	vsub.f32 v50, v3;
	v54 =	vmul.f32 v4, v29;
	v10 =	vmul.f32 v10, v19  }
0x252: {  	v0 =	vmul.f32 v2, v0;
	v2 =	vsub.f32 $1.500000000e+00, v52;
	v55 =	vmul.f32 v53, v14  }
0x253: {  	v56 =	vadd.f32 $1.000000000e+00, v42;
	v57 =	vmul.f32 v54, v4;
	v58 =	vmul.f32 v10, v43  }
0x254: {  	v1 =	vadd.f32 v3, v1;
	v2 =	vmul.f32 v2, v12;
	v3 =	vmul.f32 v55, v45  }
0x255: {  	v0 =	vsub.f32 v56, v0;
	v59 =	vsub.f32 $1.500000000e+00, v57;
	v60 =	vmul.f32 v58, v10  }
0x256: {  	v5 =	vadd.f32 $1.000000000e+00, v5;
	v2 =	vmul.f32 v2, v6;
	v3 =	vmul.f32 v3, v55  }
0x257: {  	v0 =	vadd.f32 v0, v1;
	v1 =	vmul.f32 v59, v4;
	v61 =	vsub.f32 $1.500000000e+00, v60  }
0x258: {  	v2 =	vsub.f32 v5, v2;
	v3 =	vsub.f32 $1.500000000e+00, v3  }
0x259: {  	v62 =	vadd.f32 $1.000000000e+00, v7;
	v1 =	vmul.f32 v1, v16;
	v4 =	vmul.f32 v61, v10  }
0x25a: {  	v0 =	vadd.f32 v2, v0;
	v2 =	vmul.f32 v3, v55  }
0x25b: {  	v3 =	vadd.f32 $1.000000000e+00, v8;
	v1 =	vsub.f32 v62, v1;
	v4 =	vmul.f32 v4, v17  }
0x25c: {  	v63 =	vadd.f32 $1.000000000e+00, v9;
	v2 =	vmul.f32 v2, v18  }
0x25d: {  	v0 =	vadd.f32 v1, v0;
	v1 =	vsub.f32 v3, v4  }
.Ltmp4:
0x25e: {  	v2 =	vsub.f32 v63, v2;
	(pc) =	sbr.rel @p0 .LBB2_8-.Ltmp4, $4  }
0x25f: {  	v23 =	vld [tilespmem:$0x1FFE0];
	v0 =	vadd.f32 v1, v0  }
0x260: {  	v22 =	vld [tilespmem:$0x1FFF0];
	v1 =	vnsel vm0, $0x0, v2  }
0x261: {  	v21 =	vld [tilespmem:$0x1FFC0];
	v0 =	vadd.f32 v1, v0  }
0x262: {  	v20 =	vld [tilespmem:$0x1FFD0]  }
0x263: {  	s23 =	sshll.u32 s22, $0x9  }
.Ltmp5:
0x264: {  	s23 =	sand.u32 $0x3FFFFE00, s23;
	(pc) =	sbr.rel .LBB2_2-.Ltmp5, $4  }
0x265: {  	v16 =	vld [tilespmem:$0x1FF80];
	s24 =	sadd.s32 $0x300, s23  }
0x266: {  	v17 =	vld [tilespmem:$0x1FF90];
	[tilespmem:s14], [sflag:$0x2] =	stream.indirect.gather [hbm4b:s1+s9], $0x80, s24, s9, $0xb8  }
0x267: {  	[tilespmem:$0x1FE70] =	vst v0;
	s22 =	sadd.s32 $0x1, s22;
	v18 =	vld [tilespmem:$0x1FFA0];
	s23 =	sadd.s32 $0x380, s23  }
0x268: {  	v19 =	vld [tilespmem:$0x1FFB0];
	[tilespmem:s16], [sflag:$0x2] =	stream.indirect.gather [hbm4b:s1+s9], $0x80, s23, s9, $0xb8  }
.LBB2_9:
0x269: {  	_ =	sfence.sel $0x180000  }
0x26a: {  	[bflag:$0x0] =	sbarrier.arrive $0xFFFF  }
0x26b: {  	p0 =	sne.s32 s2, $0x0;
	_ =	strace $0x90000047  }
0x26c: {  	s0 =	sadd.s32 @!p0 $0x100000, s0;
	[bflag:$0x2] =	sbarrier.arrive $0xFFFF  }
0x26d: {  	[sflag:s0] =	ssyncadd.tile.s32 @!p0 $0x1;
	_ =	shalt  }
.Lfunc_end2:
_tile_overlayer_lowered:
.L_overlay_start_2:
0x26e: {  	(tag) =	ssettag $0x2  }
0x26f: {  	s0 =	rddreg [dreg:$0x0];
	s2 =	stileid.u32  }
0x270: {  	s1 =	rddreg [dreg:$0x1];
	p0 =	sne.s32 s2, $0x0  }
0x271: {  	s3 =	rddreg [dreg:$0x2];
	[bflag:$0x3] =	sbarrier.arrive $0xFFFF;
	s2 =	simm.s32 @!p0 $0x1C03  }
0x272: {  	[timem:s3], [sflag:s2] =	dma.local @!p0 [hbm:s0], s1  }
0x273: {  	s0 =	simm.s32 @!p0 $0x3  }
0x274: {  	_ =	swait.ge @!p0 [sflag:s0], s1  }
0x275: {  	s1 =	ssub.s32 @!p0 $0x0, s1;
	[sflag:s0] =	ssyncset.done @!p0 $0x0  }
0x276: {  	[sflag:s0] =	ssyncadd.s32 @!p0 s1  }
0x277: {  	[bflag:$0x3] =	sbarrier.arrive $0xFFFF  }
0x278: {  	_ =	shalt  }

</sc_bundles>
